<compile_context>
chip_gen: v7x
topology: tpu7x:2x2x1
jax: 0.10.2.dev20260603
libtpu: 0.0.44.dev20260713+nightly
codegen_flags: <defaults>
</compile_context>

<pallas_src>
import functools

import jax
import jax.numpy as jnp
from jax import lax
from jax.experimental import pallas as pl
from jax.experimental.pallas import tpu as pltpu
from jax.experimental.pallas import tpu_sc as plsc

_WLOG = 11
_W = 1 << _WLOG
_NBUF = 2
_CAP = 1024
_XCH = 64


def _fused_call(idx, dbt, tail_t, n_full):
    B, = idx.shape
    D, V = dbt.shape
    Dt, T = tail_t.shape
    info = plsc.get_sparse_core_info()
    NC, NS, L = info.num_cores, info.num_subcores, info.num_lanes
    NW = NC * NS
    max_j = -(-n_full // NW)
    n_scan = B // L

    mesh = plsc.VectorSubcoreMesh(core_axis_name="c", subcore_axis_name="s")

    @functools.partial(
        pl.kernel,
        mesh=mesh,
        compiler_params=pltpu.CompilerParams(needs_layout_passes=False),
        out_type=jax.ShapeDtypeStruct((B, 128), jnp.float32),
        scratch_types=[
            pltpu.VMEM((B // 2,), jnp.int32),
            pltpu.VMEM((_CAP + L,), jnp.int32),
            pltpu.VMEM((_CAP + L,), jnp.int32),
            pltpu.VMEM((_NBUF, D, _W), jnp.float32),
            pltpu.VMEM((_CAP // 8, 128), jnp.float32),
            pltpu.VMEM((Dt, T), jnp.float32),
            pltpu.VMEM((2, _XCH, 128), jnp.float32),
            pltpu.SemaphoreType.DMA((_NBUF,)),
            pltpu.SemaphoreType.DMA((2,)),
            pltpu.SemaphoreType.DMA,
        ],
    )
    def k(idx_hbm, dbt_hbm, tail_hbm, out_hbm, idx_v, lidx, lpos, wbuf,
          ostage, tail_v, xbuf, wsem, xsem, sem):
        wid = lax.axis_index("s") * NC + lax.axis_index("c")

        for u in range(_NBUF):
            pltpu.async_copy(
                dbt_hbm.at[:, pl.ds((wid + u * NW) * _W, _W)],
                wbuf.at[u], wsem.at[u])
        pltpu.async_copy(tail_hbm, tail_v, sem).wait()

        def init_pos(t, _):
            lpos[pl.ds(t * L, L)] = jnp.full((L,), -1, jnp.int32)
            return _

        lax.fori_loop(0, (_CAP + L) // L, init_pos, 0)

        cnt = jnp.zeros((L,), jnp.int32)
        for half in range(2):
            pltpu.async_copy(
                idx_hbm.at[pl.ds(half * (B // 2), B // 2)], idx_v, sem
            ).wait()

            def scan(t, c, half=half):
                idxs = idx_v[pl.ds(t * L, L)]
                k_of = lax.shift_right_logical(idxs, _WLOG)
                m = (k_of & (NW - 1)) == wid
                mi = m.astype(jnp.int32)
                slot = c + plsc.cumsum(mi) - 1
                plsc.store_scatter(lidx, [slot], idxs, mask=m)
                b_vec = (lax.iota(jnp.int32, L) + (half * (B // 2) + t * L))
                plsc.store_scatter(lpos, [slot], b_vec, mask=m)
                return jnp.minimum(
                    c + plsc.all_reduce_population_count(m), _CAP)

            cnt = lax.fori_loop(0, n_scan // 2, scan, cnt)
        n_hit = jnp.max(cnt)
        n_vreg = lax.shift_right_logical(n_hit + (L - 1), 4)

        def do_window(j, par):
            kw = wid + j * NW

            @pl.when(kw < n_full)
            def _process():
                pltpu.make_async_copy(
                    dbt_hbm.at[:, pl.ds(0, _W)], wbuf.at[0], wsem.at[par]
                ).wait()

                def rescan(t, _):
                    idxs = lidx[pl.ds(t * L, L)]
                    in_rng = (lax.iota(jnp.int32, L) + t * L) < n_hit
                    m = ((lax.shift_right_logical(idxs, _WLOG) == kw)
                         & in_rng)

                    @pl.when(jnp.any(m))
                    def _extract():
                        off = idxs & (_W - 1)
                        p_vec = lax.iota(jnp.int32, L) + t * L
                        prow = lax.shift_right_logical(p_vec, 3)
                        pcol = (p_vec & 7) << 4
                        for d in range(D):
                            vals = plsc.load_gather(
                                wbuf, [jnp.full((L,), par, jnp.int32),
                                       jnp.full((L,), d, jnp.int32), off],
                                mask=m)
                            plsc.store_scatter(
                                ostage, [prow, pcol + d], vals, mask=m)

                    return _

                lax.fori_loop(0, n_vreg, rescan, 0)

                kn = kw + _NBUF * NW

                @pl.when(kn < n_full)
                def _refill():
                    pltpu.async_copy(
                        dbt_hbm.at[:, pl.ds(kn * _W, _W)],
                        wbuf.at[par], wsem.at[par])

        def window_group(g, _):
            for u in range(_NBUF):
                do_window(g * _NBUF + u, u)
            return _

        lax.fori_loop(0, -(-max_j // _NBUF), window_group, 0)

        tail0 = n_full * _W

        def tail_rescan(t, _):
            idxs = lidx[pl.ds(t * L, L)]
            in_rng = (lax.iota(jnp.int32, L) + t * L) < n_hit
            m = (lax.shift_right_logical(idxs, _WLOG) == n_full) & in_rng

            @pl.when(jnp.any(m))
            def _extract():
                off = idxs - tail0
                p_vec = lax.iota(jnp.int32, L) + t * L
                prow = lax.shift_right_logical(p_vec, 3)
                pcol = (p_vec & 7) << 4
                for d in range(D):
                    vals = plsc.load_gather(
                        tail_v, [jnp.full((L,), d, jnp.int32), off], mask=m)
                    plsc.store_scatter(ostage, [prow, pcol + d], vals, mask=m)

            return _

        lax.fori_loop(0, n_vreg, tail_rescan, 0)

        n_chunk = _CAP // _XCH
        pending = {}
        for c in range(n_chunk):
            u = c & 1
            if u in pending:
                pending.pop(u).wait()

            def expand(r, _, c=c, u=u):
                g = c * _XCH + r
                xbuf[u, r, pl.ds(0, D)] = ostage[
                    lax.shift_right_logical(g, 3), pl.ds((g & 7) * D, D)]
                return _

            lax.fori_loop(0, _XCH, expand, 0)
            pending[u] = pltpu.async_copy(
                xbuf.at[u],
                out_hbm.at[plsc.Indices(lpos.at[pl.ds(c * _XCH, _XCH)],
                                        ignored_value=-1)],
                xsem.at[u],
            )
        for cp in pending.values():
            cp.wait()

    return k(idx, dbt, tail_t)


def kernel(idx, db):
    V, D = db.shape
    n_full = V // _W
    tail0 = n_full * _W
    dbt = db.T
    padded = _fused_call(idx.astype(jnp.int32), dbt, dbt[:, tail0:], n_full)
    return padded[:, :D]

# --- scband reference (transcript-rebuilt; emitter-appended) ---
"""Pipeline reference for scband-emotion-database-8211977470259 (READ-ONLY COPY).

The authoritative reference and input builder live on the scoring server;
editing this copy changes nothing except your own understanding.
"""

import jax, jax.numpy as jnp
import numpy as np

LEN_DATASET = 1000000
N_LATENT = 16
BATCH = 16384

def setup_inputs(seed: int = 0) -> dict:
    key = jax.random.key(seed)
    k_idx, k_db = jax.random.split(key)
    idx = jax.random.randint(k_idx, (BATCH,), 0, LEN_DATASET, dtype=jnp.int64 if jax.config.jax_enable_x64 else jnp.int32)
    db = jax.random.normal(k_db, (LEN_DATASET, N_LATENT), dtype=jnp.float32)
    return {"idx": idx, "db": db}

def reference(idx, db):
    # Faithful translation of EmotionDatabase.forward: self.db[idx]
    return jnp.take(db, idx, axis=0)

if __name__ == "__main__":
    import jax
    _d = setup_inputs()
    print(jax.jit(kernel)(*tuple(_d.values())))

</pallas_src>

<mosaic_0001>
#map = affine_map<(d0, d1) -> (0)>
#map1 = affine_map<(d0, d1) -> (0, 0)>
module attributes {stable_mosaic.version = 14 : i64} {
  func.func @k(%arg0: i32, %arg1: i32, %arg2: memref<16384xi32, #tpu.memory_space<hbm>>, %arg3: memref<16x1000000xf32, #tpu.memory_space<hbm>>, %arg4: memref<16x576xf32, #tpu.memory_space<hbm>>, %arg5: memref<16384x128xf32, #tpu.memory_space<hbm>>, %arg6: memref<8192xi32, #tpu.memory_space<vmem>>, %arg7: memref<1040xi32, #tpu.memory_space<vmem>>, %arg8: memref<1040xi32, #tpu.memory_space<vmem>>, %arg9: memref<2x16x2048xf32, #tpu.memory_space<vmem>>, %arg10: memref<128x128xf32, #tpu.memory_space<vmem>>, %arg11: memref<16x576xf32, #tpu.memory_space<vmem>>, %arg12: memref<2x64x128xf32, #tpu.memory_space<vmem>>, %arg13: memref<2x!tpu.dma_semaphore, #tpu.memory_space<semaphore_mem>>, %arg14: memref<2x!tpu.dma_semaphore, #tpu.memory_space<semaphore_mem>>, %arg15: memref<!tpu.dma_semaphore, #tpu.memory_space<semaphore_mem>>) attributes {dimension_semantics = [#tpu.dimension_semantics<core_parallel>, #tpu.dimension_semantics<subcore_parallel>], iteration_bounds = array<i64: 2, 16>, scalar_prefetch = 0 : i64, scratch_operands = 10 : i64, tpu.core_type = #tpu.core_type<sc_vector_subcore>, window_params = [{transform_indices = #map}, {transform_indices = #map1}, {transform_indices = #map1}, {transform_indices = #map1}]} {
    %mul3A = arith.constant 2 : i32
    %mul3A_0 = arith.muli %arg1, %mul3A : i32
    %add3A = arith.addi %mul3A_0, %arg0 : i32
    %add3A_1 = arith.constant 0 : i32
    %add3A_2 = arith.addi %add3A, %add3A_1 : i32
    %mul3A_3 = arith.constant 2048 : i32
    %mul3A_4 = arith.muli %add3A_2, %mul3A_3 : i32
    %dma_start3A = arith.constant 0 : i32
    %dma_start3A_5 = arith.constant 0 : i32
    %dma_start3A_6 = arith.constant 0 : i32
    %dma_start3A_7 = arith.constant 0 : i32
    %dma_start3A_8 = tpu.memref_slice %arg9[%dma_start3A, %dma_start3A_6, %dma_start3A_7] : memref<2x16x2048xf32, #tpu.memory_space<vmem>> -> memref<1x16x2048xf32, #tpu.memory_space<vmem>>
    %dma_start3A_9 = tpu.memref_squeeze %dma_start3A_8 : memref<1x16x2048xf32, #tpu.memory_space<vmem>> -> memref<16x2048xf32, #tpu.memory_space<vmem>>
    %dma_start3A_10 = arith.constant 0 : i32
    %dma_start3A_11 = tpu.memref_slice %arg3[%dma_start3A_10, %mul3A_4] : memref<16x1000000xf32, #tpu.memory_space<hbm>> -> memref<16x2048xf32, #tpu.memory_space<hbm>>
    %dma_start3A_12 = tpu.memref_slice %arg13[%dma_start3A_5] : memref<2x!tpu.dma_semaphore, #tpu.memory_space<semaphore_mem>> -> memref<1x!tpu.dma_semaphore, #tpu.memory_space<semaphore_mem>>
    %dma_start3A_13 = tpu.memref_squeeze %dma_start3A_12 : memref<1x!tpu.dma_semaphore, #tpu.memory_space<semaphore_mem>> -> memref<!tpu.dma_semaphore, #tpu.memory_space<semaphore_mem>>
    %dma_start3A_14 = arith.constant 0 : i32
    %dma_start3A_15 = arith.constant 0 : i32
    %dma_start3A_16 = tpu.memref_slice %arg9[%dma_start3A, %dma_start3A_14, %dma_start3A_15] : memref<2x16x2048xf32, #tpu.memory_space<vmem>> -> memref<1x16x2048xf32, #tpu.memory_space<vmem>>
    %dma_start3A_17 = tpu.memref_squeeze %dma_start3A_16 : memref<1x16x2048xf32, #tpu.memory_space<vmem>> -> memref<16x2048xf32, #tpu.memory_space<vmem>>
    %dma_start3A_18 = arith.constant 0 : i32
    %dma_start3A_19 = tpu.memref_slice %arg3[%dma_start3A_18, %mul3A_4] : memref<16x1000000xf32, #tpu.memory_space<hbm>> -> memref<16x2048xf32, #tpu.memory_space<hbm>>
    tpu.enqueue_dma source(%dma_start3A_19 : memref<16x2048xf32, #tpu.memory_space<hbm>>) target(%dma_start3A_17 : memref<16x2048xf32, #tpu.memory_space<vmem>>) target_semaphore(%dma_start3A_13 : memref<!tpu.dma_semaphore, #tpu.memory_space<semaphore_mem>>)
    %add3A_20 = arith.constant 32 : i32
    %add3A_21 = arith.addi %add3A, %add3A_20 : i32
    %mul3A_22 = arith.constant 2048 : i32
    %mul3A_23 = arith.muli %add3A_21, %mul3A_22 : i32
    %dma_start3A_24 = arith.constant 1 : i32
    %dma_start3A_25 = arith.constant 1 : i32
    %dma_start3A_26 = arith.constant 0 : i32
    %dma_start3A_27 = arith.constant 0 : i32
    %dma_start3A_28 = tpu.memref_slice %arg9[%dma_start3A_24, %dma_start3A_26, %dma_start3A_27] : memref<2x16x2048xf32, #tpu.memory_space<vmem>> -> memref<1x16x2048xf32, #tpu.memory_space<vmem>>
    %dma_start3A_29 = tpu.memref_squeeze %dma_start3A_28 : memref<1x16x2048xf32, #tpu.memory_space<vmem>> -> memref<16x2048xf32, #tpu.memory_space<vmem>>
    %dma_start3A_30 = arith.constant 0 : i32
    %dma_start3A_31 = tpu.memref_slice %arg3[%dma_start3A_30, %mul3A_23] : memref<16x1000000xf32, #tpu.memory_space<hbm>> -> memref<16x2048xf32, #tpu.memory_space<hbm>>
    %dma_start3A_32 = tpu.memref_slice %arg13[%dma_start3A_25] : memref<2x!tpu.dma_semaphore, #tpu.memory_space<semaphore_mem>> -> memref<1x!tpu.dma_semaphore, #tpu.memory_space<semaphore_mem>>
    %dma_start3A_33 = tpu.memref_squeeze %dma_start3A_32 : memref<1x!tpu.dma_semaphore, #tpu.memory_space<semaphore_mem>> -> memref<!tpu.dma_semaphore, #tpu.memory_space<semaphore_mem>>
    %dma_start3A_34 = arith.constant 0 : i32
    %dma_start3A_35 = arith.constant 0 : i32
    %dma_start3A_36 = tpu.memref_slice %arg9[%dma_start3A_24, %dma_start3A_34, %dma_start3A_35] : memref<2x16x2048xf32, #tpu.memory_space<vmem>> -> memref<1x16x2048xf32, #tpu.memory_space<vmem>>
    %dma_start3A_37 = tpu.memref_squeeze %dma_start3A_36 : memref<1x16x2048xf32, #tpu.memory_space<vmem>> -> memref<16x2048xf32, #tpu.memory_space<vmem>>
    %dma_start3A_38 = arith.constant 0 : i32
    %dma_start3A_39 = tpu.memref_slice %arg3[%dma_start3A_38, %mul3A_23] : memref<16x1000000xf32, #tpu.memory_space<hbm>> -> memref<16x2048xf32, #tpu.memory_space<hbm>>
    tpu.enqueue_dma source(%dma_start3A_39 : memref<16x2048xf32, #tpu.memory_space<hbm>>) target(%dma_start3A_37 : memref<16x2048xf32, #tpu.memory_space<vmem>>) target_semaphore(%dma_start3A_33 : memref<!tpu.dma_semaphore, #tpu.memory_space<semaphore_mem>>)
    tpu.enqueue_dma source(%arg4 : memref<16x576xf32, #tpu.memory_space<hbm>>) target(%arg11 : memref<16x576xf32, #tpu.memory_space<vmem>>) target_semaphore(%arg15 : memref<!tpu.dma_semaphore, #tpu.memory_space<semaphore_mem>>)
    tpu.wait_dma2 semaphore(%arg15 : memref<!tpu.dma_semaphore, #tpu.memory_space<semaphore_mem>>) src(%arg4 : memref<16x576xf32, #tpu.memory_space<hbm>>) dst(%arg11 : memref<16x576xf32, #tpu.memory_space<vmem>>)
    %scan3A = arith.constant 0 : i32
    %scan3A_40 = arith.constant 0 : i32
    %scan3A_41 = arith.constant 65 : i32
    %scan3A_42 = arith.addi %scan3A_40, %scan3A_41 : i32
    %scan3A_43 = arith.constant 1 : i32
    scf.for %scan3A_626 = %scan3A_40 to %scan3A_42 step %scan3A_43  : i32 {
      %broadcast_in_dim3A_627 = arith.constant -1 : i32
      %broadcast_in_dim3A_628 = vector.broadcast %broadcast_in_dim3A_627 : i32 to vector<16xi32>
      %mul3A_629 = arith.constant 16 : i32
      %mul3A_630 = arith.muli %scan3A_626, %mul3A_629 : i32
      %swap3A = arith.index_cast %mul3A_630 : i32 to index
      %swap3A_631 = tpu.vector_load %arg8[%swap3A] {strides = array<i32>} : memref<1040xi32, #tpu.memory_space<vmem>>, vector<16xi32>,
      tpu.vector_store %arg8[%swap3A], %broadcast_in_dim3A_628 {strides = array<i32>} : memref<1040xi32, #tpu.memory_space<vmem>>, vector<16xi32>,
    }
    %scan3A_44 = arith.constant 65 : i32
    %broadcast_in_dim3A = arith.constant 0 : i32
    %broadcast_in_dim3A_45 = vector.broadcast %broadcast_in_dim3A : i32 to vector<16xi32>
    %dma_start3A_46 = arith.constant 0 : i32
    %dma_start3A_47 = tpu.memref_slice %arg2[%dma_start3A_46] : memref<16384xi32, #tpu.memory_space<hbm>> -> memref<8192xi32, #tpu.memory_space<hbm>>
    %dma_start3A_48 = arith.constant 0 : i32
    %dma_start3A_49 = tpu.memref_slice %arg2[%dma_start3A_48] : memref<16384xi32, #tpu.memory_space<hbm>> -> memref<8192xi32, #tpu.memory_space<hbm>>
    tpu.enqueue_dma source(%dma_start3A_49 : memref<8192xi32, #tpu.memory_space<hbm>>) target(%arg6 : memref<8192xi32, #tpu.memory_space<vmem>>) target_semaphore(%arg15 : memref<!tpu.dma_semaphore, #tpu.memory_space<semaphore_mem>>)
    %dma_wait3A = arith.constant 0 : i32
    %dma_wait3A_50 = tpu.memref_slice %arg2[%dma_wait3A] : memref<16384xi32, #tpu.memory_space<hbm>> -> memref<8192xi32, #tpu.memory_space<hbm>>
    %dma_wait3A_51 = arith.constant 0 : i32
    %dma_wait3A_52 = tpu.memref_slice %arg2[%dma_wait3A_51] : memref<16384xi32, #tpu.memory_space<hbm>> -> memref<8192xi32, #tpu.memory_space<hbm>>
    tpu.wait_dma2 semaphore(%arg15 : memref<!tpu.dma_semaphore, #tpu.memory_space<semaphore_mem>>) src(%dma_wait3A_52 : memref<8192xi32, #tpu.memory_space<hbm>>) dst(%arg6 : memref<8192xi32, #tpu.memory_space<vmem>>)
    %scan3A_53 = arith.constant 0 : i32
    %scan3A_54 = arith.constant 512 : i32
    %scan3A_55 = arith.addi %scan3A_53, %scan3A_54 : i32
    %scan3A_56 = arith.constant 1 : i32
    %scan3A_57 = scf.for %scan3A_626 = %scan3A_53 to %scan3A_55 step %scan3A_56 iter_args(%scan3A_627 = %broadcast_in_dim3A_45) -> (vector<16xi32>)  : i32 {
      %mul3A_628 = arith.constant 16 : i32
      %mul3A_629 = arith.muli %scan3A_626, %mul3A_628 : i32
      %get3A = arith.index_cast %mul3A_629 : i32 to index
      %get3A_630 = tpu.vector_load %arg6[%get3A] {strides = array<i32>} : memref<8192xi32, #tpu.memory_space<vmem>>, vector<16xi32>,
      %shift_right_logical3A_631 = arith.constant 11 : i32
      %shift_right_logical3A_632 = vector.broadcast %shift_right_logical3A_631 : i32 to vector<16xi32>
      %shift_right_logical3A_633 = arith.shrui %get3A_630, %shift_right_logical3A_632 : vector<16xi32>
      %and3A = arith.constant 31 : i32
      %and3A_634 = vector.broadcast %and3A : i32 to vector<16xi32>
      %and3A_635 = arith.andi %shift_right_logical3A_633, %and3A_634 : vector<16xi32>
      %eq3A = vector.broadcast %add3A : i32 to vector<16xi32>
      %eq3A_636 = arith.cmpi eq, %and3A_635, %eq3A : vector<16xi32>
      %convert_element_type3A = arith.extui %eq3A_636 : vector<16xi1> to vector<16xi32>
      %broadcast_in_dim3A_637 = arith.constant true
      %broadcast_in_dim3A_638 = vector.broadcast %broadcast_in_dim3A_637 : i1 to vector<16xi1>
      %masked_cumsum3A = tpu.scan <sum>, %convert_element_type3A masked %broadcast_in_dim3A_638 : vector<16xi32>, vector<16xi1> -> vector<16xi32>
      %add3A_639 = arith.addi %scan3A_627, %masked_cumsum3A : vector<16xi32>
      %sub3A = arith.constant 1 : i32
      %sub3A_640 = vector.broadcast %sub3A : i32 to vector<16xi32>
      %sub3A_641 = arith.subi %add3A_639, %sub3A_640 : vector<16xi32>
      tpu.vector_store_idx %arg7[%sub3A_641], %get3A_630 masked %eq3A_636 : memref<1040xi32, #tpu.memory_space<vmem>>[vector<16xi32>], vector<16xi32>, vector<16xi1>
      %iota3A = tpu.iota {dimensions = array<i32: 0>} : vector<16xi32>
      %mul3A_642 = arith.constant 16 : i32
      %mul3A_643 = arith.muli %scan3A_626, %mul3A_642 : i32
      %add3A_644 = arith.constant 0 : i32
      %add3A_645 = arith.addi %add3A_644, %mul3A_643 : i32
      %add3A_646 = vector.broadcast %add3A_645 : i32 to vector<16xi32>
      %add3A_647 = arith.addi %iota3A, %add3A_646 : vector<16xi32>
      tpu.vector_store_idx %arg8[%sub3A_641], %add3A_647 masked %eq3A_636 : memref<1040xi32, #tpu.memory_space<vmem>>[vector<16xi32>], vector<16xi32>, vector<16xi1>
      %all_reduce_population_count3A = tpu.all_reduce %eq3A_636 {dim = 0 : i64, kind = #tpu.reduction_kind<sum>} : vector<16xi1> -> vector<16xi32>
      %add3A_648 = arith.addi %scan3A_627, %all_reduce_population_count3A : vector<16xi32>
      %min3A = arith.constant 1024 : i32
      %min3A_649 = vector.broadcast %min3A : i32 to vector<16xi32>
      %min3A_650 = arith.minsi %add3A_648, %min3A_649 : vector<16xi32>
      scf.yield %min3A_650 : vector<16xi32>
    }
    %scan3A_58 = arith.constant 512 : i32
    %dma_start3A_59 = arith.constant 8192 : i32
    %dma_start3A_60 = tpu.memref_slice %arg2[%dma_start3A_59] : memref<16384xi32, #tpu.memory_space<hbm>> -> memref<8192xi32, #tpu.memory_space<hbm>>
    %dma_start3A_61 = arith.constant 8192 : i32
    %dma_start3A_62 = tpu.memref_slice %arg2[%dma_start3A_61] : memref<16384xi32, #tpu.memory_space<hbm>> -> memref<8192xi32, #tpu.memory_space<hbm>>
    tpu.enqueue_dma source(%dma_start3A_62 : memref<8192xi32, #tpu.memory_space<hbm>>) target(%arg6 : memref<8192xi32, #tpu.memory_space<vmem>>) target_semaphore(%arg15 : memref<!tpu.dma_semaphore, #tpu.memory_space<semaphore_mem>>)
    %dma_wait3A_63 = arith.constant 8192 : i32
    %dma_wait3A_64 = tpu.memref_slice %arg2[%dma_wait3A_63] : memref<16384xi32, #tpu.memory_space<hbm>> -> memref<8192xi32, #tpu.memory_space<hbm>>
    %dma_wait3A_65 = arith.constant 8192 : i32
    %dma_wait3A_66 = tpu.memref_slice %arg2[%dma_wait3A_65] : memref<16384xi32, #tpu.memory_space<hbm>> -> memref<8192xi32, #tpu.memory_space<hbm>>
    tpu.wait_dma2 semaphore(%arg15 : memref<!tpu.dma_semaphore, #tpu.memory_space<semaphore_mem>>) src(%dma_wait3A_66 : memref<8192xi32, #tpu.memory_space<hbm>>) dst(%arg6 : memref<8192xi32, #tpu.memory_space<vmem>>)
    %scan3A_67 = arith.constant 0 : i32
    %scan3A_68 = arith.constant 512 : i32
    %scan3A_69 = arith.addi %scan3A_67, %scan3A_68 : i32
    %scan3A_70 = arith.constant 1 : i32
    %scan3A_71 = scf.for %scan3A_626 = %scan3A_67 to %scan3A_69 step %scan3A_70 iter_args(%scan3A_627 = %scan3A_57) -> (vector<16xi32>)  : i32 {
      %mul3A_628 = arith.constant 16 : i32
      %mul3A_629 = arith.muli %scan3A_626, %mul3A_628 : i32
      %get3A = arith.index_cast %mul3A_629 : i32 to index
      %get3A_630 = tpu.vector_load %arg6[%get3A] {strides = array<i32>} : memref<8192xi32, #tpu.memory_space<vmem>>, vector<16xi32>,
      %shift_right_logical3A_631 = arith.constant 11 : i32
      %shift_right_logical3A_632 = vector.broadcast %shift_right_logical3A_631 : i32 to vector<16xi32>
      %shift_right_logical3A_633 = arith.shrui %get3A_630, %shift_right_logical3A_632 : vector<16xi32>
      %and3A = arith.constant 31 : i32
      %and3A_634 = vector.broadcast %and3A : i32 to vector<16xi32>
      %and3A_635 = arith.andi %shift_right_logical3A_633, %and3A_634 : vector<16xi32>
      %eq3A = vector.broadcast %add3A : i32 to vector<16xi32>
      %eq3A_636 = arith.cmpi eq, %and3A_635, %eq3A : vector<16xi32>
      %convert_element_type3A = arith.extui %eq3A_636 : vector<16xi1> to vector<16xi32>
      %broadcast_in_dim3A_637 = arith.constant true
      %broadcast_in_dim3A_638 = vector.broadcast %broadcast_in_dim3A_637 : i1 to vector<16xi1>
      %masked_cumsum3A = tpu.scan <sum>, %convert_element_type3A masked %broadcast_in_dim3A_638 : vector<16xi32>, vector<16xi1> -> vector<16xi32>
      %add3A_639 = arith.addi %scan3A_627, %masked_cumsum3A : vector<16xi32>
      %sub3A = arith.constant 1 : i32
      %sub3A_640 = vector.broadcast %sub3A : i32 to vector<16xi32>
      %sub3A_641 = arith.subi %add3A_639, %sub3A_640 : vector<16xi32>
      tpu.vector_store_idx %arg7[%sub3A_641], %get3A_630 masked %eq3A_636 : memref<1040xi32, #tpu.memory_space<vmem>>[vector<16xi32>], vector<16xi32>, vector<16xi1>
      %iota3A = tpu.iota {dimensions = array<i32: 0>} : vector<16xi32>
      %mul3A_642 = arith.constant 16 : i32
      %mul3A_643 = arith.muli %scan3A_626, %mul3A_642 : i32
      %add3A_644 = arith.constant 8192 : i32
      %add3A_645 = arith.addi %add3A_644, %mul3A_643 : i32
      %add3A_646 = vector.broadcast %add3A_645 : i32 to vector<16xi32>
      %add3A_647 = arith.addi %iota3A, %add3A_646 : vector<16xi32>
      tpu.vector_store_idx %arg8[%sub3A_641], %add3A_647 masked %eq3A_636 : memref<1040xi32, #tpu.memory_space<vmem>>[vector<16xi32>], vector<16xi32>, vector<16xi1>
      %all_reduce_population_count3A = tpu.all_reduce %eq3A_636 {dim = 0 : i64, kind = #tpu.reduction_kind<sum>} : vector<16xi1> -> vector<16xi32>
      %add3A_648 = arith.addi %scan3A_627, %all_reduce_population_count3A : vector<16xi32>
      %min3A = arith.constant 1024 : i32
      %min3A_649 = vector.broadcast %min3A : i32 to vector<16xi32>
      %min3A_650 = arith.minsi %add3A_648, %min3A_649 : vector<16xi32>
      scf.yield %min3A_650 : vector<16xi32>
    }
    %scan3A_72 = arith.constant 512 : i32
    %reduce_max3A = arith.constant true
    %reduce_max3A_73 = vector.broadcast %reduce_max3A : i1 to vector<16xi1>
    %reduce_max3A_74 = arith.constant -2147483648 : i32
    %reduce_max3A_75 = vector.broadcast %reduce_max3A_74 : i32 to vector<16xi32>
    %reduce_max3A_76 = arith.xori %scan3A_71, %reduce_max3A_75 : vector<16xi32>
    %reduce_max3A_77 = tpu.scan <max>, %reduce_max3A_76 masked %reduce_max3A_73 : vector<16xi32>, vector<16xi1> -> vector<16xi32>
    %reduce_max3A_78 = arith.xori %reduce_max3A_77, %reduce_max3A_75 : vector<16xi32>
    %reduce_max3A_79 = vector.extract %reduce_max3A_78[15] : i32 from vector<16xi32>
    %add3A_80 = arith.constant 15 : i32
    %add3A_81 = arith.addi %reduce_max3A_79, %add3A_80 : i32
    %shift_right_logical3A = arith.constant 4 : i32
    %shift_right_logical3A_82 = arith.shrui %add3A_81, %shift_right_logical3A : i32
    %scan3A_83 = arith.constant 0 : i32
    %scan3A_84 = arith.constant 0 : i32
    %scan3A_85 = arith.constant 8 : i32
    %scan3A_86 = arith.addi %scan3A_84, %scan3A_85 : i32
    %scan3A_87 = arith.constant 1 : i32
    scf.for %scan3A_626 = %scan3A_84 to %scan3A_86 step %scan3A_87  : i32 {
      %mul3A_627 = arith.constant 2 : i32
      %mul3A_628 = arith.muli %scan3A_626, %mul3A_627 : i32
      %add3A_629 = arith.constant 0 : i32
      %add3A_630 = arith.addi %mul3A_628, %add3A_629 : i32
      %mul3A_631 = arith.constant 32 : i32
      %mul3A_632 = arith.muli %add3A_630, %mul3A_631 : i32
      %add3A_633 = arith.addi %add3A, %mul3A_632 : i32
      %lt3A = arith.constant 488 : i32
      %lt3A_634 = arith.cmpi slt, %add3A_633, %lt3A : i32
      %convert_element_type3A = arith.extui %lt3A_634 : i1 to i32
      %cond3A = arith.constant 0 : i32
      %cond3A_635 = arith.cmpi ne, %convert_element_type3A, %cond3A : i32
      scf.if %cond3A_635 {
        %dma_wait3A_648 = arith.constant 0 : i32
        %dma_wait3A_649 = arith.constant 0 : i32
        %dma_wait3A_650 = arith.constant 0 : i32
        %dma_wait3A_651 = arith.constant 0 : i32
        %dma_wait3A_652 = tpu.memref_slice %arg9[%dma_wait3A_648, %dma_wait3A_650, %dma_wait3A_651] : memref<2x16x2048xf32, #tpu.memory_space<vmem>> -> memref<1x16x2048xf32, #tpu.memory_space<vmem>>
        %dma_wait3A_653 = tpu.memref_squeeze %dma_wait3A_652 : memref<1x16x2048xf32, #tpu.memory_space<vmem>> -> memref<16x2048xf32, #tpu.memory_space<vmem>>
        %dma_wait3A_654 = arith.constant 0 : i32
        %dma_wait3A_655 = arith.constant 0 : i32
        %dma_wait3A_656 = tpu.memref_slice %arg3[%dma_wait3A_654, %dma_wait3A_655] : memref<16x1000000xf32, #tpu.memory_space<hbm>> -> memref<16x2048xf32, #tpu.memory_space<hbm>>
        %dma_wait3A_657 = tpu.memref_slice %arg13[%dma_wait3A_649] : memref<2x!tpu.dma_semaphore, #tpu.memory_space<semaphore_mem>> -> memref<1x!tpu.dma_semaphore, #tpu.memory_space<semaphore_mem>>
        %dma_wait3A_658 = tpu.memref_squeeze %dma_wait3A_657 : memref<1x!tpu.dma_semaphore, #tpu.memory_space<semaphore_mem>> -> memref<!tpu.dma_semaphore, #tpu.memory_space<semaphore_mem>>
        %dma_wait3A_659 = arith.constant 0 : i32
        %dma_wait3A_660 = arith.constant 0 : i32
        %dma_wait3A_661 = tpu.memref_slice %arg9[%dma_wait3A_648, %dma_wait3A_659, %dma_wait3A_660] : memref<2x16x2048xf32, #tpu.memory_space<vmem>> -> memref<1x16x2048xf32, #tpu.memory_space<vmem>>
        %dma_wait3A_662 = tpu.memref_squeeze %dma_wait3A_661 : memref<1x16x2048xf32, #tpu.memory_space<vmem>> -> memref<16x2048xf32, #tpu.memory_space<vmem>>
        %dma_wait3A_663 = arith.constant 0 : i32
        %dma_wait3A_664 = arith.constant 0 : i32
        %dma_wait3A_665 = tpu.memref_slice %arg3[%dma_wait3A_663, %dma_wait3A_664] : memref<16x1000000xf32, #tpu.memory_space<hbm>> -> memref<16x2048xf32, #tpu.memory_space<hbm>>
        tpu.wait_dma2 semaphore(%dma_wait3A_658 : memref<!tpu.dma_semaphore, #tpu.memory_space<semaphore_mem>>) src(%dma_wait3A_665 : memref<16x2048xf32, #tpu.memory_space<hbm>>) dst(%dma_wait3A_662 : memref<16x2048xf32, #tpu.memory_space<vmem>>)
        %while3A_666 = arith.constant 0 : i32
        %while3A_667 = arith.constant 0 : i32
        %while3A_668 = arith.subi %shift_right_logical3A_82, %while3A_667 : i32
        %while3A_669 = arith.addi %while3A_667, %while3A_668 : i32
        %while3A_670 = arith.constant 1 : i32
        %while3A_671 = arith.divsi %while3A_668, %while3A_670 : i32
        %while3A_672 = arith.muli %while3A_671, %while3A_670 : i32
        %while3A_673 = arith.addi %while3A_667, %while3A_672 : i32
        %while3A_674 = arith.constant 1 : i32
        scf.for %while3A_683 = %while3A_667 to %while3A_673 step %while3A_674  : i32 {
          %mul3A_684 = arith.constant 16 : i32
          %mul3A_685 = arith.muli %while3A_683, %mul3A_684 : i32
          %get3A = arith.index_cast %mul3A_685 : i32 to index
          %get3A_686 = tpu.vector_load %arg7[%get3A] {strides = array<i32>} : memref<1040xi32, #tpu.memory_space<vmem>>, vector<16xi32>,
          %iota3A = tpu.iota {dimensions = array<i32: 0>} : vector<16xi32>
          %mul3A_687 = arith.constant 16 : i32
          %mul3A_688 = arith.muli %while3A_683, %mul3A_687 : i32
          %add3A_689 = vector.broadcast %mul3A_688 : i32 to vector<16xi32>
          %add3A_690 = arith.addi %iota3A, %add3A_689 : vector<16xi32>
          %lt3A_691 = vector.broadcast %reduce_max3A_79 : i32 to vector<16xi32>
          %lt3A_692 = arith.cmpi slt, %add3A_690, %lt3A_691 : vector<16xi32>
          %shift_right_logical3A_693 = arith.constant 11 : i32
          %shift_right_logical3A_694 = vector.broadcast %shift_right_logical3A_693 : i32 to vector<16xi32>
          %shift_right_logical3A_695 = arith.shrui %get3A_686, %shift_right_logical3A_694 : vector<16xi32>
          %eq3A = vector.broadcast %add3A_633 : i32 to vector<16xi32>
          %eq3A_696 = arith.cmpi eq, %shift_right_logical3A_695, %eq3A : vector<16xi32>
          %and3A = arith.andi %eq3A_696, %lt3A_692 : vector<16xi1>
          %reduce_or3A = arith.constant 1.000000e+00 : f32
          %reduce_or3A_697 = arith.constant 0.000000e+00 : f32
          %reduce_or3A_698 = vector.broadcast %reduce_or3A : f32 to vector<16xf32>
          %reduce_or3A_699 = vector.broadcast %reduce_or3A_697 : f32 to vector<16xf32>
          %reduce_or3A_700 = arith.select %and3A, %reduce_or3A_698, %reduce_or3A_699 : vector<16xi1>, vector<16xf32>
          %reduce_or3A_701 = arith.constant true
          %reduce_or3A_702 = vector.broadcast %reduce_or3A_701 : i1 to vector<16xi1>
          %reduce_or3A_703 = tpu.scan <max>, %reduce_or3A_700 masked %reduce_or3A_702 : vector<16xf32>, vector<16xi1> -> vector<16xf32>
          %reduce_or3A_704 = vector.extract %reduce_or3A_703[15] : f32 from vector<16xf32>
          %reduce_or3A_705 = arith.constant 0.000000e+00 : f32
          %reduce_or3A_706 = arith.cmpf ogt, %reduce_or3A_704, %reduce_or3A_705 : f32
          %convert_element_type3A_707 = arith.extui %reduce_or3A_706 : i1 to i32
          %cond3A_708 = arith.constant 0 : i32
          %cond3A_709 = arith.cmpi ne, %convert_element_type3A_707, %cond3A_708 : i32
          scf.if %cond3A_709 {
            %and3A_710 = arith.constant 2047 : i32
            %and3A_711 = vector.broadcast %and3A_710 : i32 to vector<16xi32>
            %and3A_712 = arith.andi %get3A_686, %and3A_711 : vector<16xi32>
            %iota3A_713 = tpu.iota {dimensions = array<i32: 0>} : vector<16xi32>
            %mul3A_714 = arith.constant 16 : i32
            %mul3A_715 = arith.muli %while3A_683, %mul3A_714 : i32
            %add3A_716 = vector.broadcast %mul3A_715 : i32 to vector<16xi32>
            %add3A_717 = arith.addi %iota3A_713, %add3A_716 : vector<16xi32>
            %shift_right_logical3A_718 = arith.constant 3 : i32
            %shift_right_logical3A_719 = vector.broadcast %shift_right_logical3A_718 : i32 to vector<16xi32>
            %shift_right_logical3A_720 = arith.shrui %add3A_717, %shift_right_logical3A_719 : vector<16xi32>
            %and3A_721 = arith.constant 7 : i32
            %and3A_722 = vector.broadcast %and3A_721 : i32 to vector<16xi32>
            %and3A_723 = arith.andi %add3A_717, %and3A_722 : vector<16xi32>
            %shift_left3A = arith.constant 4 : i32
            %shift_left3A_724 = vector.broadcast %shift_left3A : i32 to vector<16xi32>
            %shift_left3A_725 = arith.shli %and3A_723, %shift_left3A_724 : vector<16xi32>
            %broadcast_in_dim3A_726 = arith.constant 0 : i32
            %broadcast_in_dim3A_727 = vector.broadcast %broadcast_in_dim3A_726 : i32 to vector<16xi32>
            %broadcast_in_dim3A_728 = arith.constant 0 : i32
            %broadcast_in_dim3A_729 = vector.broadcast %broadcast_in_dim3A_728 : i32 to vector<16xi32>
            %gather3A = tpu.vector_load_idx %arg9[%broadcast_in_dim3A_727, %broadcast_in_dim3A_729, %and3A_712] masked %and3A : memref<2x16x2048xf32, #tpu.memory_space<vmem>>[vector<16xi32>, vector<16xi32>, vector<16xi32>], vector<16xf32>, vector<16xi1>
            %add3A_730 = arith.constant 0 : i32
            %add3A_731 = vector.broadcast %add3A_730 : i32 to vector<16xi32>
            %add3A_732 = arith.addi %shift_left3A_725, %add3A_731 : vector<16xi32>
            tpu.vector_store_idx %arg10[%shift_right_logical3A_720, %add3A_732], %gather3A masked %and3A : memref<128x128xf32, #tpu.memory_space<vmem>>[vector<16xi32>, vector<16xi32>], vector<16xf32>, vector<16xi1>
            %broadcast_in_dim3A_733 = arith.constant 0 : i32
            %broadcast_in_dim3A_734 = vector.broadcast %broadcast_in_dim3A_733 : i32 to vector<16xi32>
            %broadcast_in_dim3A_735 = arith.constant 1 : i32
            %broadcast_in_dim3A_736 = vector.broadcast %broadcast_in_dim3A_735 : i32 to vector<16xi32>
            %gather3A_737 = tpu.vector_load_idx %arg9[%broadcast_in_dim3A_734, %broadcast_in_dim3A_736, %and3A_712] masked %and3A : memref<2x16x2048xf32, #tpu.memory_space<vmem>>[vector<16xi32>, vector<16xi32>, vector<16xi32>], vector<16xf32>, vector<16xi1>
            %add3A_738 = arith.constant 1 : i32
            %add3A_739 = vector.broadcast %add3A_738 : i32 to vector<16xi32>
            %add3A_740 = arith.addi %shift_left3A_725, %add3A_739 : vector<16xi32>
            tpu.vector_store_idx %arg10[%shift_right_logical3A_720, %add3A_740], %gather3A_737 masked %and3A : memref<128x128xf32, #tpu.memory_space<vmem>>[vector<16xi32>, vector<16xi32>], vector<16xf32>, vector<16xi1>
            %broadcast_in_dim3A_741 = arith.constant 0 : i32
            %broadcast_in_dim3A_742 = vector.broadcast %broadcast_in_dim3A_741 : i32 to vector<16xi32>
            %broadcast_in_dim3A_743 = arith.constant 2 : i32
            %broadcast_in_dim3A_744 = vector.broadcast %broadcast_in_dim3A_743 : i32 to vector<16xi32>
            %gather3A_745 = tpu.vector_load_idx %arg9[%broadcast_in_dim3A_742, %broadcast_in_dim3A_744, %and3A_712] masked %and3A : memref<2x16x2048xf32, #tpu.memory_space<vmem>>[vector<16xi32>, vector<16xi32>, vector<16xi32>], vector<16xf32>, vector<16xi1>
            %add3A_746 = arith.constant 2 : i32
            %add3A_747 = vector.broadcast %add3A_746 : i32 to vector<16xi32>
            %add3A_748 = arith.addi %shift_left3A_725, %add3A_747 : vector<16xi32>
            tpu.vector_store_idx %arg10[%shift_right_logical3A_720, %add3A_748], %gather3A_745 masked %and3A : memref<128x128xf32, #tpu.memory_space<vmem>>[vector<16xi32>, vector<16xi32>], vector<16xf32>, vector<16xi1>
            %broadcast_in_dim3A_749 = arith.constant 0 : i32
            %broadcast_in_dim3A_750 = vector.broadcast %broadcast_in_dim3A_749 : i32 to vector<16xi32>
            %broadcast_in_dim3A_751 = arith.constant 3 : i32
            %broadcast_in_dim3A_752 = vector.broadcast %broadcast_in_dim3A_751 : i32 to vector<16xi32>
            %gather3A_753 = tpu.vector_load_idx %arg9[%broadcast_in_dim3A_750, %broadcast_in_dim3A_752, %and3A_712] masked %and3A : memref<2x16x2048xf32, #tpu.memory_space<vmem>>[vector<16xi32>, vector<16xi32>, vector<16xi32>], vector<16xf32>, vector<16xi1>
            %add3A_754 = arith.constant 3 : i32
            %add3A_755 = vector.broadcast %add3A_754 : i32 to vector<16xi32>
            %add3A_756 = arith.addi %shift_left3A_725, %add3A_755 : vector<16xi32>
            tpu.vector_store_idx %arg10[%shift_right_logical3A_720, %add3A_756], %gather3A_753 masked %and3A : memref<128x128xf32, #tpu.memory_space<vmem>>[vector<16xi32>, vector<16xi32>], vector<16xf32>, vector<16xi1>
            %broadcast_in_dim3A_757 = arith.constant 0 : i32
            %broadcast_in_dim3A_758 = vector.broadcast %broadcast_in_dim3A_757 : i32 to vector<16xi32>
            %broadcast_in_dim3A_759 = arith.constant 4 : i32
            %broadcast_in_dim3A_760 = vector.broadcast %broadcast_in_dim3A_759 : i32 to vector<16xi32>
            %gather3A_761 = tpu.vector_load_idx %arg9[%broadcast_in_dim3A_758, %broadcast_in_dim3A_760, %and3A_712] masked %and3A : memref<2x16x2048xf32, #tpu.memory_space<vmem>>[vector<16xi32>, vector<16xi32>, vector<16xi32>], vector<16xf32>, vector<16xi1>
            %add3A_762 = arith.constant 4 : i32
            %add3A_763 = vector.broadcast %add3A_762 : i32 to vector<16xi32>
            %add3A_764 = arith.addi %shift_left3A_725, %add3A_763 : vector<16xi32>
            tpu.vector_store_idx %arg10[%shift_right_logical3A_720, %add3A_764], %gather3A_761 masked %and3A : memref<128x128xf32, #tpu.memory_space<vmem>>[vector<16xi32>, vector<16xi32>], vector<16xf32>, vector<16xi1>
            %broadcast_in_dim3A_765 = arith.constant 0 : i32
            %broadcast_in_dim3A_766 = vector.broadcast %broadcast_in_dim3A_765 : i32 to vector<16xi32>
            %broadcast_in_dim3A_767 = arith.constant 5 : i32
            %broadcast_in_dim3A_768 = vector.broadcast %broadcast_in_dim3A_767 : i32 to vector<16xi32>
            %gather3A_769 = tpu.vector_load_idx %arg9[%broadcast_in_dim3A_766, %broadcast_in_dim3A_768, %and3A_712] masked %and3A : memref<2x16x2048xf32, #tpu.memory_space<vmem>>[vector<16xi32>, vector<16xi32>, vector<16xi32>], vector<16xf32>, vector<16xi1>
            %add3A_770 = arith.constant 5 : i32
            %add3A_771 = vector.broadcast %add3A_770 : i32 to vector<16xi32>
            %add3A_772 = arith.addi %shift_left3A_725, %add3A_771 : vector<16xi32>
            tpu.vector_store_idx %arg10[%shift_right_logical3A_720, %add3A_772], %gather3A_769 masked %and3A : memref<128x128xf32, #tpu.memory_space<vmem>>[vector<16xi32>, vector<16xi32>], vector<16xf32>, vector<16xi1>
            %broadcast_in_dim3A_773 = arith.constant 0 : i32
            %broadcast_in_dim3A_774 = vector.broadcast %broadcast_in_dim3A_773 : i32 to vector<16xi32>
            %broadcast_in_dim3A_775 = arith.constant 6 : i32
            %broadcast_in_dim3A_776 = vector.broadcast %broadcast_in_dim3A_775 : i32 to vector<16xi32>
            %gather3A_777 = tpu.vector_load_idx %arg9[%broadcast_in_dim3A_774, %broadcast_in_dim3A_776, %and3A_712] masked %and3A : memref<2x16x2048xf32, #tpu.memory_space<vmem>>[vector<16xi32>, vector<16xi32>, vector<16xi32>], vector<16xf32>, vector<16xi1>
            %add3A_778 = arith.constant 6 : i32
            %add3A_779 = vector.broadcast %add3A_778 : i32 to vector<16xi32>
            %add3A_780 = arith.addi %shift_left3A_725, %add3A_779 : vector<16xi32>
            tpu.vector_store_idx %arg10[%shift_right_logical3A_720, %add3A_780], %gather3A_777 masked %and3A : memref<128x128xf32, #tpu.memory_space<vmem>>[vector<16xi32>, vector<16xi32>], vector<16xf32>, vector<16xi1>
            %broadcast_in_dim3A_781 = arith.constant 0 : i32
            %broadcast_in_dim3A_782 = vector.broadcast %broadcast_in_dim3A_781 : i32 to vector<16xi32>
            %broadcast_in_dim3A_783 = arith.constant 7 : i32
            %broadcast_in_dim3A_784 = vector.broadcast %broadcast_in_dim3A_783 : i32 to vector<16xi32>
            %gather3A_785 = tpu.vector_load_idx %arg9[%broadcast_in_dim3A_782, %broadcast_in_dim3A_784, %and3A_712] masked %and3A : memref<2x16x2048xf32, #tpu.memory_space<vmem>>[vector<16xi32>, vector<16xi32>, vector<16xi32>], vector<16xf32>, vector<16xi1>
            %add3A_786 = arith.constant 7 : i32
            %add3A_787 = vector.broadcast %add3A_786 : i32 to vector<16xi32>
            %add3A_788 = arith.addi %shift_left3A_725, %add3A_787 : vector<16xi32>
            tpu.vector_store_idx %arg10[%shift_right_logical3A_720, %add3A_788], %gather3A_785 masked %and3A : memref<128x128xf32, #tpu.memory_space<vmem>>[vector<16xi32>, vector<16xi32>], vector<16xf32>, vector<16xi1>
            %broadcast_in_dim3A_789 = arith.constant 0 : i32
            %broadcast_in_dim3A_790 = vector.broadcast %broadcast_in_dim3A_789 : i32 to vector<16xi32>
            %broadcast_in_dim3A_791 = arith.constant 8 : i32
            %broadcast_in_dim3A_792 = vector.broadcast %broadcast_in_dim3A_791 : i32 to vector<16xi32>
            %gather3A_793 = tpu.vector_load_idx %arg9[%broadcast_in_dim3A_790, %broadcast_in_dim3A_792, %and3A_712] masked %and3A : memref<2x16x2048xf32, #tpu.memory_space<vmem>>[vector<16xi32>, vector<16xi32>, vector<16xi32>], vector<16xf32>, vector<16xi1>
            %add3A_794 = arith.constant 8 : i32
            %add3A_795 = vector.broadcast %add3A_794 : i32 to vector<16xi32>
            %add3A_796 = arith.addi %shift_left3A_725, %add3A_795 : vector<16xi32>
            tpu.vector_store_idx %arg10[%shift_right_logical3A_720, %add3A_796], %gather3A_793 masked %and3A : memref<128x128xf32, #tpu.memory_space<vmem>>[vector<16xi32>, vector<16xi32>], vector<16xf32>, vector<16xi1>
            %broadcast_in_dim3A_797 = arith.constant 0 : i32
            %broadcast_in_dim3A_798 = vector.broadcast %broadcast_in_dim3A_797 : i32 to vector<16xi32>
            %broadcast_in_dim3A_799 = arith.constant 9 : i32
            %broadcast_in_dim3A_800 = vector.broadcast %broadcast_in_dim3A_799 : i32 to vector<16xi32>
            %gather3A_801 = tpu.vector_load_idx %arg9[%broadcast_in_dim3A_798, %broadcast_in_dim3A_800, %and3A_712] masked %and3A : memref<2x16x2048xf32, #tpu.memory_space<vmem>>[vector<16xi32>, vector<16xi32>, vector<16xi32>], vector<16xf32>, vector<16xi1>
            %add3A_802 = arith.constant 9 : i32
            %add3A_803 = vector.broadcast %add3A_802 : i32 to vector<16xi32>
            %add3A_804 = arith.addi %shift_left3A_725, %add3A_803 : vector<16xi32>
            tpu.vector_store_idx %arg10[%shift_right_logical3A_720, %add3A_804], %gather3A_801 masked %and3A : memref<128x128xf32, #tpu.memory_space<vmem>>[vector<16xi32>, vector<16xi32>], vector<16xf32>, vector<16xi1>
            %broadcast_in_dim3A_805 = arith.constant 0 : i32
            %broadcast_in_dim3A_806 = vector.broadcast %broadcast_in_dim3A_805 : i32 to vector<16xi32>
            %broadcast_in_dim3A_807 = arith.constant 10 : i32
            %broadcast_in_dim3A_808 = vector.broadcast %broadcast_in_dim3A_807 : i32 to vector<16xi32>
            %gather3A_809 = tpu.vector_load_idx %arg9[%broadcast_in_dim3A_806, %broadcast_in_dim3A_808, %and3A_712] masked %and3A : memref<2x16x2048xf32, #tpu.memory_space<vmem>>[vector<16xi32>, vector<16xi32>, vector<16xi32>], vector<16xf32>, vector<16xi1>
            %add3A_810 = arith.constant 10 : i32
            %add3A_811 = vector.broadcast %add3A_810 : i32 to vector<16xi32>
            %add3A_812 = arith.addi %shift_left3A_725, %add3A_811 : vector<16xi32>
            tpu.vector_store_idx %arg10[%shift_right_logical3A_720, %add3A_812], %gather3A_809 masked %and3A : memref<128x128xf32, #tpu.memory_space<vmem>>[vector<16xi32>, vector<16xi32>], vector<16xf32>, vector<16xi1>
            %broadcast_in_dim3A_813 = arith.constant 0 : i32
            %broadcast_in_dim3A_814 = vector.broadcast %broadcast_in_dim3A_813 : i32 to vector<16xi32>
            %broadcast_in_dim3A_815 = arith.constant 11 : i32
            %broadcast_in_dim3A_816 = vector.broadcast %broadcast_in_dim3A_815 : i32 to vector<16xi32>
            %gather3A_817 = tpu.vector_load_idx %arg9[%broadcast_in_dim3A_814, %broadcast_in_dim3A_816, %and3A_712] masked %and3A : memref<2x16x2048xf32, #tpu.memory_space<vmem>>[vector<16xi32>, vector<16xi32>, vector<16xi32>], vector<16xf32>, vector<16xi1>
            %add3A_818 = arith.constant 11 : i32
            %add3A_819 = vector.broadcast %add3A_818 : i32 to vector<16xi32>
            %add3A_820 = arith.addi %shift_left3A_725, %add3A_819 : vector<16xi32>
            tpu.vector_store_idx %arg10[%shift_right_logical3A_720, %add3A_820], %gather3A_817 masked %and3A : memref<128x128xf32, #tpu.memory_space<vmem>>[vector<16xi32>, vector<16xi32>], vector<16xf32>, vector<16xi1>
            %broadcast_in_dim3A_821 = arith.constant 0 : i32
            %broadcast_in_dim3A_822 = vector.broadcast %broadcast_in_dim3A_821 : i32 to vector<16xi32>
            %broadcast_in_dim3A_823 = arith.constant 12 : i32
            %broadcast_in_dim3A_824 = vector.broadcast %broadcast_in_dim3A_823 : i32 to vector<16xi32>
            %gather3A_825 = tpu.vector_load_idx %arg9[%broadcast_in_dim3A_822, %broadcast_in_dim3A_824, %and3A_712] masked %and3A : memref<2x16x2048xf32, #tpu.memory_space<vmem>>[vector<16xi32>, vector<16xi32>, vector<16xi32>], vector<16xf32>, vector<16xi1>
            %add3A_826 = arith.constant 12 : i32
            %add3A_827 = vector.broadcast %add3A_826 : i32 to vector<16xi32>
            %add3A_828 = arith.addi %shift_left3A_725, %add3A_827 : vector<16xi32>
            tpu.vector_store_idx %arg10[%shift_right_logical3A_720, %add3A_828], %gather3A_825 masked %and3A : memref<128x128xf32, #tpu.memory_space<vmem>>[vector<16xi32>, vector<16xi32>], vector<16xf32>, vector<16xi1>
            %broadcast_in_dim3A_829 = arith.constant 0 : i32
            %broadcast_in_dim3A_830 = vector.broadcast %broadcast_in_dim3A_829 : i32 to vector<16xi32>
            %broadcast_in_dim3A_831 = arith.constant 13 : i32
            %broadcast_in_dim3A_832 = vector.broadcast %broadcast_in_dim3A_831 : i32 to vector<16xi32>
            %gather3A_833 = tpu.vector_load_idx %arg9[%broadcast_in_dim3A_830, %broadcast_in_dim3A_832, %and3A_712] masked %and3A : memref<2x16x2048xf32, #tpu.memory_space<vmem>>[vector<16xi32>, vector<16xi32>, vector<16xi32>], vector<16xf32>, vector<16xi1>
            %add3A_834 = arith.constant 13 : i32
            %add3A_835 = vector.broadcast %add3A_834 : i32 to vector<16xi32>
            %add3A_836 = arith.addi %shift_left3A_725, %add3A_835 : vector<16xi32>
            tpu.vector_store_idx %arg10[%shift_right_logical3A_720, %add3A_836], %gather3A_833 masked %and3A : memref<128x128xf32, #tpu.memory_space<vmem>>[vector<16xi32>, vector<16xi32>], vector<16xf32>, vector<16xi1>
            %broadcast_in_dim3A_837 = arith.constant 0 : i32
            %broadcast_in_dim3A_838 = vector.broadcast %broadcast_in_dim3A_837 : i32 to vector<16xi32>
            %broadcast_in_dim3A_839 = arith.constant 14 : i32
            %broadcast_in_dim3A_840 = vector.broadcast %broadcast_in_dim3A_839 : i32 to vector<16xi32>
            %gather3A_841 = tpu.vector_load_idx %arg9[%broadcast_in_dim3A_838, %broadcast_in_dim3A_840, %and3A_712] masked %and3A : memref<2x16x2048xf32, #tpu.memory_space<vmem>>[vector<16xi32>, vector<16xi32>, vector<16xi32>], vector<16xf32>, vector<16xi1>
            %add3A_842 = arith.constant 14 : i32
            %add3A_843 = vector.broadcast %add3A_842 : i32 to vector<16xi32>
            %add3A_844 = arith.addi %shift_left3A_725, %add3A_843 : vector<16xi32>
            tpu.vector_store_idx %arg10[%shift_right_logical3A_720, %add3A_844], %gather3A_841 masked %and3A : memref<128x128xf32, #tpu.memory_space<vmem>>[vector<16xi32>, vector<16xi32>], vector<16xf32>, vector<16xi1>
            %broadcast_in_dim3A_845 = arith.constant 0 : i32
            %broadcast_in_dim3A_846 = vector.broadcast %broadcast_in_dim3A_845 : i32 to vector<16xi32>
            %broadcast_in_dim3A_847 = arith.constant 15 : i32
            %broadcast_in_dim3A_848 = vector.broadcast %broadcast_in_dim3A_847 : i32 to vector<16xi32>
            %gather3A_849 = tpu.vector_load_idx %arg9[%broadcast_in_dim3A_846, %broadcast_in_dim3A_848, %and3A_712] masked %and3A : memref<2x16x2048xf32, #tpu.memory_space<vmem>>[vector<16xi32>, vector<16xi32>, vector<16xi32>], vector<16xf32>, vector<16xi1>
            %add3A_850 = arith.constant 15 : i32
            %add3A_851 = vector.broadcast %add3A_850 : i32 to vector<16xi32>
            %add3A_852 = arith.addi %shift_left3A_725, %add3A_851 : vector<16xi32>
            tpu.vector_store_idx %arg10[%shift_right_logical3A_720, %add3A_852], %gather3A_849 masked %and3A : memref<128x128xf32, #tpu.memory_space<vmem>>[vector<16xi32>, vector<16xi32>], vector<16xf32>, vector<16xi1>
          } else {
          }
        }
        %while3A_675 = arith.constant 1 : i32
        scf.for %while3A_683 = %while3A_673 to %while3A_669 step %while3A_675  : i32 {
          %mul3A_684 = arith.constant 16 : i32
          %mul3A_685 = arith.muli %while3A_683, %mul3A_684 : i32
          %get3A = arith.index_cast %mul3A_685 : i32 to index
          %get3A_686 = tpu.vector_load %arg7[%get3A] {strides = array<i32>} : memref<1040xi32, #tpu.memory_space<vmem>>, vector<16xi32>,
          %iota3A = tpu.iota {dimensions = array<i32: 0>} : vector<16xi32>
          %mul3A_687 = arith.constant 16 : i32
          %mul3A_688 = arith.muli %while3A_683, %mul3A_687 : i32
          %add3A_689 = vector.broadcast %mul3A_688 : i32 to vector<16xi32>
          %add3A_690 = arith.addi %iota3A, %add3A_689 : vector<16xi32>
          %lt3A_691 = vector.broadcast %reduce_max3A_79 : i32 to vector<16xi32>
          %lt3A_692 = arith.cmpi slt, %add3A_690, %lt3A_691 : vector<16xi32>
          %shift_right_logical3A_693 = arith.constant 11 : i32
          %shift_right_logical3A_694 = vector.broadcast %shift_right_logical3A_693 : i32 to vector<16xi32>
          %shift_right_logical3A_695 = arith.shrui %get3A_686, %shift_right_logical3A_694 : vector<16xi32>
          %eq3A = vector.broadcast %add3A_633 : i32 to vector<16xi32>
          %eq3A_696 = arith.cmpi eq, %shift_right_logical3A_695, %eq3A : vector<16xi32>
          %and3A = arith.andi %eq3A_696, %lt3A_692 : vector<16xi1>
          %reduce_or3A = arith.constant 1.000000e+00 : f32
          %reduce_or3A_697 = arith.constant 0.000000e+00 : f32
          %reduce_or3A_698 = vector.broadcast %reduce_or3A : f32 to vector<16xf32>
          %reduce_or3A_699 = vector.broadcast %reduce_or3A_697 : f32 to vector<16xf32>
          %reduce_or3A_700 = arith.select %and3A, %reduce_or3A_698, %reduce_or3A_699 : vector<16xi1>, vector<16xf32>
          %reduce_or3A_701 = arith.constant true
          %reduce_or3A_702 = vector.broadcast %reduce_or3A_701 : i1 to vector<16xi1>
          %reduce_or3A_703 = tpu.scan <max>, %reduce_or3A_700 masked %reduce_or3A_702 : vector<16xf32>, vector<16xi1> -> vector<16xf32>
          %reduce_or3A_704 = vector.extract %reduce_or3A_703[15] : f32 from vector<16xf32>
          %reduce_or3A_705 = arith.constant 0.000000e+00 : f32
          %reduce_or3A_706 = arith.cmpf ogt, %reduce_or3A_704, %reduce_or3A_705 : f32
          %convert_element_type3A_707 = arith.extui %reduce_or3A_706 : i1 to i32
          %cond3A_708 = arith.constant 0 : i32
          %cond3A_709 = arith.cmpi ne, %convert_element_type3A_707, %cond3A_708 : i32
          scf.if %cond3A_709 {
            %and3A_710 = arith.constant 2047 : i32
            %and3A_711 = vector.broadcast %and3A_710 : i32 to vector<16xi32>
            %and3A_712 = arith.andi %get3A_686, %and3A_711 : vector<16xi32>
            %iota3A_713 = tpu.iota {dimensions = array<i32: 0>} : vector<16xi32>
            %mul3A_714 = arith.constant 16 : i32
            %mul3A_715 = arith.muli %while3A_683, %mul3A_714 : i32
            %add3A_716 = vector.broadcast %mul3A_715 : i32 to vector<16xi32>
            %add3A_717 = arith.addi %iota3A_713, %add3A_716 : vector<16xi32>
            %shift_right_logical3A_718 = arith.constant 3 : i32
            %shift_right_logical3A_719 = vector.broadcast %shift_right_logical3A_718 : i32 to vector<16xi32>
            %shift_right_logical3A_720 = arith.shrui %add3A_717, %shift_right_logical3A_719 : vector<16xi32>
            %and3A_721 = arith.constant 7 : i32
            %and3A_722 = vector.broadcast %and3A_721 : i32 to vector<16xi32>
            %and3A_723 = arith.andi %add3A_717, %and3A_722 : vector<16xi32>
            %shift_left3A = arith.constant 4 : i32
            %shift_left3A_724 = vector.broadcast %shift_left3A : i32 to vector<16xi32>
            %shift_left3A_725 = arith.shli %and3A_723, %shift_left3A_724 : vector<16xi32>
            %broadcast_in_dim3A_726 = arith.constant 0 : i32
            %broadcast_in_dim3A_727 = vector.broadcast %broadcast_in_dim3A_726 : i32 to vector<16xi32>
            %broadcast_in_dim3A_728 = arith.constant 0 : i32
            %broadcast_in_dim3A_729 = vector.broadcast %broadcast_in_dim3A_728 : i32 to vector<16xi32>
            %gather3A = tpu.vector_load_idx %arg9[%broadcast_in_dim3A_727, %broadcast_in_dim3A_729, %and3A_712] masked %and3A : memref<2x16x2048xf32, #tpu.memory_space<vmem>>[vector<16xi32>, vector<16xi32>, vector<16xi32>], vector<16xf32>, vector<16xi1>
            %add3A_730 = arith.constant 0 : i32
            %add3A_731 = vector.broadcast %add3A_730 : i32 to vector<16xi32>
            %add3A_732 = arith.addi %shift_left3A_725, %add3A_731 : vector<16xi32>
            tpu.vector_store_idx %arg10[%shift_right_logical3A_720, %add3A_732], %gather3A masked %and3A : memref<128x128xf32, #tpu.memory_space<vmem>>[vector<16xi32>, vector<16xi32>], vector<16xf32>, vector<16xi1>
            %broadcast_in_dim3A_733 = arith.constant 0 : i32
            %broadcast_in_dim3A_734 = vector.broadcast %broadcast_in_dim3A_733 : i32 to vector<16xi32>
            %broadcast_in_dim3A_735 = arith.constant 1 : i32
            %broadcast_in_dim3A_736 = vector.broadcast %broadcast_in_dim3A_735 : i32 to vector<16xi32>
            %gather3A_737 = tpu.vector_load_idx %arg9[%broadcast_in_dim3A_734, %broadcast_in_dim3A_736, %and3A_712] masked %and3A : memref<2x16x2048xf32, #tpu.memory_space<vmem>>[vector<16xi32>, vector<16xi32>, vector<16xi32>], vector<16xf32>, vector<16xi1>
            %add3A_738 = arith.constant 1 : i32
            %add3A_739 = vector.broadcast %add3A_738 : i32 to vector<16xi32>
            %add3A_740 = arith.addi %shift_left3A_725, %add3A_739 : vector<16xi32>
            tpu.vector_store_idx %arg10[%shift_right_logical3A_720, %add3A_740], %gather3A_737 masked %and3A : memref<128x128xf32, #tpu.memory_space<vmem>>[vector<16xi32>, vector<16xi32>], vector<16xf32>, vector<16xi1>
            %broadcast_in_dim3A_741 = arith.constant 0 : i32
            %broadcast_in_dim3A_742 = vector.broadcast %broadcast_in_dim3A_741 : i32 to vector<16xi32>
            %broadcast_in_dim3A_743 = arith.constant 2 : i32
            %broadcast_in_dim3A_744 = vector.broadcast %broadcast_in_dim3A_743 : i32 to vector<16xi32>
            %gather3A_745 = tpu.vector_load_idx %arg9[%broadcast_in_dim3A_742, %broadcast_in_dim3A_744, %and3A_712] masked %and3A : memref<2x16x2048xf32, #tpu.memory_space<vmem>>[vector<16xi32>, vector<16xi32>, vector<16xi32>], vector<16xf32>, vector<16xi1>
            %add3A_746 = arith.constant 2 : i32
            %add3A_747 = vector.broadcast %add3A_746 : i32 to vector<16xi32>
            %add3A_748 = arith.addi %shift_left3A_725, %add3A_747 : vector<16xi32>
            tpu.vector_store_idx %arg10[%shift_right_logical3A_720, %add3A_748], %gather3A_745 masked %and3A : memref<128x128xf32, #tpu.memory_space<vmem>>[vector<16xi32>, vector<16xi32>], vector<16xf32>, vector<16xi1>
            %broadcast_in_dim3A_749 = arith.constant 0 : i32
            %broadcast_in_dim3A_750 = vector.broadcast %broadcast_in_dim3A_749 : i32 to vector<16xi32>
            %broadcast_in_dim3A_751 = arith.constant 3 : i32
            %broadcast_in_dim3A_752 = vector.broadcast %broadcast_in_dim3A_751 : i32 to vector<16xi32>
            %gather3A_753 = tpu.vector_load_idx %arg9[%broadcast_in_dim3A_750, %broadcast_in_dim3A_752, %and3A_712] masked %and3A : memref<2x16x2048xf32, #tpu.memory_space<vmem>>[vector<16xi32>, vector<16xi32>, vector<16xi32>], vector<16xf32>, vector<16xi1>
            %add3A_754 = arith.constant 3 : i32
            %add3A_755 = vector.broadcast %add3A_754 : i32 to vector<16xi32>
            %add3A_756 = arith.addi %shift_left3A_725, %add3A_755 : vector<16xi32>
            tpu.vector_store_idx %arg10[%shift_right_logical3A_720, %add3A_756], %gather3A_753 masked %and3A : memref<128x128xf32, #tpu.memory_space<vmem>>[vector<16xi32>, vector<16xi32>], vector<16xf32>, vector<16xi1>
            %broadcast_in_dim3A_757 = arith.constant 0 : i32
            %broadcast_in_dim3A_758 = vector.broadcast %broadcast_in_dim3A_757 : i32 to vector<16xi32>
            %broadcast_in_dim3A_759 = arith.constant 4 : i32
            %broadcast_in_dim3A_760 = vector.broadcast %broadcast_in_dim3A_759 : i32 to vector<16xi32>
            %gather3A_761 = tpu.vector_load_idx %arg9[%broadcast_in_dim3A_758, %broadcast_in_dim3A_760, %and3A_712] masked %and3A : memref<2x16x2048xf32, #tpu.memory_space<vmem>>[vector<16xi32>, vector<16xi32>, vector<16xi32>], vector<16xf32>, vector<16xi1>
            %add3A_762 = arith.constant 4 : i32
            %add3A_763 = vector.broadcast %add3A_762 : i32 to vector<16xi32>
            %add3A_764 = arith.addi %shift_left3A_725, %add3A_763 : vector<16xi32>
            tpu.vector_store_idx %arg10[%shift_right_logical3A_720, %add3A_764], %gather3A_761 masked %and3A : memref<128x128xf32, #tpu.memory_space<vmem>>[vector<16xi32>, vector<16xi32>], vector<16xf32>, vector<16xi1>
            %broadcast_in_dim3A_765 = arith.constant 0 : i32
            %broadcast_in_dim3A_766 = vector.broadcast %broadcast_in_dim3A_765 : i32 to vector<16xi32>
            %broadcast_in_dim3A_767 = arith.constant 5 : i32
            %broadcast_in_dim3A_768 = vector.broadcast %broadcast_in_dim3A_767 : i32 to vector<16xi32>
            %gather3A_769 = tpu.vector_load_idx %arg9[%broadcast_in_dim3A_766, %broadcast_in_dim3A_768, %and3A_712] masked %and3A : memref<2x16x2048xf32, #tpu.memory_space<vmem>>[vector<16xi32>, vector<16xi32>, vector<16xi32>], vector<16xf32>, vector<16xi1>
            %add3A_770 = arith.constant 5 : i32
            %add3A_771 = vector.broadcast %add3A_770 : i32 to vector<16xi32>
            %add3A_772 = arith.addi %shift_left3A_725, %add3A_771 : vector<16xi32>
            tpu.vector_store_idx %arg10[%shift_right_logical3A_720, %add3A_772], %gather3A_769 masked %and3A : memref<128x128xf32, #tpu.memory_space<vmem>>[vector<16xi32>, vector<16xi32>], vector<16xf32>, vector<16xi1>
            %broadcast_in_dim3A_773 = arith.constant 0 : i32
            %broadcast_in_dim3A_774 = vector.broadcast %broadcast_in_dim3A_773 : i32 to vector<16xi32>
            %broadcast_in_dim3A_775 = arith.constant 6 : i32
            %broadcast_in_dim3A_776 = vector.broadcast %broadcast_in_dim3A_775 : i32 to vector<16xi32>
            %gather3A_777 = tpu.vector_load_idx %arg9[%broadcast_in_dim3A_774, %broadcast_in_dim3A_776, %and3A_712] masked %and3A : memref<2x16x2048xf32, #tpu.memory_space<vmem>>[vector<16xi32>, vector<16xi32>, vector<16xi32>], vector<16xf32>, vector<16xi1>
            %add3A_778 = arith.constant 6 : i32
            %add3A_779 = vector.broadcast %add3A_778 : i32 to vector<16xi32>
            %add3A_780 = arith.addi %shift_left3A_725, %add3A_779 : vector<16xi32>
            tpu.vector_store_idx %arg10[%shift_right_logical3A_720, %add3A_780], %gather3A_777 masked %and3A : memref<128x128xf32, #tpu.memory_space<vmem>>[vector<16xi32>, vector<16xi32>], vector<16xf32>, vector<16xi1>
            %broadcast_in_dim3A_781 = arith.constant 0 : i32
            %broadcast_in_dim3A_782 = vector.broadcast %broadcast_in_dim3A_781 : i32 to vector<16xi32>
            %broadcast_in_dim3A_783 = arith.constant 7 : i32
            %broadcast_in_dim3A_784 = vector.broadcast %broadcast_in_dim3A_783 : i32 to vector<16xi32>
            %gather3A_785 = tpu.vector_load_idx %arg9[%broadcast_in_dim3A_782, %broadcast_in_dim3A_784, %and3A_712] masked %and3A : memref<2x16x2048xf32, #tpu.memory_space<vmem>>[vector<16xi32>, vector<16xi32>, vector<16xi32>], vector<16xf32>, vector<16xi1>
            %add3A_786 = arith.constant 7 : i32
            %add3A_787 = vector.broadcast %add3A_786 : i32 to vector<16xi32>
            %add3A_788 = arith.addi %shift_left3A_725, %add3A_787 : vector<16xi32>
            tpu.vector_store_idx %arg10[%shift_right_logical3A_720, %add3A_788], %gather3A_785 masked %and3A : memref<128x128xf32, #tpu.memory_space<vmem>>[vector<16xi32>, vector<16xi32>], vector<16xf32>, vector<16xi1>
            %broadcast_in_dim3A_789 = arith.constant 0 : i32
            %broadcast_in_dim3A_790 = vector.broadcast %broadcast_in_dim3A_789 : i32 to vector<16xi32>
            %broadcast_in_dim3A_791 = arith.constant 8 : i32
            %broadcast_in_dim3A_792 = vector.broadcast %broadcast_in_dim3A_791 : i32 to vector<16xi32>
            %gather3A_793 = tpu.vector_load_idx %arg9[%broadcast_in_dim3A_790, %broadcast_in_dim3A_792, %and3A_712] masked %and3A : memref<2x16x2048xf32, #tpu.memory_space<vmem>>[vector<16xi32>, vector<16xi32>, vector<16xi32>], vector<16xf32>, vector<16xi1>
            %add3A_794 = arith.constant 8 : i32
            %add3A_795 = vector.broadcast %add3A_794 : i32 to vector<16xi32>
            %add3A_796 = arith.addi %shift_left3A_725, %add3A_795 : vector<16xi32>
            tpu.vector_store_idx %arg10[%shift_right_logical3A_720, %add3A_796], %gather3A_793 masked %and3A : memref<128x128xf32, #tpu.memory_space<vmem>>[vector<16xi32>, vector<16xi32>], vector<16xf32>, vector<16xi1>
            %broadcast_in_dim3A_797 = arith.constant 0 : i32
            %broadcast_in_dim3A_798 = vector.broadcast %broadcast_in_dim3A_797 : i32 to vector<16xi32>
            %broadcast_in_dim3A_799 = arith.constant 9 : i32
            %broadcast_in_dim3A_800 = vector.broadcast %broadcast_in_dim3A_799 : i32 to vector<16xi32>
            %gather3A_801 = tpu.vector_load_idx %arg9[%broadcast_in_dim3A_798, %broadcast_in_dim3A_800, %and3A_712] masked %and3A : memref<2x16x2048xf32, #tpu.memory_space<vmem>>[vector<16xi32>, vector<16xi32>, vector<16xi32>], vector<16xf32>, vector<16xi1>
            %add3A_802 = arith.constant 9 : i32
            %add3A_803 = vector.broadcast %add3A_802 : i32 to vector<16xi32>
            %add3A_804 = arith.addi %shift_left3A_725, %add3A_803 : vector<16xi32>
            tpu.vector_store_idx %arg10[%shift_right_logical3A_720, %add3A_804], %gather3A_801 masked %and3A : memref<128x128xf32, #tpu.memory_space<vmem>>[vector<16xi32>, vector<16xi32>], vector<16xf32>, vector<16xi1>
            %broadcast_in_dim3A_805 = arith.constant 0 : i32
            %broadcast_in_dim3A_806 = vector.broadcast %broadcast_in_dim3A_805 : i32 to vector<16xi32>
            %broadcast_in_dim3A_807 = arith.constant 10 : i32
            %broadcast_in_dim3A_808 = vector.broadcast %broadcast_in_dim3A_807 : i32 to vector<16xi32>
            %gather3A_809 = tpu.vector_load_idx %arg9[%broadcast_in_dim3A_806, %broadcast_in_dim3A_808, %and3A_712] masked %and3A : memref<2x16x2048xf32, #tpu.memory_space<vmem>>[vector<16xi32>, vector<16xi32>, vector<16xi32>], vector<16xf32>, vector<16xi1>
            %add3A_810 = arith.constant 10 : i32
            %add3A_811 = vector.broadcast %add3A_810 : i32 to vector<16xi32>
            %add3A_812 = arith.addi %shift_left3A_725, %add3A_811 : vector<16xi32>
            tpu.vector_store_idx %arg10[%shift_right_logical3A_720, %add3A_812], %gather3A_809 masked %and3A : memref<128x128xf32, #tpu.memory_space<vmem>>[vector<16xi32>, vector<16xi32>], vector<16xf32>, vector<16xi1>
            %broadcast_in_dim3A_813 = arith.constant 0 : i32
            %broadcast_in_dim3A_814 = vector.broadcast %broadcast_in_dim3A_813 : i32 to vector<16xi32>
            %broadcast_in_dim3A_815 = arith.constant 11 : i32
            %broadcast_in_dim3A_816 = vector.broadcast %broadcast_in_dim3A_815 : i32 to vector<16xi32>
            %gather3A_817 = tpu.vector_load_idx %arg9[%broadcast_in_dim3A_814, %broadcast_in_dim3A_816, %and3A_712] masked %and3A : memref<2x16x2048xf32, #tpu.memory_space<vmem>>[vector<16xi32>, vector<16xi32>, vector<16xi32>], vector<16xf32>, vector<16xi1>
            %add3A_818 = arith.constant 11 : i32
            %add3A_819 = vector.broadcast %add3A_818 : i32 to vector<16xi32>
            %add3A_820 = arith.addi %shift_left3A_725, %add3A_819 : vector<16xi32>
            tpu.vector_store_idx %arg10[%shift_right_logical3A_720, %add3A_820], %gather3A_817 masked %and3A : memref<128x128xf32, #tpu.memory_space<vmem>>[vector<16xi32>, vector<16xi32>], vector<16xf32>, vector<16xi1>
            %broadcast_in_dim3A_821 = arith.constant 0 : i32
            %broadcast_in_dim3A_822 = vector.broadcast %broadcast_in_dim3A_821 : i32 to vector<16xi32>
            %broadcast_in_dim3A_823 = arith.constant 12 : i32
            %broadcast_in_dim3A_824 = vector.broadcast %broadcast_in_dim3A_823 : i32 to vector<16xi32>
            %gather3A_825 = tpu.vector_load_idx %arg9[%broadcast_in_dim3A_822, %broadcast_in_dim3A_824, %and3A_712] masked %and3A : memref<2x16x2048xf32, #tpu.memory_space<vmem>>[vector<16xi32>, vector<16xi32>, vector<16xi32>], vector<16xf32>, vector<16xi1>
            %add3A_826 = arith.constant 12 : i32
            %add3A_827 = vector.broadcast %add3A_826 : i32 to vector<16xi32>
            %add3A_828 = arith.addi %shift_left3A_725, %add3A_827 : vector<16xi32>
            tpu.vector_store_idx %arg10[%shift_right_logical3A_720, %add3A_828], %gather3A_825 masked %and3A : memref<128x128xf32, #tpu.memory_space<vmem>>[vector<16xi32>, vector<16xi32>], vector<16xf32>, vector<16xi1>
            %broadcast_in_dim3A_829 = arith.constant 0 : i32
            %broadcast_in_dim3A_830 = vector.broadcast %broadcast_in_dim3A_829 : i32 to vector<16xi32>
            %broadcast_in_dim3A_831 = arith.constant 13 : i32
            %broadcast_in_dim3A_832 = vector.broadcast %broadcast_in_dim3A_831 : i32 to vector<16xi32>
            %gather3A_833 = tpu.vector_load_idx %arg9[%broadcast_in_dim3A_830, %broadcast_in_dim3A_832, %and3A_712] masked %and3A : memref<2x16x2048xf32, #tpu.memory_space<vmem>>[vector<16xi32>, vector<16xi32>, vector<16xi32>], vector<16xf32>, vector<16xi1>
            %add3A_834 = arith.constant 13 : i32
            %add3A_835 = vector.broadcast %add3A_834 : i32 to vector<16xi32>
            %add3A_836 = arith.addi %shift_left3A_725, %add3A_835 : vector<16xi32>
            tpu.vector_store_idx %arg10[%shift_right_logical3A_720, %add3A_836], %gather3A_833 masked %and3A : memref<128x128xf32, #tpu.memory_space<vmem>>[vector<16xi32>, vector<16xi32>], vector<16xf32>, vector<16xi1>
            %broadcast_in_dim3A_837 = arith.constant 0 : i32
            %broadcast_in_dim3A_838 = vector.broadcast %broadcast_in_dim3A_837 : i32 to vector<16xi32>
            %broadcast_in_dim3A_839 = arith.constant 14 : i32
            %broadcast_in_dim3A_840 = vector.broadcast %broadcast_in_dim3A_839 : i32 to vector<16xi32>
            %gather3A_841 = tpu.vector_load_idx %arg9[%broadcast_in_dim3A_838, %broadcast_in_dim3A_840, %and3A_712] masked %and3A : memref<2x16x2048xf32, #tpu.memory_space<vmem>>[vector<16xi32>, vector<16xi32>, vector<16xi32>], vector<16xf32>, vector<16xi1>
            %add3A_842 = arith.constant 14 : i32
            %add3A_843 = vector.broadcast %add3A_842 : i32 to vector<16xi32>
            %add3A_844 = arith.addi %shift_left3A_725, %add3A_843 : vector<16xi32>
            tpu.vector_store_idx %arg10[%shift_right_logical3A_720, %add3A_844], %gather3A_841 masked %and3A : memref<128x128xf32, #tpu.memory_space<vmem>>[vector<16xi32>, vector<16xi32>], vector<16xf32>, vector<16xi1>
            %broadcast_in_dim3A_845 = arith.constant 0 : i32
            %broadcast_in_dim3A_846 = vector.broadcast %broadcast_in_dim3A_845 : i32 to vector<16xi32>
            %broadcast_in_dim3A_847 = arith.constant 15 : i32
            %broadcast_in_dim3A_848 = vector.broadcast %broadcast_in_dim3A_847 : i32 to vector<16xi32>
            %gather3A_849 = tpu.vector_load_idx %arg9[%broadcast_in_dim3A_846, %broadcast_in_dim3A_848, %and3A_712] masked %and3A : memref<2x16x2048xf32, #tpu.memory_space<vmem>>[vector<16xi32>, vector<16xi32>, vector<16xi32>], vector<16xf32>, vector<16xi1>
            %add3A_850 = arith.constant 15 : i32
            %add3A_851 = vector.broadcast %add3A_850 : i32 to vector<16xi32>
            %add3A_852 = arith.addi %shift_left3A_725, %add3A_851 : vector<16xi32>
            tpu.vector_store_idx %arg10[%shift_right_logical3A_720, %add3A_852], %gather3A_849 masked %and3A : memref<128x128xf32, #tpu.memory_space<vmem>>[vector<16xi32>, vector<16xi32>], vector<16xf32>, vector<16xi1>
          } else {
          }
        }
        %add3A_676 = arith.constant 64 : i32
        %add3A_677 = arith.addi %add3A_633, %add3A_676 : i32
        %lt3A_678 = arith.constant 488 : i32
        %lt3A_679 = arith.cmpi slt, %add3A_677, %lt3A_678 : i32
        %convert_element_type3A_680 = arith.extui %lt3A_679 : i1 to i32
        %cond3A_681 = arith.constant 0 : i32
        %cond3A_682 = arith.cmpi ne, %convert_element_type3A_680, %cond3A_681 : i32
        scf.if %cond3A_682 {
          %mul3A_683 = arith.constant 2048 : i32
          %mul3A_684 = arith.muli %add3A_677, %mul3A_683 : i32
          %dma_start3A_685 = arith.constant 0 : i32
          %dma_start3A_686 = arith.constant 0 : i32
          %dma_start3A_687 = arith.constant 0 : i32
          %dma_start3A_688 = arith.constant 0 : i32
          %dma_start3A_689 = tpu.memref_slice %arg9[%dma_start3A_685, %dma_start3A_687, %dma_start3A_688] : memref<2x16x2048xf32, #tpu.memory_space<vmem>> -> memref<1x16x2048xf32, #tpu.memory_space<vmem>>
          %dma_start3A_690 = tpu.memref_squeeze %dma_start3A_689 : memref<1x16x2048xf32, #tpu.memory_space<vmem>> -> memref<16x2048xf32, #tpu.memory_space<vmem>>
          %dma_start3A_691 = arith.constant 0 : i32
          %dma_start3A_692 = tpu.memref_slice %arg3[%dma_start3A_691, %mul3A_684] : memref<16x1000000xf32, #tpu.memory_space<hbm>> -> memref<16x2048xf32, #tpu.memory_space<hbm>>
          %dma_start3A_693 = tpu.memref_slice %arg13[%dma_start3A_686] : memref<2x!tpu.dma_semaphore, #tpu.memory_space<semaphore_mem>> -> memref<1x!tpu.dma_semaphore, #tpu.memory_space<semaphore_mem>>
          %dma_start3A_694 = tpu.memref_squeeze %dma_start3A_693 : memref<1x!tpu.dma_semaphore, #tpu.memory_space<semaphore_mem>> -> memref<!tpu.dma_semaphore, #tpu.memory_space<semaphore_mem>>
          %dma_start3A_695 = arith.constant 0 : i32
          %dma_start3A_696 = arith.constant 0 : i32
          %dma_start3A_697 = tpu.memref_slice %arg9[%dma_start3A_685, %dma_start3A_695, %dma_start3A_696] : memref<2x16x2048xf32, #tpu.memory_space<vmem>> -> memref<1x16x2048xf32, #tpu.memory_space<vmem>>
          %dma_start3A_698 = tpu.memref_squeeze %dma_start3A_697 : memref<1x16x2048xf32, #tpu.memory_space<vmem>> -> memref<16x2048xf32, #tpu.memory_space<vmem>>
          %dma_start3A_699 = arith.constant 0 : i32
          %dma_start3A_700 = tpu.memref_slice %arg3[%dma_start3A_699, %mul3A_684] : memref<16x1000000xf32, #tpu.memory_space<hbm>> -> memref<16x2048xf32, #tpu.memory_space<hbm>>
          tpu.enqueue_dma source(%dma_start3A_700 : memref<16x2048xf32, #tpu.memory_space<hbm>>) target(%dma_start3A_698 : memref<16x2048xf32, #tpu.memory_space<vmem>>) target_semaphore(%dma_start3A_694 : memref<!tpu.dma_semaphore, #tpu.memory_space<semaphore_mem>>)
        } else {
        }
      } else {
      }
      %mul3A_636 = arith.constant 2 : i32
      %mul3A_637 = arith.muli %scan3A_626, %mul3A_636 : i32
      %add3A_638 = arith.constant 1 : i32
      %add3A_639 = arith.addi %mul3A_637, %add3A_638 : i32
      %mul3A_640 = arith.constant 32 : i32
      %mul3A_641 = arith.muli %add3A_639, %mul3A_640 : i32
      %add3A_642 = arith.addi %add3A, %mul3A_641 : i32
      %lt3A_643 = arith.constant 488 : i32
      %lt3A_644 = arith.cmpi slt, %add3A_642, %lt3A_643 : i32
      %convert_element_type3A_645 = arith.extui %lt3A_644 : i1 to i32
      %cond3A_646 = arith.constant 0 : i32
      %cond3A_647 = arith.cmpi ne, %convert_element_type3A_645, %cond3A_646 : i32
      scf.if %cond3A_647 {
        %dma_wait3A_648 = arith.constant 0 : i32
        %dma_wait3A_649 = arith.constant 1 : i32
        %dma_wait3A_650 = arith.constant 0 : i32
        %dma_wait3A_651 = arith.constant 0 : i32
        %dma_wait3A_652 = tpu.memref_slice %arg9[%dma_wait3A_648, %dma_wait3A_650, %dma_wait3A_651] : memref<2x16x2048xf32, #tpu.memory_space<vmem>> -> memref<1x16x2048xf32, #tpu.memory_space<vmem>>
        %dma_wait3A_653 = tpu.memref_squeeze %dma_wait3A_652 : memref<1x16x2048xf32, #tpu.memory_space<vmem>> -> memref<16x2048xf32, #tpu.memory_space<vmem>>
        %dma_wait3A_654 = arith.constant 0 : i32
        %dma_wait3A_655 = arith.constant 0 : i32
        %dma_wait3A_656 = tpu.memref_slice %arg3[%dma_wait3A_654, %dma_wait3A_655] : memref<16x1000000xf32, #tpu.memory_space<hbm>> -> memref<16x2048xf32, #tpu.memory_space<hbm>>
        %dma_wait3A_657 = tpu.memref_slice %arg13[%dma_wait3A_649] : memref<2x!tpu.dma_semaphore, #tpu.memory_space<semaphore_mem>> -> memref<1x!tpu.dma_semaphore, #tpu.memory_space<semaphore_mem>>
        %dma_wait3A_658 = tpu.memref_squeeze %dma_wait3A_657 : memref<1x!tpu.dma_semaphore, #tpu.memory_space<semaphore_mem>> -> memref<!tpu.dma_semaphore, #tpu.memory_space<semaphore_mem>>
        %dma_wait3A_659 = arith.constant 0 : i32
        %dma_wait3A_660 = arith.constant 0 : i32
        %dma_wait3A_661 = tpu.memref_slice %arg9[%dma_wait3A_648, %dma_wait3A_659, %dma_wait3A_660] : memref<2x16x2048xf32, #tpu.memory_space<vmem>> -> memref<1x16x2048xf32, #tpu.memory_space<vmem>>
        %dma_wait3A_662 = tpu.memref_squeeze %dma_wait3A_661 : memref<1x16x2048xf32, #tpu.memory_space<vmem>> -> memref<16x2048xf32, #tpu.memory_space<vmem>>
        %dma_wait3A_663 = arith.constant 0 : i32
        %dma_wait3A_664 = arith.constant 0 : i32
        %dma_wait3A_665 = tpu.memref_slice %arg3[%dma_wait3A_663, %dma_wait3A_664] : memref<16x1000000xf32, #tpu.memory_space<hbm>> -> memref<16x2048xf32, #tpu.memory_space<hbm>>
        tpu.wait_dma2 semaphore(%dma_wait3A_658 : memref<!tpu.dma_semaphore, #tpu.memory_space<semaphore_mem>>) src(%dma_wait3A_665 : memref<16x2048xf32, #tpu.memory_space<hbm>>) dst(%dma_wait3A_662 : memref<16x2048xf32, #tpu.memory_space<vmem>>)
        %while3A_666 = arith.constant 0 : i32
        %while3A_667 = arith.constant 0 : i32
        %while3A_668 = arith.subi %shift_right_logical3A_82, %while3A_667 : i32
        %while3A_669 = arith.addi %while3A_667, %while3A_668 : i32
        %while3A_670 = arith.constant 1 : i32
        %while3A_671 = arith.divsi %while3A_668, %while3A_670 : i32
        %while3A_672 = arith.muli %while3A_671, %while3A_670 : i32
        %while3A_673 = arith.addi %while3A_667, %while3A_672 : i32
        %while3A_674 = arith.constant 1 : i32
        scf.for %while3A_683 = %while3A_667 to %while3A_673 step %while3A_674  : i32 {
          %mul3A_684 = arith.constant 16 : i32
          %mul3A_685 = arith.muli %while3A_683, %mul3A_684 : i32
          %get3A = arith.index_cast %mul3A_685 : i32 to index
          %get3A_686 = tpu.vector_load %arg7[%get3A] {strides = array<i32>} : memref<1040xi32, #tpu.memory_space<vmem>>, vector<16xi32>,
          %iota3A = tpu.iota {dimensions = array<i32: 0>} : vector<16xi32>
          %mul3A_687 = arith.constant 16 : i32
          %mul3A_688 = arith.muli %while3A_683, %mul3A_687 : i32
          %add3A_689 = vector.broadcast %mul3A_688 : i32 to vector<16xi32>
          %add3A_690 = arith.addi %iota3A, %add3A_689 : vector<16xi32>
          %lt3A_691 = vector.broadcast %reduce_max3A_79 : i32 to vector<16xi32>
          %lt3A_692 = arith.cmpi slt, %add3A_690, %lt3A_691 : vector<16xi32>
          %shift_right_logical3A_693 = arith.constant 11 : i32
          %shift_right_logical3A_694 = vector.broadcast %shift_right_logical3A_693 : i32 to vector<16xi32>
          %shift_right_logical3A_695 = arith.shrui %get3A_686, %shift_right_logical3A_694 : vector<16xi32>
          %eq3A = vector.broadcast %add3A_642 : i32 to vector<16xi32>
          %eq3A_696 = arith.cmpi eq, %shift_right_logical3A_695, %eq3A : vector<16xi32>
          %and3A = arith.andi %eq3A_696, %lt3A_692 : vector<16xi1>
          %reduce_or3A = arith.constant 1.000000e+00 : f32
          %reduce_or3A_697 = arith.constant 0.000000e+00 : f32
          %reduce_or3A_698 = vector.broadcast %reduce_or3A : f32 to vector<16xf32>
          %reduce_or3A_699 = vector.broadcast %reduce_or3A_697 : f32 to vector<16xf32>
          %reduce_or3A_700 = arith.select %and3A, %reduce_or3A_698, %reduce_or3A_699 : vector<16xi1>, vector<16xf32>
          %reduce_or3A_701 = arith.constant true
          %reduce_or3A_702 = vector.broadcast %reduce_or3A_701 : i1 to vector<16xi1>
          %reduce_or3A_703 = tpu.scan <max>, %reduce_or3A_700 masked %reduce_or3A_702 : vector<16xf32>, vector<16xi1> -> vector<16xf32>
          %reduce_or3A_704 = vector.extract %reduce_or3A_703[15] : f32 from vector<16xf32>
          %reduce_or3A_705 = arith.constant 0.000000e+00 : f32
          %reduce_or3A_706 = arith.cmpf ogt, %reduce_or3A_704, %reduce_or3A_705 : f32
          %convert_element_type3A_707 = arith.extui %reduce_or3A_706 : i1 to i32
          %cond3A_708 = arith.constant 0 : i32
          %cond3A_709 = arith.cmpi ne, %convert_element_type3A_707, %cond3A_708 : i32
          scf.if %cond3A_709 {
            %and3A_710 = arith.constant 2047 : i32
            %and3A_711 = vector.broadcast %and3A_710 : i32 to vector<16xi32>
            %and3A_712 = arith.andi %get3A_686, %and3A_711 : vector<16xi32>
            %iota3A_713 = tpu.iota {dimensions = array<i32: 0>} : vector<16xi32>
            %mul3A_714 = arith.constant 16 : i32
            %mul3A_715 = arith.muli %while3A_683, %mul3A_714 : i32
            %add3A_716 = vector.broadcast %mul3A_715 : i32 to vector<16xi32>
            %add3A_717 = arith.addi %iota3A_713, %add3A_716 : vector<16xi32>
            %shift_right_logical3A_718 = arith.constant 3 : i32
            %shift_right_logical3A_719 = vector.broadcast %shift_right_logical3A_718 : i32 to vector<16xi32>
            %shift_right_logical3A_720 = arith.shrui %add3A_717, %shift_right_logical3A_719 : vector<16xi32>
            %and3A_721 = arith.constant 7 : i32
            %and3A_722 = vector.broadcast %and3A_721 : i32 to vector<16xi32>
            %and3A_723 = arith.andi %add3A_717, %and3A_722 : vector<16xi32>
            %shift_left3A = arith.constant 4 : i32
            %shift_left3A_724 = vector.broadcast %shift_left3A : i32 to vector<16xi32>
            %shift_left3A_725 = arith.shli %and3A_723, %shift_left3A_724 : vector<16xi32>
            %broadcast_in_dim3A_726 = arith.constant 1 : i32
            %broadcast_in_dim3A_727 = vector.broadcast %broadcast_in_dim3A_726 : i32 to vector<16xi32>
            %broadcast_in_dim3A_728 = arith.constant 0 : i32
            %broadcast_in_dim3A_729 = vector.broadcast %broadcast_in_dim3A_728 : i32 to vector<16xi32>
            %gather3A = tpu.vector_load_idx %arg9[%broadcast_in_dim3A_727, %broadcast_in_dim3A_729, %and3A_712] masked %and3A : memref<2x16x2048xf32, #tpu.memory_space<vmem>>[vector<16xi32>, vector<16xi32>, vector<16xi32>], vector<16xf32>, vector<16xi1>
            %add3A_730 = arith.constant 0 : i32
            %add3A_731 = vector.broadcast %add3A_730 : i32 to vector<16xi32>
            %add3A_732 = arith.addi %shift_left3A_725, %add3A_731 : vector<16xi32>
            tpu.vector_store_idx %arg10[%shift_right_logical3A_720, %add3A_732], %gather3A masked %and3A : memref<128x128xf32, #tpu.memory_space<vmem>>[vector<16xi32>, vector<16xi32>], vector<16xf32>, vector<16xi1>
            %broadcast_in_dim3A_733 = arith.constant 1 : i32
            %broadcast_in_dim3A_734 = vector.broadcast %broadcast_in_dim3A_733 : i32 to vector<16xi32>
            %broadcast_in_dim3A_735 = arith.constant 1 : i32
            %broadcast_in_dim3A_736 = vector.broadcast %broadcast_in_dim3A_735 : i32 to vector<16xi32>
            %gather3A_737 = tpu.vector_load_idx %arg9[%broadcast_in_dim3A_734, %broadcast_in_dim3A_736, %and3A_712] masked %and3A : memref<2x16x2048xf32, #tpu.memory_space<vmem>>[vector<16xi32>, vector<16xi32>, vector<16xi32>], vector<16xf32>, vector<16xi1>
            %add3A_738 = arith.constant 1 : i32
            %add3A_739 = vector.broadcast %add3A_738 : i32 to vector<16xi32>
            %add3A_740 = arith.addi %shift_left3A_725, %add3A_739 : vector<16xi32>
            tpu.vector_store_idx %arg10[%shift_right_logical3A_720, %add3A_740], %gather3A_737 masked %and3A : memref<128x128xf32, #tpu.memory_space<vmem>>[vector<16xi32>, vector<16xi32>], vector<16xf32>, vector<16xi1>
            %broadcast_in_dim3A_741 = arith.constant 1 : i32
            %broadcast_in_dim3A_742 = vector.broadcast %broadcast_in_dim3A_741 : i32 to vector<16xi32>
            %broadcast_in_dim3A_743 = arith.constant 2 : i32
            %broadcast_in_dim3A_744 = vector.broadcast %broadcast_in_dim3A_743 : i32 to vector<16xi32>
            %gather3A_745 = tpu.vector_load_idx %arg9[%broadcast_in_dim3A_742, %broadcast_in_dim3A_744, %and3A_712] masked %and3A : memref<2x16x2048xf32, #tpu.memory_space<vmem>>[vector<16xi32>, vector<16xi32>, vector<16xi32>], vector<16xf32>, vector<16xi1>
            %add3A_746 = arith.constant 2 : i32
            %add3A_747 = vector.broadcast %add3A_746 : i32 to vector<16xi32>
            %add3A_748 = arith.addi %shift_left3A_725, %add3A_747 : vector<16xi32>
            tpu.vector_store_idx %arg10[%shift_right_logical3A_720, %add3A_748], %gather3A_745 masked %and3A : memref<128x128xf32, #tpu.memory_space<vmem>>[vector<16xi32>, vector<16xi32>], vector<16xf32>, vector<16xi1>
            %broadcast_in_dim3A_749 = arith.constant 1 : i32
            %broadcast_in_dim3A_750 = vector.broadcast %broadcast_in_dim3A_749 : i32 to vector<16xi32>
            %broadcast_in_dim3A_751 = arith.constant 3 : i32
            %broadcast_in_dim3A_752 = vector.broadcast %broadcast_in_dim3A_751 : i32 to vector<16xi32>
            %gather3A_753 = tpu.vector_load_idx %arg9[%broadcast_in_dim3A_750, %broadcast_in_dim3A_752, %and3A_712] masked %and3A : memref<2x16x2048xf32, #tpu.memory_space<vmem>>[vector<16xi32>, vector<16xi32>, vector<16xi32>], vector<16xf32>, vector<16xi1>
            %add3A_754 = arith.constant 3 : i32
            %add3A_755 = vector.broadcast %add3A_754 : i32 to vector<16xi32>
            %add3A_756 = arith.addi %shift_left3A_725, %add3A_755 : vector<16xi32>
            tpu.vector_store_idx %arg10[%shift_right_logical3A_720, %add3A_756], %gather3A_753 masked %and3A : memref<128x128xf32, #tpu.memory_space<vmem>>[vector<16xi32>, vector<16xi32>], vector<16xf32>, vector<16xi1>
            %broadcast_in_dim3A_757 = arith.constant 1 : i32
            %broadcast_in_dim3A_758 = vector.broadcast %broadcast_in_dim3A_757 : i32 to vector<16xi32>
            %broadcast_in_dim3A_759 = arith.constant 4 : i32
            %broadcast_in_dim3A_760 = vector.broadcast %broadcast_in_dim3A_759 : i32 to vector<16xi32>
            %gather3A_761 = tpu.vector_load_idx %arg9[%broadcast_in_dim3A_758, %broadcast_in_dim3A_760, %and3A_712] masked %and3A : memref<2x16x2048xf32, #tpu.memory_space<vmem>>[vector<16xi32>, vector<16xi32>, vector<16xi32>], vector<16xf32>, vector<16xi1>
            %add3A_762 = arith.constant 4 : i32
            %add3A_763 = vector.broadcast %add3A_762 : i32 to vector<16xi32>
            %add3A_764 = arith.addi %shift_left3A_725, %add3A_763 : vector<16xi32>
            tpu.vector_store_idx %arg10[%shift_right_logical3A_720, %add3A_764], %gather3A_761 masked %and3A : memref<128x128xf32, #tpu.memory_space<vmem>>[vector<16xi32>, vector<16xi32>], vector<16xf32>, vector<16xi1>
            %broadcast_in_dim3A_765 = arith.constant 1 : i32
            %broadcast_in_dim3A_766 = vector.broadcast %broadcast_in_dim3A_765 : i32 to vector<16xi32>
            %broadcast_in_dim3A_767 = arith.constant 5 : i32
            %broadcast_in_dim3A_768 = vector.broadcast %broadcast_in_dim3A_767 : i32 to vector<16xi32>
            %gather3A_769 = tpu.vector_load_idx %arg9[%broadcast_in_dim3A_766, %broadcast_in_dim3A_768, %and3A_712] masked %and3A : memref<2x16x2048xf32, #tpu.memory_space<vmem>>[vector<16xi32>, vector<16xi32>, vector<16xi32>], vector<16xf32>, vector<16xi1>
            %add3A_770 = arith.constant 5 : i32
            %add3A_771 = vector.broadcast %add3A_770 : i32 to vector<16xi32>
            %add3A_772 = arith.addi %shift_left3A_725, %add3A_771 : vector<16xi32>
            tpu.vector_store_idx %arg10[%shift_right_logical3A_720, %add3A_772], %gather3A_769 masked %and3A : memref<128x128xf32, #tpu.memory_space<vmem>>[vector<16xi32>, vector<16xi32>], vector<16xf32>, vector<16xi1>
            %broadcast_in_dim3A_773 = arith.constant 1 : i32
            %broadcast_in_dim3A_774 = vector.broadcast %broadcast_in_dim3A_773 : i32 to vector<16xi32>
            %broadcast_in_dim3A_775 = arith.constant 6 : i32
            %broadcast_in_dim3A_776 = vector.broadcast %broadcast_in_dim3A_775 : i32 to vector<16xi32>
            %gather3A_777 = tpu.vector_load_idx %arg9[%broadcast_in_dim3A_774, %broadcast_in_dim3A_776, %and3A_712] masked %and3A : memref<2x16x2048xf32, #tpu.memory_space<vmem>>[vector<16xi32>, vector<16xi32>, vector<16xi32>], vector<16xf32>, vector<16xi1>
            %add3A_778 = arith.constant 6 : i32
            %add3A_779 = vector.broadcast %add3A_778 : i32 to vector<16xi32>
            %add3A_780 = arith.addi %shift_left3A_725, %add3A_779 : vector<16xi32>
            tpu.vector_store_idx %arg10[%shift_right_logical3A_720, %add3A_780], %gather3A_777 masked %and3A : memref<128x128xf32, #tpu.memory_space<vmem>>[vector<16xi32>, vector<16xi32>], vector<16xf32>, vector<16xi1>
            %broadcast_in_dim3A_781 = arith.constant 1 : i32
            %broadcast_in_dim3A_782 = vector.broadcast %broadcast_in_dim3A_781 : i32 to vector<16xi32>
            %broadcast_in_dim3A_783 = arith.constant 7 : i32
            %broadcast_in_dim3A_784 = vector.broadcast %broadcast_in_dim3A_783 : i32 to vector<16xi32>
            %gather3A_785 = tpu.vector_load_idx %arg9[%broadcast_in_dim3A_782, %broadcast_in_dim3A_784, %and3A_712] masked %and3A : memref<2x16x2048xf32, #tpu.memory_space<vmem>>[vector<16xi32>, vector<16xi32>, vector<16xi32>], vector<16xf32>, vector<16xi1>
            %add3A_786 = arith.constant 7 : i32
            %add3A_787 = vector.broadcast %add3A_786 : i32 to vector<16xi32>
            %add3A_788 = arith.addi %shift_left3A_725, %add3A_787 : vector<16xi32>
            tpu.vector_store_idx %arg10[%shift_right_logical3A_720, %add3A_788], %gather3A_785 masked %and3A : memref<128x128xf32, #tpu.memory_space<vmem>>[vector<16xi32>, vector<16xi32>], vector<16xf32>, vector<16xi1>
            %broadcast_in_dim3A_789 = arith.constant 1 : i32
            %broadcast_in_dim3A_790 = vector.broadcast %broadcast_in_dim3A_789 : i32 to vector<16xi32>
            %broadcast_in_dim3A_791 = arith.constant 8 : i32
            %broadcast_in_dim3A_792 = vector.broadcast %broadcast_in_dim3A_791 : i32 to vector<16xi32>
            %gather3A_793 = tpu.vector_load_idx %arg9[%broadcast_in_dim3A_790, %broadcast_in_dim3A_792, %and3A_712] masked %and3A : memref<2x16x2048xf32, #tpu.memory_space<vmem>>[vector<16xi32>, vector<16xi32>, vector<16xi32>], vector<16xf32>, vector<16xi1>
            %add3A_794 = arith.constant 8 : i32
            %add3A_795 = vector.broadcast %add3A_794 : i32 to vector<16xi32>
            %add3A_796 = arith.addi %shift_left3A_725, %add3A_795 : vector<16xi32>
            tpu.vector_store_idx %arg10[%shift_right_logical3A_720, %add3A_796], %gather3A_793 masked %and3A : memref<128x128xf32, #tpu.memory_space<vmem>>[vector<16xi32>, vector<16xi32>], vector<16xf32>, vector<16xi1>
            %broadcast_in_dim3A_797 = arith.constant 1 : i32
            %broadcast_in_dim3A_798 = vector.broadcast %broadcast_in_dim3A_797 : i32 to vector<16xi32>
            %broadcast_in_dim3A_799 = arith.constant 9 : i32
            %broadcast_in_dim3A_800 = vector.broadcast %broadcast_in_dim3A_799 : i32 to vector<16xi32>
            %gather3A_801 = tpu.vector_load_idx %arg9[%broadcast_in_dim3A_798, %broadcast_in_dim3A_800, %and3A_712] masked %and3A : memref<2x16x2048xf32, #tpu.memory_space<vmem>>[vector<16xi32>, vector<16xi32>, vector<16xi32>], vector<16xf32>, vector<16xi1>
            %add3A_802 = arith.constant 9 : i32
            %add3A_803 = vector.broadcast %add3A_802 : i32 to vector<16xi32>
            %add3A_804 = arith.addi %shift_left3A_725, %add3A_803 : vector<16xi32>
            tpu.vector_store_idx %arg10[%shift_right_logical3A_720, %add3A_804], %gather3A_801 masked %and3A : memref<128x128xf32, #tpu.memory_space<vmem>>[vector<16xi32>, vector<16xi32>], vector<16xf32>, vector<16xi1>
            %broadcast_in_dim3A_805 = arith.constant 1 : i32
            %broadcast_in_dim3A_806 = vector.broadcast %broadcast_in_dim3A_805 : i32 to vector<16xi32>
            %broadcast_in_dim3A_807 = arith.constant 10 : i32
            %broadcast_in_dim3A_808 = vector.broadcast %broadcast_in_dim3A_807 : i32 to vector<16xi32>
            %gather3A_809 = tpu.vector_load_idx %arg9[%broadcast_in_dim3A_806, %broadcast_in_dim3A_808, %and3A_712] masked %and3A : memref<2x16x2048xf32, #tpu.memory_space<vmem>>[vector<16xi32>, vector<16xi32>, vector<16xi32>], vector<16xf32>, vector<16xi1>
            %add3A_810 = arith.constant 10 : i32
            %add3A_811 = vector.broadcast %add3A_810 : i32 to vector<16xi32>
            %add3A_812 = arith.addi %shift_left3A_725, %add3A_811 : vector<16xi32>
            tpu.vector_store_idx %arg10[%shift_right_logical3A_720, %add3A_812], %gather3A_809 masked %and3A : memref<128x128xf32, #tpu.memory_space<vmem>>[vector<16xi32>, vector<16xi32>], vector<16xf32>, vector<16xi1>
            %broadcast_in_dim3A_813 = arith.constant 1 : i32
            %broadcast_in_dim3A_814 = vector.broadcast %broadcast_in_dim3A_813 : i32 to vector<16xi32>
            %broadcast_in_dim3A_815 = arith.constant 11 : i32
            %broadcast_in_dim3A_816 = vector.broadcast %broadcast_in_dim3A_815 : i32 to vector<16xi32>
            %gather3A_817 = tpu.vector_load_idx %arg9[%broadcast_in_dim3A_814, %broadcast_in_dim3A_816, %and3A_712] masked %and3A : memref<2x16x2048xf32, #tpu.memory_space<vmem>>[vector<16xi32>, vector<16xi32>, vector<16xi32>], vector<16xf32>, vector<16xi1>
            %add3A_818 = arith.constant 11 : i32
            %add3A_819 = vector.broadcast %add3A_818 : i32 to vector<16xi32>
            %add3A_820 = arith.addi %shift_left3A_725, %add3A_819 : vector<16xi32>
            tpu.vector_store_idx %arg10[%shift_right_logical3A_720, %add3A_820], %gather3A_817 masked %and3A : memref<128x128xf32, #tpu.memory_space<vmem>>[vector<16xi32>, vector<16xi32>], vector<16xf32>, vector<16xi1>
            %broadcast_in_dim3A_821 = arith.constant 1 : i32
            %broadcast_in_dim3A_822 = vector.broadcast %broadcast_in_dim3A_821 : i32 to vector<16xi32>
            %broadcast_in_dim3A_823 = arith.constant 12 : i32
            %broadcast_in_dim3A_824 = vector.broadcast %broadcast_in_dim3A_823 : i32 to vector<16xi32>
            %gather3A_825 = tpu.vector_load_idx %arg9[%broadcast_in_dim3A_822, %broadcast_in_dim3A_824, %and3A_712] masked %and3A : memref<2x16x2048xf32, #tpu.memory_space<vmem>>[vector<16xi32>, vector<16xi32>, vector<16xi32>], vector<16xf32>, vector<16xi1>
            %add3A_826 = arith.constant 12 : i32
            %add3A_827 = vector.broadcast %add3A_826 : i32 to vector<16xi32>
            %add3A_828 = arith.addi %shift_left3A_725, %add3A_827 : vector<16xi32>
            tpu.vector_store_idx %arg10[%shift_right_logical3A_720, %add3A_828], %gather3A_825 masked %and3A : memref<128x128xf32, #tpu.memory_space<vmem>>[vector<16xi32>, vector<16xi32>], vector<16xf32>, vector<16xi1>
            %broadcast_in_dim3A_829 = arith.constant 1 : i32
            %broadcast_in_dim3A_830 = vector.broadcast %broadcast_in_dim3A_829 : i32 to vector<16xi32>
            %broadcast_in_dim3A_831 = arith.constant 13 : i32
            %broadcast_in_dim3A_832 = vector.broadcast %broadcast_in_dim3A_831 : i32 to vector<16xi32>
            %gather3A_833 = tpu.vector_load_idx %arg9[%broadcast_in_dim3A_830, %broadcast_in_dim3A_832, %and3A_712] masked %and3A : memref<2x16x2048xf32, #tpu.memory_space<vmem>>[vector<16xi32>, vector<16xi32>, vector<16xi32>], vector<16xf32>, vector<16xi1>
            %add3A_834 = arith.constant 13 : i32
            %add3A_835 = vector.broadcast %add3A_834 : i32 to vector<16xi32>
            %add3A_836 = arith.addi %shift_left3A_725, %add3A_835 : vector<16xi32>
            tpu.vector_store_idx %arg10[%shift_right_logical3A_720, %add3A_836], %gather3A_833 masked %and3A : memref<128x128xf32, #tpu.memory_space<vmem>>[vector<16xi32>, vector<16xi32>], vector<16xf32>, vector<16xi1>
            %broadcast_in_dim3A_837 = arith.constant 1 : i32
            %broadcast_in_dim3A_838 = vector.broadcast %broadcast_in_dim3A_837 : i32 to vector<16xi32>
            %broadcast_in_dim3A_839 = arith.constant 14 : i32
            %broadcast_in_dim3A_840 = vector.broadcast %broadcast_in_dim3A_839 : i32 to vector<16xi32>
            %gather3A_841 = tpu.vector_load_idx %arg9[%broadcast_in_dim3A_838, %broadcast_in_dim3A_840, %and3A_712] masked %and3A : memref<2x16x2048xf32, #tpu.memory_space<vmem>>[vector<16xi32>, vector<16xi32>, vector<16xi32>], vector<16xf32>, vector<16xi1>
            %add3A_842 = arith.constant 14 : i32
            %add3A_843 = vector.broadcast %add3A_842 : i32 to vector<16xi32>
            %add3A_844 = arith.addi %shift_left3A_725, %add3A_843 : vector<16xi32>
            tpu.vector_store_idx %arg10[%shift_right_logical3A_720, %add3A_844], %gather3A_841 masked %and3A : memref<128x128xf32, #tpu.memory_space<vmem>>[vector<16xi32>, vector<16xi32>], vector<16xf32>, vector<16xi1>
            %broadcast_in_dim3A_845 = arith.constant 1 : i32
            %broadcast_in_dim3A_846 = vector.broadcast %broadcast_in_dim3A_845 : i32 to vector<16xi32>
            %broadcast_in_dim3A_847 = arith.constant 15 : i32
            %broadcast_in_dim3A_848 = vector.broadcast %broadcast_in_dim3A_847 : i32 to vector<16xi32>
            %gather3A_849 = tpu.vector_load_idx %arg9[%broadcast_in_dim3A_846, %broadcast_in_dim3A_848, %and3A_712] masked %and3A : memref<2x16x2048xf32, #tpu.memory_space<vmem>>[vector<16xi32>, vector<16xi32>, vector<16xi32>], vector<16xf32>, vector<16xi1>
            %add3A_850 = arith.constant 15 : i32
            %add3A_851 = vector.broadcast %add3A_850 : i32 to vector<16xi32>
            %add3A_852 = arith.addi %shift_left3A_725, %add3A_851 : vector<16xi32>
            tpu.vector_store_idx %arg10[%shift_right_logical3A_720, %add3A_852], %gather3A_849 masked %and3A : memref<128x128xf32, #tpu.memory_space<vmem>>[vector<16xi32>, vector<16xi32>], vector<16xf32>, vector<16xi1>
          } else {
          }
        }
        %while3A_675 = arith.constant 1 : i32
        scf.for %while3A_683 = %while3A_673 to %while3A_669 step %while3A_675  : i32 {
          %mul3A_684 = arith.constant 16 : i32
          %mul3A_685 = arith.muli %while3A_683, %mul3A_684 : i32
          %get3A = arith.index_cast %mul3A_685 : i32 to index
          %get3A_686 = tpu.vector_load %arg7[%get3A] {strides = array<i32>} : memref<1040xi32, #tpu.memory_space<vmem>>, vector<16xi32>,
          %iota3A = tpu.iota {dimensions = array<i32: 0>} : vector<16xi32>
          %mul3A_687 = arith.constant 16 : i32
          %mul3A_688 = arith.muli %while3A_683, %mul3A_687 : i32
          %add3A_689 = vector.broadcast %mul3A_688 : i32 to vector<16xi32>
          %add3A_690 = arith.addi %iota3A, %add3A_689 : vector<16xi32>
          %lt3A_691 = vector.broadcast %reduce_max3A_79 : i32 to vector<16xi32>
          %lt3A_692 = arith.cmpi slt, %add3A_690, %lt3A_691 : vector<16xi32>
          %shift_right_logical3A_693 = arith.constant 11 : i32
          %shift_right_logical3A_694 = vector.broadcast %shift_right_logical3A_693 : i32 to vector<16xi32>
          %shift_right_logical3A_695 = arith.shrui %get3A_686, %shift_right_logical3A_694 : vector<16xi32>
          %eq3A = vector.broadcast %add3A_642 : i32 to vector<16xi32>
          %eq3A_696 = arith.cmpi eq, %shift_right_logical3A_695, %eq3A : vector<16xi32>
          %and3A = arith.andi %eq3A_696, %lt3A_692 : vector<16xi1>
          %reduce_or3A = arith.constant 1.000000e+00 : f32
          %reduce_or3A_697 = arith.constant 0.000000e+00 : f32
          %reduce_or3A_698 = vector.broadcast %reduce_or3A : f32 to vector<16xf32>
          %reduce_or3A_699 = vector.broadcast %reduce_or3A_697 : f32 to vector<16xf32>
          %reduce_or3A_700 = arith.select %and3A, %reduce_or3A_698, %reduce_or3A_699 : vector<16xi1>, vector<16xf32>
          %reduce_or3A_701 = arith.constant true
          %reduce_or3A_702 = vector.broadcast %reduce_or3A_701 : i1 to vector<16xi1>
          %reduce_or3A_703 = tpu.scan <max>, %reduce_or3A_700 masked %reduce_or3A_702 : vector<16xf32>, vector<16xi1> -> vector<16xf32>
          %reduce_or3A_704 = vector.extract %reduce_or3A_703[15] : f32 from vector<16xf32>
          %reduce_or3A_705 = arith.constant 0.000000e+00 : f32
          %reduce_or3A_706 = arith.cmpf ogt, %reduce_or3A_704, %reduce_or3A_705 : f32
          %convert_element_type3A_707 = arith.extui %reduce_or3A_706 : i1 to i32
          %cond3A_708 = arith.constant 0 : i32
          %cond3A_709 = arith.cmpi ne, %convert_element_type3A_707, %cond3A_708 : i32
          scf.if %cond3A_709 {
            %and3A_710 = arith.constant 2047 : i32
            %and3A_711 = vector.broadcast %and3A_710 : i32 to vector<16xi32>
            %and3A_712 = arith.andi %get3A_686, %and3A_711 : vector<16xi32>
            %iota3A_713 = tpu.iota {dimensions = array<i32: 0>} : vector<16xi32>
            %mul3A_714 = arith.constant 16 : i32
            %mul3A_715 = arith.muli %while3A_683, %mul3A_714 : i32
            %add3A_716 = vector.broadcast %mul3A_715 : i32 to vector<16xi32>
            %add3A_717 = arith.addi %iota3A_713, %add3A_716 : vector<16xi32>
            %shift_right_logical3A_718 = arith.constant 3 : i32
            %shift_right_logical3A_719 = vector.broadcast %shift_right_logical3A_718 : i32 to vector<16xi32>
            %shift_right_logical3A_720 = arith.shrui %add3A_717, %shift_right_logical3A_719 : vector<16xi32>
            %and3A_721 = arith.constant 7 : i32
            %and3A_722 = vector.broadcast %and3A_721 : i32 to vector<16xi32>
            %and3A_723 = arith.andi %add3A_717, %and3A_722 : vector<16xi32>
            %shift_left3A = arith.constant 4 : i32
            %shift_left3A_724 = vector.broadcast %shift_left3A : i32 to vector<16xi32>
            %shift_left3A_725 = arith.shli %and3A_723, %shift_left3A_724 : vector<16xi32>
            %broadcast_in_dim3A_726 = arith.constant 1 : i32
            %broadcast_in_dim3A_727 = vector.broadcast %broadcast_in_dim3A_726 : i32 to vector<16xi32>
            %broadcast_in_dim3A_728 = arith.constant 0 : i32
            %broadcast_in_dim3A_729 = vector.broadcast %broadcast_in_dim3A_728 : i32 to vector<16xi32>
            %gather3A = tpu.vector_load_idx %arg9[%broadcast_in_dim3A_727, %broadcast_in_dim3A_729, %and3A_712] masked %and3A : memref<2x16x2048xf32, #tpu.memory_space<vmem>>[vector<16xi32>, vector<16xi32>, vector<16xi32>], vector<16xf32>, vector<16xi1>
            %add3A_730 = arith.constant 0 : i32
            %add3A_731 = vector.broadcast %add3A_730 : i32 to vector<16xi32>
            %add3A_732 = arith.addi %shift_left3A_725, %add3A_731 : vector<16xi32>
            tpu.vector_store_idx %arg10[%shift_right_logical3A_720, %add3A_732], %gather3A masked %and3A : memref<128x128xf32, #tpu.memory_space<vmem>>[vector<16xi32>, vector<16xi32>], vector<16xf32>, vector<16xi1>
            %broadcast_in_dim3A_733 = arith.constant 1 : i32
            %broadcast_in_dim3A_734 = vector.broadcast %broadcast_in_dim3A_733 : i32 to vector<16xi32>
            %broadcast_in_dim3A_735 = arith.constant 1 : i32
            %broadcast_in_dim3A_736 = vector.broadcast %broadcast_in_dim3A_735 : i32 to vector<16xi32>
            %gather3A_737 = tpu.vector_load_idx %arg9[%broadcast_in_dim3A_734, %broadcast_in_dim3A_736, %and3A_712] masked %and3A : memref<2x16x2048xf32, #tpu.memory_space<vmem>>[vector<16xi32>, vector<16xi32>, vector<16xi32>], vector<16xf32>, vector<16xi1>
            %add3A_738 = arith.constant 1 : i32
            %add3A_739 = vector.broadcast %add3A_738 : i32 to vector<16xi32>
            %add3A_740 = arith.addi %shift_left3A_725, %add3A_739 : vector<16xi32>
            tpu.vector_store_idx %arg10[%shift_right_logical3A_720, %add3A_740], %gather3A_737 masked %and3A : memref<128x128xf32, #tpu.memory_space<vmem>>[vector<16xi32>, vector<16xi32>], vector<16xf32>, vector<16xi1>
            %broadcast_in_dim3A_741 = arith.constant 1 : i32
            %broadcast_in_dim3A_742 = vector.broadcast %broadcast_in_dim3A_741 : i32 to vector<16xi32>
            %broadcast_in_dim3A_743 = arith.constant 2 : i32
            %broadcast_in_dim3A_744 = vector.broadcast %broadcast_in_dim3A_743 : i32 to vector<16xi32>
            %gather3A_745 = tpu.vector_load_idx %arg9[%broadcast_in_dim3A_742, %broadcast_in_dim3A_744, %and3A_712] masked %and3A : memref<2x16x2048xf32, #tpu.memory_space<vmem>>[vector<16xi32>, vector<16xi32>, vector<16xi32>], vector<16xf32>, vector<16xi1>
            %add3A_746 = arith.constant 2 : i32
            %add3A_747 = vector.broadcast %add3A_746 : i32 to vector<16xi32>
            %add3A_748 = arith.addi %shift_left3A_725, %add3A_747 : vector<16xi32>
            tpu.vector_store_idx %arg10[%shift_right_logical3A_720, %add3A_748], %gather3A_745 masked %and3A : memref<128x128xf32, #tpu.memory_space<vmem>>[vector<16xi32>, vector<16xi32>], vector<16xf32>, vector<16xi1>
            %broadcast_in_dim3A_749 = arith.constant 1 : i32
            %broadcast_in_dim3A_750 = vector.broadcast %broadcast_in_dim3A_749 : i32 to vector<16xi32>
            %broadcast_in_dim3A_751 = arith.constant 3 : i32
            %broadcast_in_dim3A_752 = vector.broadcast %broadcast_in_dim3A_751 : i32 to vector<16xi32>
            %gather3A_753 = tpu.vector_load_idx %arg9[%broadcast_in_dim3A_750, %broadcast_in_dim3A_752, %and3A_712] masked %and3A : memref<2x16x2048xf32, #tpu.memory_space<vmem>>[vector<16xi32>, vector<16xi32>, vector<16xi32>], vector<16xf32>, vector<16xi1>
            %add3A_754 = arith.constant 3 : i32
            %add3A_755 = vector.broadcast %add3A_754 : i32 to vector<16xi32>
            %add3A_756 = arith.addi %shift_left3A_725, %add3A_755 : vector<16xi32>
            tpu.vector_store_idx %arg10[%shift_right_logical3A_720, %add3A_756], %gather3A_753 masked %and3A : memref<128x128xf32, #tpu.memory_space<vmem>>[vector<16xi32>, vector<16xi32>], vector<16xf32>, vector<16xi1>
            %broadcast_in_dim3A_757 = arith.constant 1 : i32
            %broadcast_in_dim3A_758 = vector.broadcast %broadcast_in_dim3A_757 : i32 to vector<16xi32>
            %broadcast_in_dim3A_759 = arith.constant 4 : i32
            %broadcast_in_dim3A_760 = vector.broadcast %broadcast_in_dim3A_759 : i32 to vector<16xi32>
            %gather3A_761 = tpu.vector_load_idx %arg9[%broadcast_in_dim3A_758, %broadcast_in_dim3A_760, %and3A_712] masked %and3A : memref<2x16x2048xf32, #tpu.memory_space<vmem>>[vector<16xi32>, vector<16xi32>, vector<16xi32>], vector<16xf32>, vector<16xi1>
            %add3A_762 = arith.constant 4 : i32
            %add3A_763 = vector.broadcast %add3A_762 : i32 to vector<16xi32>
            %add3A_764 = arith.addi %shift_left3A_725, %add3A_763 : vector<16xi32>
            tpu.vector_store_idx %arg10[%shift_right_logical3A_720, %add3A_764], %gather3A_761 masked %and3A : memref<128x128xf32, #tpu.memory_space<vmem>>[vector<16xi32>, vector<16xi32>], vector<16xf32>, vector<16xi1>
            %broadcast_in_dim3A_765 = arith.constant 1 : i32
            %broadcast_in_dim3A_766 = vector.broadcast %broadcast_in_dim3A_765 : i32 to vector<16xi32>
            %broadcast_in_dim3A_767 = arith.constant 5 : i32
            %broadcast_in_dim3A_768 = vector.broadcast %broadcast_in_dim3A_767 : i32 to vector<16xi32>
            %gather3A_769 = tpu.vector_load_idx %arg9[%broadcast_in_dim3A_766, %broadcast_in_dim3A_768, %and3A_712] masked %and3A : memref<2x16x2048xf32, #tpu.memory_space<vmem>>[vector<16xi32>, vector<16xi32>, vector<16xi32>], vector<16xf32>, vector<16xi1>
            %add3A_770 = arith.constant 5 : i32
            %add3A_771 = vector.broadcast %add3A_770 : i32 to vector<16xi32>
            %add3A_772 = arith.addi %shift_left3A_725, %add3A_771 : vector<16xi32>
            tpu.vector_store_idx %arg10[%shift_right_logical3A_720, %add3A_772], %gather3A_769 masked %and3A : memref<128x128xf32, #tpu.memory_space<vmem>>[vector<16xi32>, vector<16xi32>], vector<16xf32>, vector<16xi1>
            %broadcast_in_dim3A_773 = arith.constant 1 : i32
            %broadcast_in_dim3A_774 = vector.broadcast %broadcast_in_dim3A_773 : i32 to vector<16xi32>
            %broadcast_in_dim3A_775 = arith.constant 6 : i32
            %broadcast_in_dim3A_776 = vector.broadcast %broadcast_in_dim3A_775 : i32 to vector<16xi32>
            %gather3A_777 = tpu.vector_load_idx %arg9[%broadcast_in_dim3A_774, %broadcast_in_dim3A_776, %and3A_712] masked %and3A : memref<2x16x2048xf32, #tpu.memory_space<vmem>>[vector<16xi32>, vector<16xi32>, vector<16xi32>], vector<16xf32>, vector<16xi1>
            %add3A_778 = arith.constant 6 : i32
            %add3A_779 = vector.broadcast %add3A_778 : i32 to vector<16xi32>
            %add3A_780 = arith.addi %shift_left3A_725, %add3A_779 : vector<16xi32>
            tpu.vector_store_idx %arg10[%shift_right_logical3A_720, %add3A_780], %gather3A_777 masked %and3A : memref<128x128xf32, #tpu.memory_space<vmem>>[vector<16xi32>, vector<16xi32>], vector<16xf32>, vector<16xi1>
            %broadcast_in_dim3A_781 = arith.constant 1 : i32
            %broadcast_in_dim3A_782 = vector.broadcast %broadcast_in_dim3A_781 : i32 to vector<16xi32>
            %broadcast_in_dim3A_783 = arith.constant 7 : i32
            %broadcast_in_dim3A_784 = vector.broadcast %broadcast_in_dim3A_783 : i32 to vector<16xi32>
            %gather3A_785 = tpu.vector_load_idx %arg9[%broadcast_in_dim3A_782, %broadcast_in_dim3A_784, %and3A_712] masked %and3A : memref<2x16x2048xf32, #tpu.memory_space<vmem>>[vector<16xi32>, vector<16xi32>, vector<16xi32>], vector<16xf32>, vector<16xi1>
            %add3A_786 = arith.constant 7 : i32
            %add3A_787 = vector.broadcast %add3A_786 : i32 to vector<16xi32>
            %add3A_788 = arith.addi %shift_left3A_725, %add3A_787 : vector<16xi32>
            tpu.vector_store_idx %arg10[%shift_right_logical3A_720, %add3A_788], %gather3A_785 masked %and3A : memref<128x128xf32, #tpu.memory_space<vmem>>[vector<16xi32>, vector<16xi32>], vector<16xf32>, vector<16xi1>
            %broadcast_in_dim3A_789 = arith.constant 1 : i32
            %broadcast_in_dim3A_790 = vector.broadcast %broadcast_in_dim3A_789 : i32 to vector<16xi32>
            %broadcast_in_dim3A_791 = arith.constant 8 : i32
            %broadcast_in_dim3A_792 = vector.broadcast %broadcast_in_dim3A_791 : i32 to vector<16xi32>
            %gather3A_793 = tpu.vector_load_idx %arg9[%broadcast_in_dim3A_790, %broadcast_in_dim3A_792, %and3A_712] masked %and3A : memref<2x16x2048xf32, #tpu.memory_space<vmem>>[vector<16xi32>, vector<16xi32>, vector<16xi32>], vector<16xf32>, vector<16xi1>
            %add3A_794 = arith.constant 8 : i32
            %add3A_795 = vector.broadcast %add3A_794 : i32 to vector<16xi32>
            %add3A_796 = arith.addi %shift_left3A_725, %add3A_795 : vector<16xi32>
            tpu.vector_store_idx %arg10[%shift_right_logical3A_720, %add3A_796], %gather3A_793 masked %and3A : memref<128x128xf32, #tpu.memory_space<vmem>>[vector<16xi32>, vector<16xi32>], vector<16xf32>, vector<16xi1>
            %broadcast_in_dim3A_797 = arith.constant 1 : i32
            %broadcast_in_dim3A_798 = vector.broadcast %broadcast_in_dim3A_797 : i32 to vector<16xi32>
            %broadcast_in_dim3A_799 = arith.constant 9 : i32
            %broadcast_in_dim3A_800 = vector.broadcast %broadcast_in_dim3A_799 : i32 to vector<16xi32>
            %gather3A_801 = tpu.vector_load_idx %arg9[%broadcast_in_dim3A_798, %broadcast_in_dim3A_800, %and3A_712] masked %and3A : memref<2x16x2048xf32, #tpu.memory_space<vmem>>[vector<16xi32>, vector<16xi32>, vector<16xi32>], vector<16xf32>, vector<16xi1>
            %add3A_802 = arith.constant 9 : i32
            %add3A_803 = vector.broadcast %add3A_802 : i32 to vector<16xi32>
            %add3A_804 = arith.addi %shift_left3A_725, %add3A_803 : vector<16xi32>
            tpu.vector_store_idx %arg10[%shift_right_logical3A_720, %add3A_804], %gather3A_801 masked %and3A : memref<128x128xf32, #tpu.memory_space<vmem>>[vector<16xi32>, vector<16xi32>], vector<16xf32>, vector<16xi1>
            %broadcast_in_dim3A_805 = arith.constant 1 : i32
            %broadcast_in_dim3A_806 = vector.broadcast %broadcast_in_dim3A_805 : i32 to vector<16xi32>
            %broadcast_in_dim3A_807 = arith.constant 10 : i32
            %broadcast_in_dim3A_808 = vector.broadcast %broadcast_in_dim3A_807 : i32 to vector<16xi32>
            %gather3A_809 = tpu.vector_load_idx %arg9[%broadcast_in_dim3A_806, %broadcast_in_dim3A_808, %and3A_712] masked %and3A : memref<2x16x2048xf32, #tpu.memory_space<vmem>>[vector<16xi32>, vector<16xi32>, vector<16xi32>], vector<16xf32>, vector<16xi1>
            %add3A_810 = arith.constant 10 : i32
            %add3A_811 = vector.broadcast %add3A_810 : i32 to vector<16xi32>
            %add3A_812 = arith.addi %shift_left3A_725, %add3A_811 : vector<16xi32>
            tpu.vector_store_idx %arg10[%shift_right_logical3A_720, %add3A_812], %gather3A_809 masked %and3A : memref<128x128xf32, #tpu.memory_space<vmem>>[vector<16xi32>, vector<16xi32>], vector<16xf32>, vector<16xi1>
            %broadcast_in_dim3A_813 = arith.constant 1 : i32
            %broadcast_in_dim3A_814 = vector.broadcast %broadcast_in_dim3A_813 : i32 to vector<16xi32>
            %broadcast_in_dim3A_815 = arith.constant 11 : i32
            %broadcast_in_dim3A_816 = vector.broadcast %broadcast_in_dim3A_815 : i32 to vector<16xi32>
            %gather3A_817 = tpu.vector_load_idx %arg9[%broadcast_in_dim3A_814, %broadcast_in_dim3A_816, %and3A_712] masked %and3A : memref<2x16x2048xf32, #tpu.memory_space<vmem>>[vector<16xi32>, vector<16xi32>, vector<16xi32>], vector<16xf32>, vector<16xi1>
            %add3A_818 = arith.constant 11 : i32
            %add3A_819 = vector.broadcast %add3A_818 : i32 to vector<16xi32>
            %add3A_820 = arith.addi %shift_left3A_725, %add3A_819 : vector<16xi32>
            tpu.vector_store_idx %arg10[%shift_right_logical3A_720, %add3A_820], %gather3A_817 masked %and3A : memref<128x128xf32, #tpu.memory_space<vmem>>[vector<16xi32>, vector<16xi32>], vector<16xf32>, vector<16xi1>
            %broadcast_in_dim3A_821 = arith.constant 1 : i32
            %broadcast_in_dim3A_822 = vector.broadcast %broadcast_in_dim3A_821 : i32 to vector<16xi32>
            %broadcast_in_dim3A_823 = arith.constant 12 : i32
            %broadcast_in_dim3A_824 = vector.broadcast %broadcast_in_dim3A_823 : i32 to vector<16xi32>
            %gather3A_825 = tpu.vector_load_idx %arg9[%broadcast_in_dim3A_822, %broadcast_in_dim3A_824, %and3A_712] masked %and3A : memref<2x16x2048xf32, #tpu.memory_space<vmem>>[vector<16xi32>, vector<16xi32>, vector<16xi32>], vector<16xf32>, vector<16xi1>
            %add3A_826 = arith.constant 12 : i32
            %add3A_827 = vector.broadcast %add3A_826 : i32 to vector<16xi32>
            %add3A_828 = arith.addi %shift_left3A_725, %add3A_827 : vector<16xi32>
            tpu.vector_store_idx %arg10[%shift_right_logical3A_720, %add3A_828], %gather3A_825 masked %and3A : memref<128x128xf32, #tpu.memory_space<vmem>>[vector<16xi32>, vector<16xi32>], vector<16xf32>, vector<16xi1>
            %broadcast_in_dim3A_829 = arith.constant 1 : i32
            %broadcast_in_dim3A_830 = vector.broadcast %broadcast_in_dim3A_829 : i32 to vector<16xi32>
            %broadcast_in_dim3A_831 = arith.constant 13 : i32
            %broadcast_in_dim3A_832 = vector.broadcast %broadcast_in_dim3A_831 : i32 to vector<16xi32>
            %gather3A_833 = tpu.vector_load_idx %arg9[%broadcast_in_dim3A_830, %broadcast_in_dim3A_832, %and3A_712] masked %and3A : memref<2x16x2048xf32, #tpu.memory_space<vmem>>[vector<16xi32>, vector<16xi32>, vector<16xi32>], vector<16xf32>, vector<16xi1>
            %add3A_834 = arith.constant 13 : i32
            %add3A_835 = vector.broadcast %add3A_834 : i32 to vector<16xi32>
            %add3A_836 = arith.addi %shift_left3A_725, %add3A_835 : vector<16xi32>
            tpu.vector_store_idx %arg10[%shift_right_logical3A_720, %add3A_836], %gather3A_833 masked %and3A : memref<128x128xf32, #tpu.memory_space<vmem>>[vector<16xi32>, vector<16xi32>], vector<16xf32>, vector<16xi1>
            %broadcast_in_dim3A_837 = arith.constant 1 : i32
            %broadcast_in_dim3A_838 = vector.broadcast %broadcast_in_dim3A_837 : i32 to vector<16xi32>
            %broadcast_in_dim3A_839 = arith.constant 14 : i32
            %broadcast_in_dim3A_840 = vector.broadcast %broadcast_in_dim3A_839 : i32 to vector<16xi32>
            %gather3A_841 = tpu.vector_load_idx %arg9[%broadcast_in_dim3A_838, %broadcast_in_dim3A_840, %and3A_712] masked %and3A : memref<2x16x2048xf32, #tpu.memory_space<vmem>>[vector<16xi32>, vector<16xi32>, vector<16xi32>], vector<16xf32>, vector<16xi1>
            %add3A_842 = arith.constant 14 : i32
            %add3A_843 = vector.broadcast %add3A_842 : i32 to vector<16xi32>
            %add3A_844 = arith.addi %shift_left3A_725, %add3A_843 : vector<16xi32>
            tpu.vector_store_idx %arg10[%shift_right_logical3A_720, %add3A_844], %gather3A_841 masked %and3A : memref<128x128xf32, #tpu.memory_space<vmem>>[vector<16xi32>, vector<16xi32>], vector<16xf32>, vector<16xi1>
            %broadcast_in_dim3A_845 = arith.constant 1 : i32
            %broadcast_in_dim3A_846 = vector.broadcast %broadcast_in_dim3A_845 : i32 to vector<16xi32>
            %broadcast_in_dim3A_847 = arith.constant 15 : i32
            %broadcast_in_dim3A_848 = vector.broadcast %broadcast_in_dim3A_847 : i32 to vector<16xi32>
            %gather3A_849 = tpu.vector_load_idx %arg9[%broadcast_in_dim3A_846, %broadcast_in_dim3A_848, %and3A_712] masked %and3A : memref<2x16x2048xf32, #tpu.memory_space<vmem>>[vector<16xi32>, vector<16xi32>, vector<16xi32>], vector<16xf32>, vector<16xi1>
            %add3A_850 = arith.constant 15 : i32
            %add3A_851 = vector.broadcast %add3A_850 : i32 to vector<16xi32>
            %add3A_852 = arith.addi %shift_left3A_725, %add3A_851 : vector<16xi32>
            tpu.vector_store_idx %arg10[%shift_right_logical3A_720, %add3A_852], %gather3A_849 masked %and3A : memref<128x128xf32, #tpu.memory_space<vmem>>[vector<16xi32>, vector<16xi32>], vector<16xf32>, vector<16xi1>
          } else {
          }
        }
        %add3A_676 = arith.constant 64 : i32
        %add3A_677 = arith.addi %add3A_642, %add3A_676 : i32
        %lt3A_678 = arith.constant 488 : i32
        %lt3A_679 = arith.cmpi slt, %add3A_677, %lt3A_678 : i32
        %convert_element_type3A_680 = arith.extui %lt3A_679 : i1 to i32
        %cond3A_681 = arith.constant 0 : i32
        %cond3A_682 = arith.cmpi ne, %convert_element_type3A_680, %cond3A_681 : i32
        scf.if %cond3A_682 {
          %mul3A_683 = arith.constant 2048 : i32
          %mul3A_684 = arith.muli %add3A_677, %mul3A_683 : i32
          %dma_start3A_685 = arith.constant 1 : i32
          %dma_start3A_686 = arith.constant 1 : i32
          %dma_start3A_687 = arith.constant 0 : i32
          %dma_start3A_688 = arith.constant 0 : i32
          %dma_start3A_689 = tpu.memref_slice %arg9[%dma_start3A_685, %dma_start3A_687, %dma_start3A_688] : memref<2x16x2048xf32, #tpu.memory_space<vmem>> -> memref<1x16x2048xf32, #tpu.memory_space<vmem>>
          %dma_start3A_690 = tpu.memref_squeeze %dma_start3A_689 : memref<1x16x2048xf32, #tpu.memory_space<vmem>> -> memref<16x2048xf32, #tpu.memory_space<vmem>>
          %dma_start3A_691 = arith.constant 0 : i32
          %dma_start3A_692 = tpu.memref_slice %arg3[%dma_start3A_691, %mul3A_684] : memref<16x1000000xf32, #tpu.memory_space<hbm>> -> memref<16x2048xf32, #tpu.memory_space<hbm>>
          %dma_start3A_693 = tpu.memref_slice %arg13[%dma_start3A_686] : memref<2x!tpu.dma_semaphore, #tpu.memory_space<semaphore_mem>> -> memref<1x!tpu.dma_semaphore, #tpu.memory_space<semaphore_mem>>
          %dma_start3A_694 = tpu.memref_squeeze %dma_start3A_693 : memref<1x!tpu.dma_semaphore, #tpu.memory_space<semaphore_mem>> -> memref<!tpu.dma_semaphore, #tpu.memory_space<semaphore_mem>>
          %dma_start3A_695 = arith.constant 0 : i32
          %dma_start3A_696 = arith.constant 0 : i32
          %dma_start3A_697 = tpu.memref_slice %arg9[%dma_start3A_685, %dma_start3A_695, %dma_start3A_696] : memref<2x16x2048xf32, #tpu.memory_space<vmem>> -> memref<1x16x2048xf32, #tpu.memory_space<vmem>>
          %dma_start3A_698 = tpu.memref_squeeze %dma_start3A_697 : memref<1x16x2048xf32, #tpu.memory_space<vmem>> -> memref<16x2048xf32, #tpu.memory_space<vmem>>
          %dma_start3A_699 = arith.constant 0 : i32
          %dma_start3A_700 = tpu.memref_slice %arg3[%dma_start3A_699, %mul3A_684] : memref<16x1000000xf32, #tpu.memory_space<hbm>> -> memref<16x2048xf32, #tpu.memory_space<hbm>>
          tpu.enqueue_dma source(%dma_start3A_700 : memref<16x2048xf32, #tpu.memory_space<hbm>>) target(%dma_start3A_698 : memref<16x2048xf32, #tpu.memory_space<vmem>>) target_semaphore(%dma_start3A_694 : memref<!tpu.dma_semaphore, #tpu.memory_space<semaphore_mem>>)
        } else {
        }
      } else {
      }
    }
    %scan3A_88 = arith.constant 8 : i32
    %while3A = arith.constant 0 : i32
    %while3A_89 = arith.constant 0 : i32
    %while3A_90 = arith.subi %shift_right_logical3A_82, %while3A_89 : i32
    %while3A_91 = arith.addi %while3A_89, %while3A_90 : i32
    %while3A_92 = arith.constant 1 : i32
    %while3A_93 = arith.divsi %while3A_90, %while3A_92 : i32
    %while3A_94 = arith.muli %while3A_93, %while3A_92 : i32
    %while3A_95 = arith.addi %while3A_89, %while3A_94 : i32
    %while3A_96 = arith.constant 1 : i32
    scf.for %while3A_626 = %while3A_89 to %while3A_95 step %while3A_96  : i32 {
      %mul3A_627 = arith.constant 16 : i32
      %mul3A_628 = arith.muli %while3A_626, %mul3A_627 : i32
      %get3A = arith.index_cast %mul3A_628 : i32 to index
      %get3A_629 = tpu.vector_load %arg7[%get3A] {strides = array<i32>} : memref<1040xi32, #tpu.memory_space<vmem>>, vector<16xi32>,
      %iota3A = tpu.iota {dimensions = array<i32: 0>} : vector<16xi32>
      %mul3A_630 = arith.constant 16 : i32
      %mul3A_631 = arith.muli %while3A_626, %mul3A_630 : i32
      %add3A_632 = vector.broadcast %mul3A_631 : i32 to vector<16xi32>
      %add3A_633 = arith.addi %iota3A, %add3A_632 : vector<16xi32>
      %lt3A = vector.broadcast %reduce_max3A_79 : i32 to vector<16xi32>
      %lt3A_634 = arith.cmpi slt, %add3A_633, %lt3A : vector<16xi32>
      %shift_right_logical3A_635 = arith.constant 11 : i32
      %shift_right_logical3A_636 = vector.broadcast %shift_right_logical3A_635 : i32 to vector<16xi32>
      %shift_right_logical3A_637 = arith.shrui %get3A_629, %shift_right_logical3A_636 : vector<16xi32>
      %eq3A = arith.constant 488 : i32
      %eq3A_638 = vector.broadcast %eq3A : i32 to vector<16xi32>
      %eq3A_639 = arith.cmpi eq, %shift_right_logical3A_637, %eq3A_638 : vector<16xi32>
      %and3A = arith.andi %eq3A_639, %lt3A_634 : vector<16xi1>
      %reduce_or3A = arith.constant 1.000000e+00 : f32
      %reduce_or3A_640 = arith.constant 0.000000e+00 : f32
      %reduce_or3A_641 = vector.broadcast %reduce_or3A : f32 to vector<16xf32>
      %reduce_or3A_642 = vector.broadcast %reduce_or3A_640 : f32 to vector<16xf32>
      %reduce_or3A_643 = arith.select %and3A, %reduce_or3A_641, %reduce_or3A_642 : vector<16xi1>, vector<16xf32>
      %reduce_or3A_644 = arith.constant true
      %reduce_or3A_645 = vector.broadcast %reduce_or3A_644 : i1 to vector<16xi1>
      %reduce_or3A_646 = tpu.scan <max>, %reduce_or3A_643 masked %reduce_or3A_645 : vector<16xf32>, vector<16xi1> -> vector<16xf32>
      %reduce_or3A_647 = vector.extract %reduce_or3A_646[15] : f32 from vector<16xf32>
      %reduce_or3A_648 = arith.constant 0.000000e+00 : f32
      %reduce_or3A_649 = arith.cmpf ogt, %reduce_or3A_647, %reduce_or3A_648 : f32
      %convert_element_type3A = arith.extui %reduce_or3A_649 : i1 to i32
      %cond3A = arith.constant 0 : i32
      %cond3A_650 = arith.cmpi ne, %convert_element_type3A, %cond3A : i32
      scf.if %cond3A_650 {
        %sub3A = arith.constant 999424 : i32
        %sub3A_651 = vector.broadcast %sub3A : i32 to vector<16xi32>
        %sub3A_652 = arith.subi %get3A_629, %sub3A_651 : vector<16xi32>
        %iota3A_653 = tpu.iota {dimensions = array<i32: 0>} : vector<16xi32>
        %mul3A_654 = arith.constant 16 : i32
        %mul3A_655 = arith.muli %while3A_626, %mul3A_654 : i32
        %add3A_656 = vector.broadcast %mul3A_655 : i32 to vector<16xi32>
        %add3A_657 = arith.addi %iota3A_653, %add3A_656 : vector<16xi32>
        %shift_right_logical3A_658 = arith.constant 3 : i32
        %shift_right_logical3A_659 = vector.broadcast %shift_right_logical3A_658 : i32 to vector<16xi32>
        %shift_right_logical3A_660 = arith.shrui %add3A_657, %shift_right_logical3A_659 : vector<16xi32>
        %and3A_661 = arith.constant 7 : i32
        %and3A_662 = vector.broadcast %and3A_661 : i32 to vector<16xi32>
        %and3A_663 = arith.andi %add3A_657, %and3A_662 : vector<16xi32>
        %shift_left3A = arith.constant 4 : i32
        %shift_left3A_664 = vector.broadcast %shift_left3A : i32 to vector<16xi32>
        %shift_left3A_665 = arith.shli %and3A_663, %shift_left3A_664 : vector<16xi32>
        %broadcast_in_dim3A_666 = arith.constant 0 : i32
        %broadcast_in_dim3A_667 = vector.broadcast %broadcast_in_dim3A_666 : i32 to vector<16xi32>
        %gather3A = tpu.vector_load_idx %arg11[%broadcast_in_dim3A_667, %sub3A_652] masked %and3A : memref<16x576xf32, #tpu.memory_space<vmem>>[vector<16xi32>, vector<16xi32>], vector<16xf32>, vector<16xi1>
        %add3A_668 = arith.constant 0 : i32
        %add3A_669 = vector.broadcast %add3A_668 : i32 to vector<16xi32>
        %add3A_670 = arith.addi %shift_left3A_665, %add3A_669 : vector<16xi32>
        tpu.vector_store_idx %arg10[%shift_right_logical3A_660, %add3A_670], %gather3A masked %and3A : memref<128x128xf32, #tpu.memory_space<vmem>>[vector<16xi32>, vector<16xi32>], vector<16xf32>, vector<16xi1>
        %broadcast_in_dim3A_671 = arith.constant 1 : i32
        %broadcast_in_dim3A_672 = vector.broadcast %broadcast_in_dim3A_671 : i32 to vector<16xi32>
        %gather3A_673 = tpu.vector_load_idx %arg11[%broadcast_in_dim3A_672, %sub3A_652] masked %and3A : memref<16x576xf32, #tpu.memory_space<vmem>>[vector<16xi32>, vector<16xi32>], vector<16xf32>, vector<16xi1>
        %add3A_674 = arith.constant 1 : i32
        %add3A_675 = vector.broadcast %add3A_674 : i32 to vector<16xi32>
        %add3A_676 = arith.addi %shift_left3A_665, %add3A_675 : vector<16xi32>
        tpu.vector_store_idx %arg10[%shift_right_logical3A_660, %add3A_676], %gather3A_673 masked %and3A : memref<128x128xf32, #tpu.memory_space<vmem>>[vector<16xi32>, vector<16xi32>], vector<16xf32>, vector<16xi1>
        %broadcast_in_dim3A_677 = arith.constant 2 : i32
        %broadcast_in_dim3A_678 = vector.broadcast %broadcast_in_dim3A_677 : i32 to vector<16xi32>
        %gather3A_679 = tpu.vector_load_idx %arg11[%broadcast_in_dim3A_678, %sub3A_652] masked %and3A : memref<16x576xf32, #tpu.memory_space<vmem>>[vector<16xi32>, vector<16xi32>], vector<16xf32>, vector<16xi1>
        %add3A_680 = arith.constant 2 : i32
        %add3A_681 = vector.broadcast %add3A_680 : i32 to vector<16xi32>
        %add3A_682 = arith.addi %shift_left3A_665, %add3A_681 : vector<16xi32>
        tpu.vector_store_idx %arg10[%shift_right_logical3A_660, %add3A_682], %gather3A_679 masked %and3A : memref<128x128xf32, #tpu.memory_space<vmem>>[vector<16xi32>, vector<16xi32>], vector<16xf32>, vector<16xi1>
        %broadcast_in_dim3A_683 = arith.constant 3 : i32
        %broadcast_in_dim3A_684 = vector.broadcast %broadcast_in_dim3A_683 : i32 to vector<16xi32>
        %gather3A_685 = tpu.vector_load_idx %arg11[%broadcast_in_dim3A_684, %sub3A_652] masked %and3A : memref<16x576xf32, #tpu.memory_space<vmem>>[vector<16xi32>, vector<16xi32>], vector<16xf32>, vector<16xi1>
        %add3A_686 = arith.constant 3 : i32
        %add3A_687 = vector.broadcast %add3A_686 : i32 to vector<16xi32>
        %add3A_688 = arith.addi %shift_left3A_665, %add3A_687 : vector<16xi32>
        tpu.vector_store_idx %arg10[%shift_right_logical3A_660, %add3A_688], %gather3A_685 masked %and3A : memref<128x128xf32, #tpu.memory_space<vmem>>[vector<16xi32>, vector<16xi32>], vector<16xf32>, vector<16xi1>
        %broadcast_in_dim3A_689 = arith.constant 4 : i32
        %broadcast_in_dim3A_690 = vector.broadcast %broadcast_in_dim3A_689 : i32 to vector<16xi32>
        %gather3A_691 = tpu.vector_load_idx %arg11[%broadcast_in_dim3A_690, %sub3A_652] masked %and3A : memref<16x576xf32, #tpu.memory_space<vmem>>[vector<16xi32>, vector<16xi32>], vector<16xf32>, vector<16xi1>
        %add3A_692 = arith.constant 4 : i32
        %add3A_693 = vector.broadcast %add3A_692 : i32 to vector<16xi32>
        %add3A_694 = arith.addi %shift_left3A_665, %add3A_693 : vector<16xi32>
        tpu.vector_store_idx %arg10[%shift_right_logical3A_660, %add3A_694], %gather3A_691 masked %and3A : memref<128x128xf32, #tpu.memory_space<vmem>>[vector<16xi32>, vector<16xi32>], vector<16xf32>, vector<16xi1>
        %broadcast_in_dim3A_695 = arith.constant 5 : i32
        %broadcast_in_dim3A_696 = vector.broadcast %broadcast_in_dim3A_695 : i32 to vector<16xi32>
        %gather3A_697 = tpu.vector_load_idx %arg11[%broadcast_in_dim3A_696, %sub3A_652] masked %and3A : memref<16x576xf32, #tpu.memory_space<vmem>>[vector<16xi32>, vector<16xi32>], vector<16xf32>, vector<16xi1>
        %add3A_698 = arith.constant 5 : i32
        %add3A_699 = vector.broadcast %add3A_698 : i32 to vector<16xi32>
        %add3A_700 = arith.addi %shift_left3A_665, %add3A_699 : vector<16xi32>
        tpu.vector_store_idx %arg10[%shift_right_logical3A_660, %add3A_700], %gather3A_697 masked %and3A : memref<128x128xf32, #tpu.memory_space<vmem>>[vector<16xi32>, vector<16xi32>], vector<16xf32>, vector<16xi1>
        %broadcast_in_dim3A_701 = arith.constant 6 : i32
        %broadcast_in_dim3A_702 = vector.broadcast %broadcast_in_dim3A_701 : i32 to vector<16xi32>
        %gather3A_703 = tpu.vector_load_idx %arg11[%broadcast_in_dim3A_702, %sub3A_652] masked %and3A : memref<16x576xf32, #tpu.memory_space<vmem>>[vector<16xi32>, vector<16xi32>], vector<16xf32>, vector<16xi1>
        %add3A_704 = arith.constant 6 : i32
        %add3A_705 = vector.broadcast %add3A_704 : i32 to vector<16xi32>
        %add3A_706 = arith.addi %shift_left3A_665, %add3A_705 : vector<16xi32>
        tpu.vector_store_idx %arg10[%shift_right_logical3A_660, %add3A_706], %gather3A_703 masked %and3A : memref<128x128xf32, #tpu.memory_space<vmem>>[vector<16xi32>, vector<16xi32>], vector<16xf32>, vector<16xi1>
        %broadcast_in_dim3A_707 = arith.constant 7 : i32
        %broadcast_in_dim3A_708 = vector.broadcast %broadcast_in_dim3A_707 : i32 to vector<16xi32>
        %gather3A_709 = tpu.vector_load_idx %arg11[%broadcast_in_dim3A_708, %sub3A_652] masked %and3A : memref<16x576xf32, #tpu.memory_space<vmem>>[vector<16xi32>, vector<16xi32>], vector<16xf32>, vector<16xi1>
        %add3A_710 = arith.constant 7 : i32
        %add3A_711 = vector.broadcast %add3A_710 : i32 to vector<16xi32>
        %add3A_712 = arith.addi %shift_left3A_665, %add3A_711 : vector<16xi32>
        tpu.vector_store_idx %arg10[%shift_right_logical3A_660, %add3A_712], %gather3A_709 masked %and3A : memref<128x128xf32, #tpu.memory_space<vmem>>[vector<16xi32>, vector<16xi32>], vector<16xf32>, vector<16xi1>
        %broadcast_in_dim3A_713 = arith.constant 8 : i32
        %broadcast_in_dim3A_714 = vector.broadcast %broadcast_in_dim3A_713 : i32 to vector<16xi32>
        %gather3A_715 = tpu.vector_load_idx %arg11[%broadcast_in_dim3A_714, %sub3A_652] masked %and3A : memref<16x576xf32, #tpu.memory_space<vmem>>[vector<16xi32>, vector<16xi32>], vector<16xf32>, vector<16xi1>
        %add3A_716 = arith.constant 8 : i32
        %add3A_717 = vector.broadcast %add3A_716 : i32 to vector<16xi32>
        %add3A_718 = arith.addi %shift_left3A_665, %add3A_717 : vector<16xi32>
        tpu.vector_store_idx %arg10[%shift_right_logical3A_660, %add3A_718], %gather3A_715 masked %and3A : memref<128x128xf32, #tpu.memory_space<vmem>>[vector<16xi32>, vector<16xi32>], vector<16xf32>, vector<16xi1>
        %broadcast_in_dim3A_719 = arith.constant 9 : i32
        %broadcast_in_dim3A_720 = vector.broadcast %broadcast_in_dim3A_719 : i32 to vector<16xi32>
        %gather3A_721 = tpu.vector_load_idx %arg11[%broadcast_in_dim3A_720, %sub3A_652] masked %and3A : memref<16x576xf32, #tpu.memory_space<vmem>>[vector<16xi32>, vector<16xi32>], vector<16xf32>, vector<16xi1>
        %add3A_722 = arith.constant 9 : i32
        %add3A_723 = vector.broadcast %add3A_722 : i32 to vector<16xi32>
        %add3A_724 = arith.addi %shift_left3A_665, %add3A_723 : vector<16xi32>
        tpu.vector_store_idx %arg10[%shift_right_logical3A_660, %add3A_724], %gather3A_721 masked %and3A : memref<128x128xf32, #tpu.memory_space<vmem>>[vector<16xi32>, vector<16xi32>], vector<16xf32>, vector<16xi1>
        %broadcast_in_dim3A_725 = arith.constant 10 : i32
        %broadcast_in_dim3A_726 = vector.broadcast %broadcast_in_dim3A_725 : i32 to vector<16xi32>
        %gather3A_727 = tpu.vector_load_idx %arg11[%broadcast_in_dim3A_726, %sub3A_652] masked %and3A : memref<16x576xf32, #tpu.memory_space<vmem>>[vector<16xi32>, vector<16xi32>], vector<16xf32>, vector<16xi1>
        %add3A_728 = arith.constant 10 : i32
        %add3A_729 = vector.broadcast %add3A_728 : i32 to vector<16xi32>
        %add3A_730 = arith.addi %shift_left3A_665, %add3A_729 : vector<16xi32>
        tpu.vector_store_idx %arg10[%shift_right_logical3A_660, %add3A_730], %gather3A_727 masked %and3A : memref<128x128xf32, #tpu.memory_space<vmem>>[vector<16xi32>, vector<16xi32>], vector<16xf32>, vector<16xi1>
        %broadcast_in_dim3A_731 = arith.constant 11 : i32
        %broadcast_in_dim3A_732 = vector.broadcast %broadcast_in_dim3A_731 : i32 to vector<16xi32>
        %gather3A_733 = tpu.vector_load_idx %arg11[%broadcast_in_dim3A_732, %sub3A_652] masked %and3A : memref<16x576xf32, #tpu.memory_space<vmem>>[vector<16xi32>, vector<16xi32>], vector<16xf32>, vector<16xi1>
        %add3A_734 = arith.constant 11 : i32
        %add3A_735 = vector.broadcast %add3A_734 : i32 to vector<16xi32>
        %add3A_736 = arith.addi %shift_left3A_665, %add3A_735 : vector<16xi32>
        tpu.vector_store_idx %arg10[%shift_right_logical3A_660, %add3A_736], %gather3A_733 masked %and3A : memref<128x128xf32, #tpu.memory_space<vmem>>[vector<16xi32>, vector<16xi32>], vector<16xf32>, vector<16xi1>
        %broadcast_in_dim3A_737 = arith.constant 12 : i32
        %broadcast_in_dim3A_738 = vector.broadcast %broadcast_in_dim3A_737 : i32 to vector<16xi32>
        %gather3A_739 = tpu.vector_load_idx %arg11[%broadcast_in_dim3A_738, %sub3A_652] masked %and3A : memref<16x576xf32, #tpu.memory_space<vmem>>[vector<16xi32>, vector<16xi32>], vector<16xf32>, vector<16xi1>
        %add3A_740 = arith.constant 12 : i32
        %add3A_741 = vector.broadcast %add3A_740 : i32 to vector<16xi32>
        %add3A_742 = arith.addi %shift_left3A_665, %add3A_741 : vector<16xi32>
        tpu.vector_store_idx %arg10[%shift_right_logical3A_660, %add3A_742], %gather3A_739 masked %and3A : memref<128x128xf32, #tpu.memory_space<vmem>>[vector<16xi32>, vector<16xi32>], vector<16xf32>, vector<16xi1>
        %broadcast_in_dim3A_743 = arith.constant 13 : i32
        %broadcast_in_dim3A_744 = vector.broadcast %broadcast_in_dim3A_743 : i32 to vector<16xi32>
        %gather3A_745 = tpu.vector_load_idx %arg11[%broadcast_in_dim3A_744, %sub3A_652] masked %and3A : memref<16x576xf32, #tpu.memory_space<vmem>>[vector<16xi32>, vector<16xi32>], vector<16xf32>, vector<16xi1>
        %add3A_746 = arith.constant 13 : i32
        %add3A_747 = vector.broadcast %add3A_746 : i32 to vector<16xi32>
        %add3A_748 = arith.addi %shift_left3A_665, %add3A_747 : vector<16xi32>
        tpu.vector_store_idx %arg10[%shift_right_logical3A_660, %add3A_748], %gather3A_745 masked %and3A : memref<128x128xf32, #tpu.memory_space<vmem>>[vector<16xi32>, vector<16xi32>], vector<16xf32>, vector<16xi1>
        %broadcast_in_dim3A_749 = arith.constant 14 : i32
        %broadcast_in_dim3A_750 = vector.broadcast %broadcast_in_dim3A_749 : i32 to vector<16xi32>
        %gather3A_751 = tpu.vector_load_idx %arg11[%broadcast_in_dim3A_750, %sub3A_652] masked %and3A : memref<16x576xf32, #tpu.memory_space<vmem>>[vector<16xi32>, vector<16xi32>], vector<16xf32>, vector<16xi1>
        %add3A_752 = arith.constant 14 : i32
        %add3A_753 = vector.broadcast %add3A_752 : i32 to vector<16xi32>
        %add3A_754 = arith.addi %shift_left3A_665, %add3A_753 : vector<16xi32>
        tpu.vector_store_idx %arg10[%shift_right_logical3A_660, %add3A_754], %gather3A_751 masked %and3A : memref<128x128xf32, #tpu.memory_space<vmem>>[vector<16xi32>, vector<16xi32>], vector<16xf32>, vector<16xi1>
        %broadcast_in_dim3A_755 = arith.constant 15 : i32
        %broadcast_in_dim3A_756 = vector.broadcast %broadcast_in_dim3A_755 : i32 to vector<16xi32>
        %gather3A_757 = tpu.vector_load_idx %arg11[%broadcast_in_dim3A_756, %sub3A_652] masked %and3A : memref<16x576xf32, #tpu.memory_space<vmem>>[vector<16xi32>, vector<16xi32>], vector<16xf32>, vector<16xi1>
        %add3A_758 = arith.constant 15 : i32
        %add3A_759 = vector.broadcast %add3A_758 : i32 to vector<16xi32>
        %add3A_760 = arith.addi %shift_left3A_665, %add3A_759 : vector<16xi32>
        tpu.vector_store_idx %arg10[%shift_right_logical3A_660, %add3A_760], %gather3A_757 masked %and3A : memref<128x128xf32, #tpu.memory_space<vmem>>[vector<16xi32>, vector<16xi32>], vector<16xf32>, vector<16xi1>
      } else {
      }
    }
    %while3A_97 = arith.constant 1 : i32
    scf.for %while3A_626 = %while3A_95 to %while3A_91 step %while3A_97  : i32 {
      %mul3A_627 = arith.constant 16 : i32
      %mul3A_628 = arith.muli %while3A_626, %mul3A_627 : i32
      %get3A = arith.index_cast %mul3A_628 : i32 to index
      %get3A_629 = tpu.vector_load %arg7[%get3A] {strides = array<i32>} : memref<1040xi32, #tpu.memory_space<vmem>>, vector<16xi32>,
      %iota3A = tpu.iota {dimensions = array<i32: 0>} : vector<16xi32>
      %mul3A_630 = arith.constant 16 : i32
      %mul3A_631 = arith.muli %while3A_626, %mul3A_630 : i32
      %add3A_632 = vector.broadcast %mul3A_631 : i32 to vector<16xi32>
      %add3A_633 = arith.addi %iota3A, %add3A_632 : vector<16xi32>
      %lt3A = vector.broadcast %reduce_max3A_79 : i32 to vector<16xi32>
      %lt3A_634 = arith.cmpi slt, %add3A_633, %lt3A : vector<16xi32>
      %shift_right_logical3A_635 = arith.constant 11 : i32
      %shift_right_logical3A_636 = vector.broadcast %shift_right_logical3A_635 : i32 to vector<16xi32>
      %shift_right_logical3A_637 = arith.shrui %get3A_629, %shift_right_logical3A_636 : vector<16xi32>
      %eq3A = arith.constant 488 : i32
      %eq3A_638 = vector.broadcast %eq3A : i32 to vector<16xi32>
      %eq3A_639 = arith.cmpi eq, %shift_right_logical3A_637, %eq3A_638 : vector<16xi32>
      %and3A = arith.andi %eq3A_639, %lt3A_634 : vector<16xi1>
      %reduce_or3A = arith.constant 1.000000e+00 : f32
      %reduce_or3A_640 = arith.constant 0.000000e+00 : f32
      %reduce_or3A_641 = vector.broadcast %reduce_or3A : f32 to vector<16xf32>
      %reduce_or3A_642 = vector.broadcast %reduce_or3A_640 : f32 to vector<16xf32>
      %reduce_or3A_643 = arith.select %and3A, %reduce_or3A_641, %reduce_or3A_642 : vector<16xi1>, vector<16xf32>
      %reduce_or3A_644 = arith.constant true
      %reduce_or3A_645 = vector.broadcast %reduce_or3A_644 : i1 to vector<16xi1>
      %reduce_or3A_646 = tpu.scan <max>, %reduce_or3A_643 masked %reduce_or3A_645 : vector<16xf32>, vector<16xi1> -> vector<16xf32>
      %reduce_or3A_647 = vector.extract %reduce_or3A_646[15] : f32 from vector<16xf32>
      %reduce_or3A_648 = arith.constant 0.000000e+00 : f32
      %reduce_or3A_649 = arith.cmpf ogt, %reduce_or3A_647, %reduce_or3A_648 : f32
      %convert_element_type3A = arith.extui %reduce_or3A_649 : i1 to i32
      %cond3A = arith.constant 0 : i32
      %cond3A_650 = arith.cmpi ne, %convert_element_type3A, %cond3A : i32
      scf.if %cond3A_650 {
        %sub3A = arith.constant 999424 : i32
        %sub3A_651 = vector.broadcast %sub3A : i32 to vector<16xi32>
        %sub3A_652 = arith.subi %get3A_629, %sub3A_651 : vector<16xi32>
        %iota3A_653 = tpu.iota {dimensions = array<i32: 0>} : vector<16xi32>
        %mul3A_654 = arith.constant 16 : i32
        %mul3A_655 = arith.muli %while3A_626, %mul3A_654 : i32
        %add3A_656 = vector.broadcast %mul3A_655 : i32 to vector<16xi32>
        %add3A_657 = arith.addi %iota3A_653, %add3A_656 : vector<16xi32>
        %shift_right_logical3A_658 = arith.constant 3 : i32
        %shift_right_logical3A_659 = vector.broadcast %shift_right_logical3A_658 : i32 to vector<16xi32>
        %shift_right_logical3A_660 = arith.shrui %add3A_657, %shift_right_logical3A_659 : vector<16xi32>
        %and3A_661 = arith.constant 7 : i32
        %and3A_662 = vector.broadcast %and3A_661 : i32 to vector<16xi32>
        %and3A_663 = arith.andi %add3A_657, %and3A_662 : vector<16xi32>
        %shift_left3A = arith.constant 4 : i32
        %shift_left3A_664 = vector.broadcast %shift_left3A : i32 to vector<16xi32>
        %shift_left3A_665 = arith.shli %and3A_663, %shift_left3A_664 : vector<16xi32>
        %broadcast_in_dim3A_666 = arith.constant 0 : i32
        %broadcast_in_dim3A_667 = vector.broadcast %broadcast_in_dim3A_666 : i32 to vector<16xi32>
        %gather3A = tpu.vector_load_idx %arg11[%broadcast_in_dim3A_667, %sub3A_652] masked %and3A : memref<16x576xf32, #tpu.memory_space<vmem>>[vector<16xi32>, vector<16xi32>], vector<16xf32>, vector<16xi1>
        %add3A_668 = arith.constant 0 : i32
        %add3A_669 = vector.broadcast %add3A_668 : i32 to vector<16xi32>
        %add3A_670 = arith.addi %shift_left3A_665, %add3A_669 : vector<16xi32>
        tpu.vector_store_idx %arg10[%shift_right_logical3A_660, %add3A_670], %gather3A masked %and3A : memref<128x128xf32, #tpu.memory_space<vmem>>[vector<16xi32>, vector<16xi32>], vector<16xf32>, vector<16xi1>
        %broadcast_in_dim3A_671 = arith.constant 1 : i32
        %broadcast_in_dim3A_672 = vector.broadcast %broadcast_in_dim3A_671 : i32 to vector<16xi32>
        %gather3A_673 = tpu.vector_load_idx %arg11[%broadcast_in_dim3A_672, %sub3A_652] masked %and3A : memref<16x576xf32, #tpu.memory_space<vmem>>[vector<16xi32>, vector<16xi32>], vector<16xf32>, vector<16xi1>
        %add3A_674 = arith.constant 1 : i32
        %add3A_675 = vector.broadcast %add3A_674 : i32 to vector<16xi32>
        %add3A_676 = arith.addi %shift_left3A_665, %add3A_675 : vector<16xi32>
        tpu.vector_store_idx %arg10[%shift_right_logical3A_660, %add3A_676], %gather3A_673 masked %and3A : memref<128x128xf32, #tpu.memory_space<vmem>>[vector<16xi32>, vector<16xi32>], vector<16xf32>, vector<16xi1>
        %broadcast_in_dim3A_677 = arith.constant 2 : i32
        %broadcast_in_dim3A_678 = vector.broadcast %broadcast_in_dim3A_677 : i32 to vector<16xi32>
        %gather3A_679 = tpu.vector_load_idx %arg11[%broadcast_in_dim3A_678, %sub3A_652] masked %and3A : memref<16x576xf32, #tpu.memory_space<vmem>>[vector<16xi32>, vector<16xi32>], vector<16xf32>, vector<16xi1>
        %add3A_680 = arith.constant 2 : i32
        %add3A_681 = vector.broadcast %add3A_680 : i32 to vector<16xi32>
        %add3A_682 = arith.addi %shift_left3A_665, %add3A_681 : vector<16xi32>
        tpu.vector_store_idx %arg10[%shift_right_logical3A_660, %add3A_682], %gather3A_679 masked %and3A : memref<128x128xf32, #tpu.memory_space<vmem>>[vector<16xi32>, vector<16xi32>], vector<16xf32>, vector<16xi1>
        %broadcast_in_dim3A_683 = arith.constant 3 : i32
        %broadcast_in_dim3A_684 = vector.broadcast %broadcast_in_dim3A_683 : i32 to vector<16xi32>
        %gather3A_685 = tpu.vector_load_idx %arg11[%broadcast_in_dim3A_684, %sub3A_652] masked %and3A : memref<16x576xf32, #tpu.memory_space<vmem>>[vector<16xi32>, vector<16xi32>], vector<16xf32>, vector<16xi1>
        %add3A_686 = arith.constant 3 : i32
        %add3A_687 = vector.broadcast %add3A_686 : i32 to vector<16xi32>
        %add3A_688 = arith.addi %shift_left3A_665, %add3A_687 : vector<16xi32>
        tpu.vector_store_idx %arg10[%shift_right_logical3A_660, %add3A_688], %gather3A_685 masked %and3A : memref<128x128xf32, #tpu.memory_space<vmem>>[vector<16xi32>, vector<16xi32>], vector<16xf32>, vector<16xi1>
        %broadcast_in_dim3A_689 = arith.constant 4 : i32
        %broadcast_in_dim3A_690 = vector.broadcast %broadcast_in_dim3A_689 : i32 to vector<16xi32>
        %gather3A_691 = tpu.vector_load_idx %arg11[%broadcast_in_dim3A_690, %sub3A_652] masked %and3A : memref<16x576xf32, #tpu.memory_space<vmem>>[vector<16xi32>, vector<16xi32>], vector<16xf32>, vector<16xi1>
        %add3A_692 = arith.constant 4 : i32
        %add3A_693 = vector.broadcast %add3A_692 : i32 to vector<16xi32>
        %add3A_694 = arith.addi %shift_left3A_665, %add3A_693 : vector<16xi32>
        tpu.vector_store_idx %arg10[%shift_right_logical3A_660, %add3A_694], %gather3A_691 masked %and3A : memref<128x128xf32, #tpu.memory_space<vmem>>[vector<16xi32>, vector<16xi32>], vector<16xf32>, vector<16xi1>
        %broadcast_in_dim3A_695 = arith.constant 5 : i32
        %broadcast_in_dim3A_696 = vector.broadcast %broadcast_in_dim3A_695 : i32 to vector<16xi32>
        %gather3A_697 = tpu.vector_load_idx %arg11[%broadcast_in_dim3A_696, %sub3A_652] masked %and3A : memref<16x576xf32, #tpu.memory_space<vmem>>[vector<16xi32>, vector<16xi32>], vector<16xf32>, vector<16xi1>
        %add3A_698 = arith.constant 5 : i32
        %add3A_699 = vector.broadcast %add3A_698 : i32 to vector<16xi32>
        %add3A_700 = arith.addi %shift_left3A_665, %add3A_699 : vector<16xi32>
        tpu.vector_store_idx %arg10[%shift_right_logical3A_660, %add3A_700], %gather3A_697 masked %and3A : memref<128x128xf32, #tpu.memory_space<vmem>>[vector<16xi32>, vector<16xi32>], vector<16xf32>, vector<16xi1>
        %broadcast_in_dim3A_701 = arith.constant 6 : i32
        %broadcast_in_dim3A_702 = vector.broadcast %broadcast_in_dim3A_701 : i32 to vector<16xi32>
        %gather3A_703 = tpu.vector_load_idx %arg11[%broadcast_in_dim3A_702, %sub3A_652] masked %and3A : memref<16x576xf32, #tpu.memory_space<vmem>>[vector<16xi32>, vector<16xi32>], vector<16xf32>, vector<16xi1>
        %add3A_704 = arith.constant 6 : i32
        %add3A_705 = vector.broadcast %add3A_704 : i32 to vector<16xi32>
        %add3A_706 = arith.addi %shift_left3A_665, %add3A_705 : vector<16xi32>
        tpu.vector_store_idx %arg10[%shift_right_logical3A_660, %add3A_706], %gather3A_703 masked %and3A : memref<128x128xf32, #tpu.memory_space<vmem>>[vector<16xi32>, vector<16xi32>], vector<16xf32>, vector<16xi1>
        %broadcast_in_dim3A_707 = arith.constant 7 : i32
        %broadcast_in_dim3A_708 = vector.broadcast %broadcast_in_dim3A_707 : i32 to vector<16xi32>
        %gather3A_709 = tpu.vector_load_idx %arg11[%broadcast_in_dim3A_708, %sub3A_652] masked %and3A : memref<16x576xf32, #tpu.memory_space<vmem>>[vector<16xi32>, vector<16xi32>], vector<16xf32>, vector<16xi1>
        %add3A_710 = arith.constant 7 : i32
        %add3A_711 = vector.broadcast %add3A_710 : i32 to vector<16xi32>
        %add3A_712 = arith.addi %shift_left3A_665, %add3A_711 : vector<16xi32>
        tpu.vector_store_idx %arg10[%shift_right_logical3A_660, %add3A_712], %gather3A_709 masked %and3A : memref<128x128xf32, #tpu.memory_space<vmem>>[vector<16xi32>, vector<16xi32>], vector<16xf32>, vector<16xi1>
        %broadcast_in_dim3A_713 = arith.constant 8 : i32
        %broadcast_in_dim3A_714 = vector.broadcast %broadcast_in_dim3A_713 : i32 to vector<16xi32>
        %gather3A_715 = tpu.vector_load_idx %arg11[%broadcast_in_dim3A_714, %sub3A_652] masked %and3A : memref<16x576xf32, #tpu.memory_space<vmem>>[vector<16xi32>, vector<16xi32>], vector<16xf32>, vector<16xi1>
        %add3A_716 = arith.constant 8 : i32
        %add3A_717 = vector.broadcast %add3A_716 : i32 to vector<16xi32>
        %add3A_718 = arith.addi %shift_left3A_665, %add3A_717 : vector<16xi32>
        tpu.vector_store_idx %arg10[%shift_right_logical3A_660, %add3A_718], %gather3A_715 masked %and3A : memref<128x128xf32, #tpu.memory_space<vmem>>[vector<16xi32>, vector<16xi32>], vector<16xf32>, vector<16xi1>
        %broadcast_in_dim3A_719 = arith.constant 9 : i32
        %broadcast_in_dim3A_720 = vector.broadcast %broadcast_in_dim3A_719 : i32 to vector<16xi32>
        %gather3A_721 = tpu.vector_load_idx %arg11[%broadcast_in_dim3A_720, %sub3A_652] masked %and3A : memref<16x576xf32, #tpu.memory_space<vmem>>[vector<16xi32>, vector<16xi32>], vector<16xf32>, vector<16xi1>
        %add3A_722 = arith.constant 9 : i32
        %add3A_723 = vector.broadcast %add3A_722 : i32 to vector<16xi32>
        %add3A_724 = arith.addi %shift_left3A_665, %add3A_723 : vector<16xi32>
        tpu.vector_store_idx %arg10[%shift_right_logical3A_660, %add3A_724], %gather3A_721 masked %and3A : memref<128x128xf32, #tpu.memory_space<vmem>>[vector<16xi32>, vector<16xi32>], vector<16xf32>, vector<16xi1>
        %broadcast_in_dim3A_725 = arith.constant 10 : i32
        %broadcast_in_dim3A_726 = vector.broadcast %broadcast_in_dim3A_725 : i32 to vector<16xi32>
        %gather3A_727 = tpu.vector_load_idx %arg11[%broadcast_in_dim3A_726, %sub3A_652] masked %and3A : memref<16x576xf32, #tpu.memory_space<vmem>>[vector<16xi32>, vector<16xi32>], vector<16xf32>, vector<16xi1>
        %add3A_728 = arith.constant 10 : i32
        %add3A_729 = vector.broadcast %add3A_728 : i32 to vector<16xi32>
        %add3A_730 = arith.addi %shift_left3A_665, %add3A_729 : vector<16xi32>
        tpu.vector_store_idx %arg10[%shift_right_logical3A_660, %add3A_730], %gather3A_727 masked %and3A : memref<128x128xf32, #tpu.memory_space<vmem>>[vector<16xi32>, vector<16xi32>], vector<16xf32>, vector<16xi1>
        %broadcast_in_dim3A_731 = arith.constant 11 : i32
        %broadcast_in_dim3A_732 = vector.broadcast %broadcast_in_dim3A_731 : i32 to vector<16xi32>
        %gather3A_733 = tpu.vector_load_idx %arg11[%broadcast_in_dim3A_732, %sub3A_652] masked %and3A : memref<16x576xf32, #tpu.memory_space<vmem>>[vector<16xi32>, vector<16xi32>], vector<16xf32>, vector<16xi1>
        %add3A_734 = arith.constant 11 : i32
        %add3A_735 = vector.broadcast %add3A_734 : i32 to vector<16xi32>
        %add3A_736 = arith.addi %shift_left3A_665, %add3A_735 : vector<16xi32>
        tpu.vector_store_idx %arg10[%shift_right_logical3A_660, %add3A_736], %gather3A_733 masked %and3A : memref<128x128xf32, #tpu.memory_space<vmem>>[vector<16xi32>, vector<16xi32>], vector<16xf32>, vector<16xi1>
        %broadcast_in_dim3A_737 = arith.constant 12 : i32
        %broadcast_in_dim3A_738 = vector.broadcast %broadcast_in_dim3A_737 : i32 to vector<16xi32>
        %gather3A_739 = tpu.vector_load_idx %arg11[%broadcast_in_dim3A_738, %sub3A_652] masked %and3A : memref<16x576xf32, #tpu.memory_space<vmem>>[vector<16xi32>, vector<16xi32>], vector<16xf32>, vector<16xi1>
        %add3A_740 = arith.constant 12 : i32
        %add3A_741 = vector.broadcast %add3A_740 : i32 to vector<16xi32>
        %add3A_742 = arith.addi %shift_left3A_665, %add3A_741 : vector<16xi32>
        tpu.vector_store_idx %arg10[%shift_right_logical3A_660, %add3A_742], %gather3A_739 masked %and3A : memref<128x128xf32, #tpu.memory_space<vmem>>[vector<16xi32>, vector<16xi32>], vector<16xf32>, vector<16xi1>
        %broadcast_in_dim3A_743 = arith.constant 13 : i32
        %broadcast_in_dim3A_744 = vector.broadcast %broadcast_in_dim3A_743 : i32 to vector<16xi32>
        %gather3A_745 = tpu.vector_load_idx %arg11[%broadcast_in_dim3A_744, %sub3A_652] masked %and3A : memref<16x576xf32, #tpu.memory_space<vmem>>[vector<16xi32>, vector<16xi32>], vector<16xf32>, vector<16xi1>
        %add3A_746 = arith.constant 13 : i32
        %add3A_747 = vector.broadcast %add3A_746 : i32 to vector<16xi32>
        %add3A_748 = arith.addi %shift_left3A_665, %add3A_747 : vector<16xi32>
        tpu.vector_store_idx %arg10[%shift_right_logical3A_660, %add3A_748], %gather3A_745 masked %and3A : memref<128x128xf32, #tpu.memory_space<vmem>>[vector<16xi32>, vector<16xi32>], vector<16xf32>, vector<16xi1>
        %broadcast_in_dim3A_749 = arith.constant 14 : i32
        %broadcast_in_dim3A_750 = vector.broadcast %broadcast_in_dim3A_749 : i32 to vector<16xi32>
        %gather3A_751 = tpu.vector_load_idx %arg11[%broadcast_in_dim3A_750, %sub3A_652] masked %and3A : memref<16x576xf32, #tpu.memory_space<vmem>>[vector<16xi32>, vector<16xi32>], vector<16xf32>, vector<16xi1>
        %add3A_752 = arith.constant 14 : i32
        %add3A_753 = vector.broadcast %add3A_752 : i32 to vector<16xi32>
        %add3A_754 = arith.addi %shift_left3A_665, %add3A_753 : vector<16xi32>
        tpu.vector_store_idx %arg10[%shift_right_logical3A_660, %add3A_754], %gather3A_751 masked %and3A : memref<128x128xf32, #tpu.memory_space<vmem>>[vector<16xi32>, vector<16xi32>], vector<16xf32>, vector<16xi1>
        %broadcast_in_dim3A_755 = arith.constant 15 : i32
        %broadcast_in_dim3A_756 = vector.broadcast %broadcast_in_dim3A_755 : i32 to vector<16xi32>
        %gather3A_757 = tpu.vector_load_idx %arg11[%broadcast_in_dim3A_756, %sub3A_652] masked %and3A : memref<16x576xf32, #tpu.memory_space<vmem>>[vector<16xi32>, vector<16xi32>], vector<16xf32>, vector<16xi1>
        %add3A_758 = arith.constant 15 : i32
        %add3A_759 = vector.broadcast %add3A_758 : i32 to vector<16xi32>
        %add3A_760 = arith.addi %shift_left3A_665, %add3A_759 : vector<16xi32>
        tpu.vector_store_idx %arg10[%shift_right_logical3A_660, %add3A_760], %gather3A_757 masked %and3A : memref<128x128xf32, #tpu.memory_space<vmem>>[vector<16xi32>, vector<16xi32>], vector<16xf32>, vector<16xi1>
      } else {
      }
    }
    %scan3A_98 = arith.constant 0 : i32
    %scan3A_99 = arith.constant 0 : i32
    %scan3A_100 = arith.constant 64 : i32
    %scan3A_101 = arith.addi %scan3A_99, %scan3A_100 : i32
    %scan3A_102 = arith.constant 1 : i32
    scf.for %scan3A_626 = %scan3A_99 to %scan3A_101 step %scan3A_102  : i32 {
      %add3A_627 = arith.constant 0 : i32
      %add3A_628 = arith.addi %add3A_627, %scan3A_626 : i32
      %shift_right_logical3A_629 = arith.constant 3 : i32
      %shift_right_logical3A_630 = arith.shrui %add3A_628, %shift_right_logical3A_629 : i32
      %and3A = arith.constant 7 : i32
      %and3A_631 = arith.andi %add3A_628, %and3A : i32
      %mul3A_632 = arith.constant 16 : i32
      %mul3A_633 = arith.muli %and3A_631, %mul3A_632 : i32
      %get3A = arith.index_cast %shift_right_logical3A_630 : i32 to index
      %get3A_634 = arith.index_cast %mul3A_633 : i32 to index
      %get3A_635 = tpu.vector_load %arg10[%get3A, %get3A_634] {strides = array<i32>} : memref<128x128xf32, #tpu.memory_space<vmem>>, vector<16xf32>,
      %swap3A = arith.constant 0 : i32
      %swap3A_636 = arith.index_cast %swap3A : i32 to index
      %swap3A_637 = arith.index_cast %scan3A_626 : i32 to index
      %swap3A_638 = arith.constant 0 : index
      %swap3A_639 = tpu.vector_load %arg12[%swap3A_636, %swap3A_637, %swap3A_638] {strides = array<i32>} : memref<2x64x128xf32, #tpu.memory_space<vmem>>, vector<16xf32>,
      tpu.vector_store %arg12[%swap3A_636, %swap3A_637, %swap3A_638], %get3A_635 {strides = array<i32>} : memref<2x64x128xf32, #tpu.memory_space<vmem>>, vector<16xf32>,
    }
    %scan3A_103 = arith.constant 64 : i32
    %dma_start3A_104 = arith.constant 0 : i32
    %dma_start3A_105 = arith.constant 0 : i32
    %dma_start3A_106 = arith.constant 0 : i32
    %dma_start3A_107 = arith.constant 0 : i32
    %dma_start3A_108 = tpu.memref_slice %arg12[%dma_start3A_104, %dma_start3A_106, %dma_start3A_107] : memref<2x64x128xf32, #tpu.memory_space<vmem>> -> memref<1x64x128xf32, #tpu.memory_space<vmem>>
    %dma_start3A_109 = tpu.memref_squeeze %dma_start3A_108 : memref<1x64x128xf32, #tpu.memory_space<vmem>> -> memref<64x128xf32, #tpu.memory_space<vmem>>
    %dma_start3A_110 = arith.constant 0 : i32
    %dma_start3A_111 = tpu.memref_slice %arg8[%dma_start3A_110] : memref<1040xi32, #tpu.memory_space<vmem>> -> memref<64xi32, #tpu.memory_space<vmem>>
    %dma_start3A_112 = arith.constant 0 : i32
    %dma_start3A_113 = arith.constant 0 : i32
    %dma_start3A_114 = tpu.memref_slice %arg5[%dma_start3A_112, %dma_start3A_113] : memref<16384x128xf32, #tpu.memory_space<hbm>> -> memref<16384x128xf32, #tpu.memory_space<hbm>>
    %dma_start3A_115 = arith.constant -1 : i32
    %dma_start3A_116 = tpu.memref_slice %arg14[%dma_start3A_105] : memref<2x!tpu.dma_semaphore, #tpu.memory_space<semaphore_mem>> -> memref<1x!tpu.dma_semaphore, #tpu.memory_space<semaphore_mem>>
    %dma_start3A_117 = tpu.memref_squeeze %dma_start3A_116 : memref<1x!tpu.dma_semaphore, #tpu.memory_space<semaphore_mem>> -> memref<!tpu.dma_semaphore, #tpu.memory_space<semaphore_mem>>
    tpu.enqueue_indirect_dma source(%dma_start3A_109 : memref<64x128xf32, #tpu.memory_space<vmem>>) target(%dma_start3A_114 : memref<16384x128xf32, #tpu.memory_space<hbm>>) offsets(%dma_start3A_111 : memref<64xi32, #tpu.memory_space<vmem>>) offset_filter(%dma_start3A_115) semaphore(%dma_start3A_117 : memref<!tpu.dma_semaphore, #tpu.memory_space<semaphore_mem>>)
    %scan3A_118 = arith.constant 0 : i32
    %scan3A_119 = arith.constant 0 : i32
    %scan3A_120 = arith.constant 64 : i32
    %scan3A_121 = arith.addi %scan3A_119, %scan3A_120 : i32
    %scan3A_122 = arith.constant 1 : i32
    scf.for %scan3A_626 = %scan3A_119 to %scan3A_121 step %scan3A_122  : i32 {
      %add3A_627 = arith.constant 64 : i32
      %add3A_628 = arith.addi %add3A_627, %scan3A_626 : i32
      %shift_right_logical3A_629 = arith.constant 3 : i32
      %shift_right_logical3A_630 = arith.shrui %add3A_628, %shift_right_logical3A_629 : i32
      %and3A = arith.constant 7 : i32
      %and3A_631 = arith.andi %add3A_628, %and3A : i32
      %mul3A_632 = arith.constant 16 : i32
      %mul3A_633 = arith.muli %and3A_631, %mul3A_632 : i32
      %get3A = arith.index_cast %shift_right_logical3A_630 : i32 to index
      %get3A_634 = arith.index_cast %mul3A_633 : i32 to index
      %get3A_635 = tpu.vector_load %arg10[%get3A, %get3A_634] {strides = array<i32>} : memref<128x128xf32, #tpu.memory_space<vmem>>, vector<16xf32>,
      %swap3A = arith.constant 1 : i32
      %swap3A_636 = arith.index_cast %swap3A : i32 to index
      %swap3A_637 = arith.index_cast %scan3A_626 : i32 to index
      %swap3A_638 = arith.constant 0 : index
      %swap3A_639 = tpu.vector_load %arg12[%swap3A_636, %swap3A_637, %swap3A_638] {strides = array<i32>} : memref<2x64x128xf32, #tpu.memory_space<vmem>>, vector<16xf32>,
      tpu.vector_store %arg12[%swap3A_636, %swap3A_637, %swap3A_638], %get3A_635 {strides = array<i32>} : memref<2x64x128xf32, #tpu.memory_space<vmem>>, vector<16xf32>,
    }
    %scan3A_123 = arith.constant 64 : i32
    %dma_start3A_124 = arith.constant 1 : i32
    %dma_start3A_125 = arith.constant 1 : i32
    %dma_start3A_126 = arith.constant 0 : i32
    %dma_start3A_127 = arith.constant 0 : i32
    %dma_start3A_128 = tpu.memref_slice %arg12[%dma_start3A_124, %dma_start3A_126, %dma_start3A_127] : memref<2x64x128xf32, #tpu.memory_space<vmem>> -> memref<1x64x128xf32, #tpu.memory_space<vmem>>
    %dma_start3A_129 = tpu.memref_squeeze %dma_start3A_128 : memref<1x64x128xf32, #tpu.memory_space<vmem>> -> memref<64x128xf32, #tpu.memory_space<vmem>>
    %dma_start3A_130 = arith.constant 64 : i32
    %dma_start3A_131 = tpu.memref_slice %arg8[%dma_start3A_130] : memref<1040xi32, #tpu.memory_space<vmem>> -> memref<64xi32, #tpu.memory_space<vmem>>
    %dma_start3A_132 = arith.constant 0 : i32
    %dma_start3A_133 = arith.constant 0 : i32
    %dma_start3A_134 = tpu.memref_slice %arg5[%dma_start3A_132, %dma_start3A_133] : memref<16384x128xf32, #tpu.memory_space<hbm>> -> memref<16384x128xf32, #tpu.memory_space<hbm>>
    %dma_start3A_135 = arith.constant -1 : i32
    %dma_start3A_136 = tpu.memref_slice %arg14[%dma_start3A_125] : memref<2x!tpu.dma_semaphore, #tpu.memory_space<semaphore_mem>> -> memref<1x!tpu.dma_semaphore, #tpu.memory_space<semaphore_mem>>
    %dma_start3A_137 = tpu.memref_squeeze %dma_start3A_136 : memref<1x!tpu.dma_semaphore, #tpu.memory_space<semaphore_mem>> -> memref<!tpu.dma_semaphore, #tpu.memory_space<semaphore_mem>>
    tpu.enqueue_indirect_dma source(%dma_start3A_129 : memref<64x128xf32, #tpu.memory_space<vmem>>) target(%dma_start3A_134 : memref<16384x128xf32, #tpu.memory_space<hbm>>) offsets(%dma_start3A_131 : memref<64xi32, #tpu.memory_space<vmem>>) offset_filter(%dma_start3A_135) semaphore(%dma_start3A_137 : memref<!tpu.dma_semaphore, #tpu.memory_space<semaphore_mem>>)
    %dma_wait3A_138 = arith.constant 0 : i32
    %dma_wait3A_139 = arith.constant 0 : i32
    %dma_wait3A_140 = arith.constant 0 : i32
    %dma_wait3A_141 = arith.constant 0 : i32
    %dma_wait3A_142 = tpu.memref_slice %arg12[%dma_wait3A_138, %dma_wait3A_140, %dma_wait3A_141] : memref<2x64x128xf32, #tpu.memory_space<vmem>> -> memref<1x64x128xf32, #tpu.memory_space<vmem>>
    %dma_wait3A_143 = tpu.memref_squeeze %dma_wait3A_142 : memref<1x64x128xf32, #tpu.memory_space<vmem>> -> memref<64x128xf32, #tpu.memory_space<vmem>>
    %dma_wait3A_144 = arith.constant 0 : i32
    %dma_wait3A_145 = tpu.memref_slice %arg8[%dma_wait3A_144] : memref<1040xi32, #tpu.memory_space<vmem>> -> memref<64xi32, #tpu.memory_space<vmem>>
    %dma_wait3A_146 = arith.constant 0 : i32
    %dma_wait3A_147 = arith.constant 0 : i32
    %dma_wait3A_148 = tpu.memref_slice %arg5[%dma_wait3A_146, %dma_wait3A_147] : memref<16384x128xf32, #tpu.memory_space<hbm>> -> memref<16384x128xf32, #tpu.memory_space<hbm>>
    %dma_wait3A_149 = tpu.memref_slice %arg14[%dma_wait3A_139] : memref<2x!tpu.dma_semaphore, #tpu.memory_space<semaphore_mem>> -> memref<1x!tpu.dma_semaphore, #tpu.memory_space<semaphore_mem>>
    %dma_wait3A_150 = tpu.memref_squeeze %dma_wait3A_149 : memref<1x!tpu.dma_semaphore, #tpu.memory_space<semaphore_mem>> -> memref<!tpu.dma_semaphore, #tpu.memory_space<semaphore_mem>>
    tpu.wait_indirect_dma semaphore(%dma_wait3A_150 : memref<!tpu.dma_semaphore, #tpu.memory_space<semaphore_mem>>) src(%dma_wait3A_143 : memref<64x128xf32, #tpu.memory_space<vmem>>) dst(%dma_wait3A_148 : memref<16384x128xf32, #tpu.memory_space<hbm>>)
    %scan3A_151 = arith.constant 0 : i32
    %scan3A_152 = arith.constant 0 : i32
    %scan3A_153 = arith.constant 64 : i32
    %scan3A_154 = arith.addi %scan3A_152, %scan3A_153 : i32
    %scan3A_155 = arith.constant 1 : i32
    scf.for %scan3A_626 = %scan3A_152 to %scan3A_154 step %scan3A_155  : i32 {
      %add3A_627 = arith.constant 128 : i32
      %add3A_628 = arith.addi %add3A_627, %scan3A_626 : i32
      %shift_right_logical3A_629 = arith.constant 3 : i32
      %shift_right_logical3A_630 = arith.shrui %add3A_628, %shift_right_logical3A_629 : i32
      %and3A = arith.constant 7 : i32
      %and3A_631 = arith.andi %add3A_628, %and3A : i32
      %mul3A_632 = arith.constant 16 : i32
      %mul3A_633 = arith.muli %and3A_631, %mul3A_632 : i32
      %get3A = arith.index_cast %shift_right_logical3A_630 : i32 to index
      %get3A_634 = arith.index_cast %mul3A_633 : i32 to index
      %get3A_635 = tpu.vector_load %arg10[%get3A, %get3A_634] {strides = array<i32>} : memref<128x128xf32, #tpu.memory_space<vmem>>, vector<16xf32>,
      %swap3A = arith.constant 0 : i32
      %swap3A_636 = arith.index_cast %swap3A : i32 to index
      %swap3A_637 = arith.index_cast %scan3A_626 : i32 to index
      %swap3A_638 = arith.constant 0 : index
      %swap3A_639 = tpu.vector_load %arg12[%swap3A_636, %swap3A_637, %swap3A_638] {strides = array<i32>} : memref<2x64x128xf32, #tpu.memory_space<vmem>>, vector<16xf32>,
      tpu.vector_store %arg12[%swap3A_636, %swap3A_637, %swap3A_638], %get3A_635 {strides = array<i32>} : memref<2x64x128xf32, #tpu.memory_space<vmem>>, vector<16xf32>,
    }
    %scan3A_156 = arith.constant 64 : i32
    %dma_start3A_157 = arith.constant 0 : i32
    %dma_start3A_158 = arith.constant 0 : i32
    %dma_start3A_159 = arith.constant 0 : i32
    %dma_start3A_160 = arith.constant 0 : i32
    %dma_start3A_161 = tpu.memref_slice %arg12[%dma_start3A_157, %dma_start3A_159, %dma_start3A_160] : memref<2x64x128xf32, #tpu.memory_space<vmem>> -> memref<1x64x128xf32, #tpu.memory_space<vmem>>
    %dma_start3A_162 = tpu.memref_squeeze %dma_start3A_161 : memref<1x64x128xf32, #tpu.memory_space<vmem>> -> memref<64x128xf32, #tpu.memory_space<vmem>>
    %dma_start3A_163 = arith.constant 128 : i32
    %dma_start3A_164 = tpu.memref_slice %arg8[%dma_start3A_163] : memref<1040xi32, #tpu.memory_space<vmem>> -> memref<64xi32, #tpu.memory_space<vmem>>
    %dma_start3A_165 = arith.constant 0 : i32
    %dma_start3A_166 = arith.constant 0 : i32
    %dma_start3A_167 = tpu.memref_slice %arg5[%dma_start3A_165, %dma_start3A_166] : memref<16384x128xf32, #tpu.memory_space<hbm>> -> memref<16384x128xf32, #tpu.memory_space<hbm>>
    %dma_start3A_168 = arith.constant -1 : i32
    %dma_start3A_169 = tpu.memref_slice %arg14[%dma_start3A_158] : memref<2x!tpu.dma_semaphore, #tpu.memory_space<semaphore_mem>> -> memref<1x!tpu.dma_semaphore, #tpu.memory_space<semaphore_mem>>
    %dma_start3A_170 = tpu.memref_squeeze %dma_start3A_169 : memref<1x!tpu.dma_semaphore, #tpu.memory_space<semaphore_mem>> -> memref<!tpu.dma_semaphore, #tpu.memory_space<semaphore_mem>>
    tpu.enqueue_indirect_dma source(%dma_start3A_162 : memref<64x128xf32, #tpu.memory_space<vmem>>) target(%dma_start3A_167 : memref<16384x128xf32, #tpu.memory_space<hbm>>) offsets(%dma_start3A_164 : memref<64xi32, #tpu.memory_space<vmem>>) offset_filter(%dma_start3A_168) semaphore(%dma_start3A_170 : memref<!tpu.dma_semaphore, #tpu.memory_space<semaphore_mem>>)
    %dma_wait3A_171 = arith.constant 1 : i32
    %dma_wait3A_172 = arith.constant 1 : i32
    %dma_wait3A_173 = arith.constant 0 : i32
    %dma_wait3A_174 = arith.constant 0 : i32
    %dma_wait3A_175 = tpu.memref_slice %arg12[%dma_wait3A_171, %dma_wait3A_173, %dma_wait3A_174] : memref<2x64x128xf32, #tpu.memory_space<vmem>> -> memref<1x64x128xf32, #tpu.memory_space<vmem>>
    %dma_wait3A_176 = tpu.memref_squeeze %dma_wait3A_175 : memref<1x64x128xf32, #tpu.memory_space<vmem>> -> memref<64x128xf32, #tpu.memory_space<vmem>>
    %dma_wait3A_177 = arith.constant 64 : i32
    %dma_wait3A_178 = tpu.memref_slice %arg8[%dma_wait3A_177] : memref<1040xi32, #tpu.memory_space<vmem>> -> memref<64xi32, #tpu.memory_space<vmem>>
    %dma_wait3A_179 = arith.constant 0 : i32
    %dma_wait3A_180 = arith.constant 0 : i32
    %dma_wait3A_181 = tpu.memref_slice %arg5[%dma_wait3A_179, %dma_wait3A_180] : memref<16384x128xf32, #tpu.memory_space<hbm>> -> memref<16384x128xf32, #tpu.memory_space<hbm>>
    %dma_wait3A_182 = tpu.memref_slice %arg14[%dma_wait3A_172] : memref<2x!tpu.dma_semaphore, #tpu.memory_space<semaphore_mem>> -> memref<1x!tpu.dma_semaphore, #tpu.memory_space<semaphore_mem>>
    %dma_wait3A_183 = tpu.memref_squeeze %dma_wait3A_182 : memref<1x!tpu.dma_semaphore, #tpu.memory_space<semaphore_mem>> -> memref<!tpu.dma_semaphore, #tpu.memory_space<semaphore_mem>>
    tpu.wait_indirect_dma semaphore(%dma_wait3A_183 : memref<!tpu.dma_semaphore, #tpu.memory_space<semaphore_mem>>) src(%dma_wait3A_176 : memref<64x128xf32, #tpu.memory_space<vmem>>) dst(%dma_wait3A_181 : memref<16384x128xf32, #tpu.memory_space<hbm>>)
    %scan3A_184 = arith.constant 0 : i32
    %scan3A_185 = arith.constant 0 : i32
    %scan3A_186 = arith.constant 64 : i32
    %scan3A_187 = arith.addi %scan3A_185, %scan3A_186 : i32
    %scan3A_188 = arith.constant 1 : i32
    scf.for %scan3A_626 = %scan3A_185 to %scan3A_187 step %scan3A_188  : i32 {
      %add3A_627 = arith.constant 192 : i32
      %add3A_628 = arith.addi %add3A_627, %scan3A_626 : i32
      %shift_right_logical3A_629 = arith.constant 3 : i32
      %shift_right_logical3A_630 = arith.shrui %add3A_628, %shift_right_logical3A_629 : i32
      %and3A = arith.constant 7 : i32
      %and3A_631 = arith.andi %add3A_628, %and3A : i32
      %mul3A_632 = arith.constant 16 : i32
      %mul3A_633 = arith.muli %and3A_631, %mul3A_632 : i32
      %get3A = arith.index_cast %shift_right_logical3A_630 : i32 to index
      %get3A_634 = arith.index_cast %mul3A_633 : i32 to index
      %get3A_635 = tpu.vector_load %arg10[%get3A, %get3A_634] {strides = array<i32>} : memref<128x128xf32, #tpu.memory_space<vmem>>, vector<16xf32>,
      %swap3A = arith.constant 1 : i32
      %swap3A_636 = arith.index_cast %swap3A : i32 to index
      %swap3A_637 = arith.index_cast %scan3A_626 : i32 to index
      %swap3A_638 = arith.constant 0 : index
      %swap3A_639 = tpu.vector_load %arg12[%swap3A_636, %swap3A_637, %swap3A_638] {strides = array<i32>} : memref<2x64x128xf32, #tpu.memory_space<vmem>>, vector<16xf32>,
      tpu.vector_store %arg12[%swap3A_636, %swap3A_637, %swap3A_638], %get3A_635 {strides = array<i32>} : memref<2x64x128xf32, #tpu.memory_space<vmem>>, vector<16xf32>,
    }
    %scan3A_189 = arith.constant 64 : i32
    %dma_start3A_190 = arith.constant 1 : i32
    %dma_start3A_191 = arith.constant 1 : i32
    %dma_start3A_192 = arith.constant 0 : i32
    %dma_start3A_193 = arith.constant 0 : i32
    %dma_start3A_194 = tpu.memref_slice %arg12[%dma_start3A_190, %dma_start3A_192, %dma_start3A_193] : memref<2x64x128xf32, #tpu.memory_space<vmem>> -> memref<1x64x128xf32, #tpu.memory_space<vmem>>
    %dma_start3A_195 = tpu.memref_squeeze %dma_start3A_194 : memref<1x64x128xf32, #tpu.memory_space<vmem>> -> memref<64x128xf32, #tpu.memory_space<vmem>>
    %dma_start3A_196 = arith.constant 192 : i32
    %dma_start3A_197 = tpu.memref_slice %arg8[%dma_start3A_196] : memref<1040xi32, #tpu.memory_space<vmem>> -> memref<64xi32, #tpu.memory_space<vmem>>
    %dma_start3A_198 = arith.constant 0 : i32
    %dma_start3A_199 = arith.constant 0 : i32
    %dma_start3A_200 = tpu.memref_slice %arg5[%dma_start3A_198, %dma_start3A_199] : memref<16384x128xf32, #tpu.memory_space<hbm>> -> memref<16384x128xf32, #tpu.memory_space<hbm>>
    %dma_start3A_201 = arith.constant -1 : i32
    %dma_start3A_202 = tpu.memref_slice %arg14[%dma_start3A_191] : memref<2x!tpu.dma_semaphore, #tpu.memory_space<semaphore_mem>> -> memref<1x!tpu.dma_semaphore, #tpu.memory_space<semaphore_mem>>
    %dma_start3A_203 = tpu.memref_squeeze %dma_start3A_202 : memref<1x!tpu.dma_semaphore, #tpu.memory_space<semaphore_mem>> -> memref<!tpu.dma_semaphore, #tpu.memory_space<semaphore_mem>>
    tpu.enqueue_indirect_dma source(%dma_start3A_195 : memref<64x128xf32, #tpu.memory_space<vmem>>) target(%dma_start3A_200 : memref<16384x128xf32, #tpu.memory_space<hbm>>) offsets(%dma_start3A_197 : memref<64xi32, #tpu.memory_space<vmem>>) offset_filter(%dma_start3A_201) semaphore(%dma_start3A_203 : memref<!tpu.dma_semaphore, #tpu.memory_space<semaphore_mem>>)
    %dma_wait3A_204 = arith.constant 0 : i32
    %dma_wait3A_205 = arith.constant 0 : i32
    %dma_wait3A_206 = arith.constant 0 : i32
    %dma_wait3A_207 = arith.constant 0 : i32
    %dma_wait3A_208 = tpu.memref_slice %arg12[%dma_wait3A_204, %dma_wait3A_206, %dma_wait3A_207] : memref<2x64x128xf32, #tpu.memory_space<vmem>> -> memref<1x64x128xf32, #tpu.memory_space<vmem>>
    %dma_wait3A_209 = tpu.memref_squeeze %dma_wait3A_208 : memref<1x64x128xf32, #tpu.memory_space<vmem>> -> memref<64x128xf32, #tpu.memory_space<vmem>>
    %dma_wait3A_210 = arith.constant 128 : i32
    %dma_wait3A_211 = tpu.memref_slice %arg8[%dma_wait3A_210] : memref<1040xi32, #tpu.memory_space<vmem>> -> memref<64xi32, #tpu.memory_space<vmem>>
    %dma_wait3A_212 = arith.constant 0 : i32
    %dma_wait3A_213 = arith.constant 0 : i32
    %dma_wait3A_214 = tpu.memref_slice %arg5[%dma_wait3A_212, %dma_wait3A_213] : memref<16384x128xf32, #tpu.memory_space<hbm>> -> memref<16384x128xf32, #tpu.memory_space<hbm>>
    %dma_wait3A_215 = tpu.memref_slice %arg14[%dma_wait3A_205] : memref<2x!tpu.dma_semaphore, #tpu.memory_space<semaphore_mem>> -> memref<1x!tpu.dma_semaphore, #tpu.memory_space<semaphore_mem>>
    %dma_wait3A_216 = tpu.memref_squeeze %dma_wait3A_215 : memref<1x!tpu.dma_semaphore, #tpu.memory_space<semaphore_mem>> -> memref<!tpu.dma_semaphore, #tpu.memory_space<semaphore_mem>>
    tpu.wait_indirect_dma semaphore(%dma_wait3A_216 : memref<!tpu.dma_semaphore, #tpu.memory_space<semaphore_mem>>) src(%dma_wait3A_209 : memref<64x128xf32, #tpu.memory_space<vmem>>) dst(%dma_wait3A_214 : memref<16384x128xf32, #tpu.memory_space<hbm>>)
    %scan3A_217 = arith.constant 0 : i32
    %scan3A_218 = arith.constant 0 : i32
    %scan3A_219 = arith.constant 64 : i32
    %scan3A_220 = arith.addi %scan3A_218, %scan3A_219 : i32
    %scan3A_221 = arith.constant 1 : i32
    scf.for %scan3A_626 = %scan3A_218 to %scan3A_220 step %scan3A_221  : i32 {
      %add3A_627 = arith.constant 256 : i32
      %add3A_628 = arith.addi %add3A_627, %scan3A_626 : i32
      %shift_right_logical3A_629 = arith.constant 3 : i32
      %shift_right_logical3A_630 = arith.shrui %add3A_628, %shift_right_logical3A_629 : i32
      %and3A = arith.constant 7 : i32
      %and3A_631 = arith.andi %add3A_628, %and3A : i32
      %mul3A_632 = arith.constant 16 : i32
      %mul3A_633 = arith.muli %and3A_631, %mul3A_632 : i32
      %get3A = arith.index_cast %shift_right_logical3A_630 : i32 to index
      %get3A_634 = arith.index_cast %mul3A_633 : i32 to index
      %get3A_635 = tpu.vector_load %arg10[%get3A, %get3A_634] {strides = array<i32>} : memref<128x128xf32, #tpu.memory_space<vmem>>, vector<16xf32>,
      %swap3A = arith.constant 0 : i32
      %swap3A_636 = arith.index_cast %swap3A : i32 to index
      %swap3A_637 = arith.index_cast %scan3A_626 : i32 to index
      %swap3A_638 = arith.constant 0 : index
      %swap3A_639 = tpu.vector_load %arg12[%swap3A_636, %swap3A_637, %swap3A_638] {strides = array<i32>} : memref<2x64x128xf32, #tpu.memory_space<vmem>>, vector<16xf32>,
      tpu.vector_store %arg12[%swap3A_636, %swap3A_637, %swap3A_638], %get3A_635 {strides = array<i32>} : memref<2x64x128xf32, #tpu.memory_space<vmem>>, vector<16xf32>,
    }
    %scan3A_222 = arith.constant 64 : i32
    %dma_start3A_223 = arith.constant 0 : i32
    %dma_start3A_224 = arith.constant 0 : i32
    %dma_start3A_225 = arith.constant 0 : i32
    %dma_start3A_226 = arith.constant 0 : i32
    %dma_start3A_227 = tpu.memref_slice %arg12[%dma_start3A_223, %dma_start3A_225, %dma_start3A_226] : memref<2x64x128xf32, #tpu.memory_space<vmem>> -> memref<1x64x128xf32, #tpu.memory_space<vmem>>
    %dma_start3A_228 = tpu.memref_squeeze %dma_start3A_227 : memref<1x64x128xf32, #tpu.memory_space<vmem>> -> memref<64x128xf32, #tpu.memory_space<vmem>>
    %dma_start3A_229 = arith.constant 256 : i32
    %dma_start3A_230 = tpu.memref_slice %arg8[%dma_start3A_229] : memref<1040xi32, #tpu.memory_space<vmem>> -> memref<64xi32, #tpu.memory_space<vmem>>
    %dma_start3A_231 = arith.constant 0 : i32
    %dma_start3A_232 = arith.constant 0 : i32
    %dma_start3A_233 = tpu.memref_slice %arg5[%dma_start3A_231, %dma_start3A_232] : memref<16384x128xf32, #tpu.memory_space<hbm>> -> memref<16384x128xf32, #tpu.memory_space<hbm>>
    %dma_start3A_234 = arith.constant -1 : i32
    %dma_start3A_235 = tpu.memref_slice %arg14[%dma_start3A_224] : memref<2x!tpu.dma_semaphore, #tpu.memory_space<semaphore_mem>> -> memref<1x!tpu.dma_semaphore, #tpu.memory_space<semaphore_mem>>
    %dma_start3A_236 = tpu.memref_squeeze %dma_start3A_235 : memref<1x!tpu.dma_semaphore, #tpu.memory_space<semaphore_mem>> -> memref<!tpu.dma_semaphore, #tpu.memory_space<semaphore_mem>>
    tpu.enqueue_indirect_dma source(%dma_start3A_228 : memref<64x128xf32, #tpu.memory_space<vmem>>) target(%dma_start3A_233 : memref<16384x128xf32, #tpu.memory_space<hbm>>) offsets(%dma_start3A_230 : memref<64xi32, #tpu.memory_space<vmem>>) offset_filter(%dma_start3A_234) semaphore(%dma_start3A_236 : memref<!tpu.dma_semaphore, #tpu.memory_space<semaphore_mem>>)
    %dma_wait3A_237 = arith.constant 1 : i32
    %dma_wait3A_238 = arith.constant 1 : i32
    %dma_wait3A_239 = arith.constant 0 : i32
    %dma_wait3A_240 = arith.constant 0 : i32
    %dma_wait3A_241 = tpu.memref_slice %arg12[%dma_wait3A_237, %dma_wait3A_239, %dma_wait3A_240] : memref<2x64x128xf32, #tpu.memory_space<vmem>> -> memref<1x64x128xf32, #tpu.memory_space<vmem>>
    %dma_wait3A_242 = tpu.memref_squeeze %dma_wait3A_241 : memref<1x64x128xf32, #tpu.memory_space<vmem>> -> memref<64x128xf32, #tpu.memory_space<vmem>>
    %dma_wait3A_243 = arith.constant 192 : i32
    %dma_wait3A_244 = tpu.memref_slice %arg8[%dma_wait3A_243] : memref<1040xi32, #tpu.memory_space<vmem>> -> memref<64xi32, #tpu.memory_space<vmem>>
    %dma_wait3A_245 = arith.constant 0 : i32
    %dma_wait3A_246 = arith.constant 0 : i32
    %dma_wait3A_247 = tpu.memref_slice %arg5[%dma_wait3A_245, %dma_wait3A_246] : memref<16384x128xf32, #tpu.memory_space<hbm>> -> memref<16384x128xf32, #tpu.memory_space<hbm>>
    %dma_wait3A_248 = tpu.memref_slice %arg14[%dma_wait3A_238] : memref<2x!tpu.dma_semaphore, #tpu.memory_space<semaphore_mem>> -> memref<1x!tpu.dma_semaphore, #tpu.memory_space<semaphore_mem>>
    %dma_wait3A_249 = tpu.memref_squeeze %dma_wait3A_248 : memref<1x!tpu.dma_semaphore, #tpu.memory_space<semaphore_mem>> -> memref<!tpu.dma_semaphore, #tpu.memory_space<semaphore_mem>>
    tpu.wait_indirect_dma semaphore(%dma_wait3A_249 : memref<!tpu.dma_semaphore, #tpu.memory_space<semaphore_mem>>) src(%dma_wait3A_242 : memref<64x128xf32, #tpu.memory_space<vmem>>) dst(%dma_wait3A_247 : memref<16384x128xf32, #tpu.memory_space<hbm>>)
    %scan3A_250 = arith.constant 0 : i32
    %scan3A_251 = arith.constant 0 : i32
    %scan3A_252 = arith.constant 64 : i32
    %scan3A_253 = arith.addi %scan3A_251, %scan3A_252 : i32
    %scan3A_254 = arith.constant 1 : i32
    scf.for %scan3A_626 = %scan3A_251 to %scan3A_253 step %scan3A_254  : i32 {
      %add3A_627 = arith.constant 320 : i32
      %add3A_628 = arith.addi %add3A_627, %scan3A_626 : i32
      %shift_right_logical3A_629 = arith.constant 3 : i32
      %shift_right_logical3A_630 = arith.shrui %add3A_628, %shift_right_logical3A_629 : i32
      %and3A = arith.constant 7 : i32
      %and3A_631 = arith.andi %add3A_628, %and3A : i32
      %mul3A_632 = arith.constant 16 : i32
      %mul3A_633 = arith.muli %and3A_631, %mul3A_632 : i32
      %get3A = arith.index_cast %shift_right_logical3A_630 : i32 to index
      %get3A_634 = arith.index_cast %mul3A_633 : i32 to index
      %get3A_635 = tpu.vector_load %arg10[%get3A, %get3A_634] {strides = array<i32>} : memref<128x128xf32, #tpu.memory_space<vmem>>, vector<16xf32>,
      %swap3A = arith.constant 1 : i32
      %swap3A_636 = arith.index_cast %swap3A : i32 to index
      %swap3A_637 = arith.index_cast %scan3A_626 : i32 to index
      %swap3A_638 = arith.constant 0 : index
      %swap3A_639 = tpu.vector_load %arg12[%swap3A_636, %swap3A_637, %swap3A_638] {strides = array<i32>} : memref<2x64x128xf32, #tpu.memory_space<vmem>>, vector<16xf32>,
      tpu.vector_store %arg12[%swap3A_636, %swap3A_637, %swap3A_638], %get3A_635 {strides = array<i32>} : memref<2x64x128xf32, #tpu.memory_space<vmem>>, vector<16xf32>,
    }
    %scan3A_255 = arith.constant 64 : i32
    %dma_start3A_256 = arith.constant 1 : i32
    %dma_start3A_257 = arith.constant 1 : i32
    %dma_start3A_258 = arith.constant 0 : i32
    %dma_start3A_259 = arith.constant 0 : i32
    %dma_start3A_260 = tpu.memref_slice %arg12[%dma_start3A_256, %dma_start3A_258, %dma_start3A_259] : memref<2x64x128xf32, #tpu.memory_space<vmem>> -> memref<1x64x128xf32, #tpu.memory_space<vmem>>
    %dma_start3A_261 = tpu.memref_squeeze %dma_start3A_260 : memref<1x64x128xf32, #tpu.memory_space<vmem>> -> memref<64x128xf32, #tpu.memory_space<vmem>>
    %dma_start3A_262 = arith.constant 320 : i32
    %dma_start3A_263 = tpu.memref_slice %arg8[%dma_start3A_262] : memref<1040xi32, #tpu.memory_space<vmem>> -> memref<64xi32, #tpu.memory_space<vmem>>
    %dma_start3A_264 = arith.constant 0 : i32
    %dma_start3A_265 = arith.constant 0 : i32
    %dma_start3A_266 = tpu.memref_slice %arg5[%dma_start3A_264, %dma_start3A_265] : memref<16384x128xf32, #tpu.memory_space<hbm>> -> memref<16384x128xf32, #tpu.memory_space<hbm>>
    %dma_start3A_267 = arith.constant -1 : i32
    %dma_start3A_268 = tpu.memref_slice %arg14[%dma_start3A_257] : memref<2x!tpu.dma_semaphore, #tpu.memory_space<semaphore_mem>> -> memref<1x!tpu.dma_semaphore, #tpu.memory_space<semaphore_mem>>
    %dma_start3A_269 = tpu.memref_squeeze %dma_start3A_268 : memref<1x!tpu.dma_semaphore, #tpu.memory_space<semaphore_mem>> -> memref<!tpu.dma_semaphore, #tpu.memory_space<semaphore_mem>>
    tpu.enqueue_indirect_dma source(%dma_start3A_261 : memref<64x128xf32, #tpu.memory_space<vmem>>) target(%dma_start3A_266 : memref<16384x128xf32, #tpu.memory_space<hbm>>) offsets(%dma_start3A_263 : memref<64xi32, #tpu.memory_space<vmem>>) offset_filter(%dma_start3A_267) semaphore(%dma_start3A_269 : memref<!tpu.dma_semaphore, #tpu.memory_space<semaphore_mem>>)
    %dma_wait3A_270 = arith.constant 0 : i32
    %dma_wait3A_271 = arith.constant 0 : i32
    %dma_wait3A_272 = arith.constant 0 : i32
    %dma_wait3A_273 = arith.constant 0 : i32
    %dma_wait3A_274 = tpu.memref_slice %arg12[%dma_wait3A_270, %dma_wait3A_272, %dma_wait3A_273] : memref<2x64x128xf32, #tpu.memory_space<vmem>> -> memref<1x64x128xf32, #tpu.memory_space<vmem>>
    %dma_wait3A_275 = tpu.memref_squeeze %dma_wait3A_274 : memref<1x64x128xf32, #tpu.memory_space<vmem>> -> memref<64x128xf32, #tpu.memory_space<vmem>>
    %dma_wait3A_276 = arith.constant 256 : i32
    %dma_wait3A_277 = tpu.memref_slice %arg8[%dma_wait3A_276] : memref<1040xi32, #tpu.memory_space<vmem>> -> memref<64xi32, #tpu.memory_space<vmem>>
    %dma_wait3A_278 = arith.constant 0 : i32
    %dma_wait3A_279 = arith.constant 0 : i32
    %dma_wait3A_280 = tpu.memref_slice %arg5[%dma_wait3A_278, %dma_wait3A_279] : memref<16384x128xf32, #tpu.memory_space<hbm>> -> memref<16384x128xf32, #tpu.memory_space<hbm>>
    %dma_wait3A_281 = tpu.memref_slice %arg14[%dma_wait3A_271] : memref<2x!tpu.dma_semaphore, #tpu.memory_space<semaphore_mem>> -> memref<1x!tpu.dma_semaphore, #tpu.memory_space<semaphore_mem>>
    %dma_wait3A_282 = tpu.memref_squeeze %dma_wait3A_281 : memref<1x!tpu.dma_semaphore, #tpu.memory_space<semaphore_mem>> -> memref<!tpu.dma_semaphore, #tpu.memory_space<semaphore_mem>>
    tpu.wait_indirect_dma semaphore(%dma_wait3A_282 : memref<!tpu.dma_semaphore, #tpu.memory_space<semaphore_mem>>) src(%dma_wait3A_275 : memref<64x128xf32, #tpu.memory_space<vmem>>) dst(%dma_wait3A_280 : memref<16384x128xf32, #tpu.memory_space<hbm>>)
    %scan3A_283 = arith.constant 0 : i32
    %scan3A_284 = arith.constant 0 : i32
    %scan3A_285 = arith.constant 64 : i32
    %scan3A_286 = arith.addi %scan3A_284, %scan3A_285 : i32
    %scan3A_287 = arith.constant 1 : i32
    scf.for %scan3A_626 = %scan3A_284 to %scan3A_286 step %scan3A_287  : i32 {
      %add3A_627 = arith.constant 384 : i32
      %add3A_628 = arith.addi %add3A_627, %scan3A_626 : i32
      %shift_right_logical3A_629 = arith.constant 3 : i32
      %shift_right_logical3A_630 = arith.shrui %add3A_628, %shift_right_logical3A_629 : i32
      %and3A = arith.constant 7 : i32
      %and3A_631 = arith.andi %add3A_628, %and3A : i32
      %mul3A_632 = arith.constant 16 : i32
      %mul3A_633 = arith.muli %and3A_631, %mul3A_632 : i32
      %get3A = arith.index_cast %shift_right_logical3A_630 : i32 to index
      %get3A_634 = arith.index_cast %mul3A_633 : i32 to index
      %get3A_635 = tpu.vector_load %arg10[%get3A, %get3A_634] {strides = array<i32>} : memref<128x128xf32, #tpu.memory_space<vmem>>, vector<16xf32>,
      %swap3A = arith.constant 0 : i32
      %swap3A_636 = arith.index_cast %swap3A : i32 to index
      %swap3A_637 = arith.index_cast %scan3A_626 : i32 to index
      %swap3A_638 = arith.constant 0 : index
      %swap3A_639 = tpu.vector_load %arg12[%swap3A_636, %swap3A_637, %swap3A_638] {strides = array<i32>} : memref<2x64x128xf32, #tpu.memory_space<vmem>>, vector<16xf32>,
      tpu.vector_store %arg12[%swap3A_636, %swap3A_637, %swap3A_638], %get3A_635 {strides = array<i32>} : memref<2x64x128xf32, #tpu.memory_space<vmem>>, vector<16xf32>,
    }
    %scan3A_288 = arith.constant 64 : i32
    %dma_start3A_289 = arith.constant 0 : i32
    %dma_start3A_290 = arith.constant 0 : i32
    %dma_start3A_291 = arith.constant 0 : i32
    %dma_start3A_292 = arith.constant 0 : i32
    %dma_start3A_293 = tpu.memref_slice %arg12[%dma_start3A_289, %dma_start3A_291, %dma_start3A_292] : memref<2x64x128xf32, #tpu.memory_space<vmem>> -> memref<1x64x128xf32, #tpu.memory_space<vmem>>
    %dma_start3A_294 = tpu.memref_squeeze %dma_start3A_293 : memref<1x64x128xf32, #tpu.memory_space<vmem>> -> memref<64x128xf32, #tpu.memory_space<vmem>>
    %dma_start3A_295 = arith.constant 384 : i32
    %dma_start3A_296 = tpu.memref_slice %arg8[%dma_start3A_295] : memref<1040xi32, #tpu.memory_space<vmem>> -> memref<64xi32, #tpu.memory_space<vmem>>
    %dma_start3A_297 = arith.constant 0 : i32
    %dma_start3A_298 = arith.constant 0 : i32
    %dma_start3A_299 = tpu.memref_slice %arg5[%dma_start3A_297, %dma_start3A_298] : memref<16384x128xf32, #tpu.memory_space<hbm>> -> memref<16384x128xf32, #tpu.memory_space<hbm>>
    %dma_start3A_300 = arith.constant -1 : i32
    %dma_start3A_301 = tpu.memref_slice %arg14[%dma_start3A_290] : memref<2x!tpu.dma_semaphore, #tpu.memory_space<semaphore_mem>> -> memref<1x!tpu.dma_semaphore, #tpu.memory_space<semaphore_mem>>
    %dma_start3A_302 = tpu.memref_squeeze %dma_start3A_301 : memref<1x!tpu.dma_semaphore, #tpu.memory_space<semaphore_mem>> -> memref<!tpu.dma_semaphore, #tpu.memory_space<semaphore_mem>>
    tpu.enqueue_indirect_dma source(%dma_start3A_294 : memref<64x128xf32, #tpu.memory_space<vmem>>) target(%dma_start3A_299 : memref<16384x128xf32, #tpu.memory_space<hbm>>) offsets(%dma_start3A_296 : memref<64xi32, #tpu.memory_space<vmem>>) offset_filter(%dma_start3A_300) semaphore(%dma_start3A_302 : memref<!tpu.dma_semaphore, #tpu.memory_space<semaphore_mem>>)
    %dma_wait3A_303 = arith.constant 1 : i32
    %dma_wait3A_304 = arith.constant 1 : i32
    %dma_wait3A_305 = arith.constant 0 : i32
    %dma_wait3A_306 = arith.constant 0 : i32
    %dma_wait3A_307 = tpu.memref_slice %arg12[%dma_wait3A_303, %dma_wait3A_305, %dma_wait3A_306] : memref<2x64x128xf32, #tpu.memory_space<vmem>> -> memref<1x64x128xf32, #tpu.memory_space<vmem>>
    %dma_wait3A_308 = tpu.memref_squeeze %dma_wait3A_307 : memref<1x64x128xf32, #tpu.memory_space<vmem>> -> memref<64x128xf32, #tpu.memory_space<vmem>>
    %dma_wait3A_309 = arith.constant 320 : i32
    %dma_wait3A_310 = tpu.memref_slice %arg8[%dma_wait3A_309] : memref<1040xi32, #tpu.memory_space<vmem>> -> memref<64xi32, #tpu.memory_space<vmem>>
    %dma_wait3A_311 = arith.constant 0 : i32
    %dma_wait3A_312 = arith.constant 0 : i32
    %dma_wait3A_313 = tpu.memref_slice %arg5[%dma_wait3A_311, %dma_wait3A_312] : memref<16384x128xf32, #tpu.memory_space<hbm>> -> memref<16384x128xf32, #tpu.memory_space<hbm>>
    %dma_wait3A_314 = tpu.memref_slice %arg14[%dma_wait3A_304] : memref<2x!tpu.dma_semaphore, #tpu.memory_space<semaphore_mem>> -> memref<1x!tpu.dma_semaphore, #tpu.memory_space<semaphore_mem>>
    %dma_wait3A_315 = tpu.memref_squeeze %dma_wait3A_314 : memref<1x!tpu.dma_semaphore, #tpu.memory_space<semaphore_mem>> -> memref<!tpu.dma_semaphore, #tpu.memory_space<semaphore_mem>>
    tpu.wait_indirect_dma semaphore(%dma_wait3A_315 : memref<!tpu.dma_semaphore, #tpu.memory_space<semaphore_mem>>) src(%dma_wait3A_308 : memref<64x128xf32, #tpu.memory_space<vmem>>) dst(%dma_wait3A_313 : memref<16384x128xf32, #tpu.memory_space<hbm>>)
    %scan3A_316 = arith.constant 0 : i32
    %scan3A_317 = arith.constant 0 : i32
    %scan3A_318 = arith.constant 64 : i32
    %scan3A_319 = arith.addi %scan3A_317, %scan3A_318 : i32
    %scan3A_320 = arith.constant 1 : i32
    scf.for %scan3A_626 = %scan3A_317 to %scan3A_319 step %scan3A_320  : i32 {
      %add3A_627 = arith.constant 448 : i32
      %add3A_628 = arith.addi %add3A_627, %scan3A_626 : i32
      %shift_right_logical3A_629 = arith.constant 3 : i32
      %shift_right_logical3A_630 = arith.shrui %add3A_628, %shift_right_logical3A_629 : i32
      %and3A = arith.constant 7 : i32
      %and3A_631 = arith.andi %add3A_628, %and3A : i32
      %mul3A_632 = arith.constant 16 : i32
      %mul3A_633 = arith.muli %and3A_631, %mul3A_632 : i32
      %get3A = arith.index_cast %shift_right_logical3A_630 : i32 to index
      %get3A_634 = arith.index_cast %mul3A_633 : i32 to index
      %get3A_635 = tpu.vector_load %arg10[%get3A, %get3A_634] {strides = array<i32>} : memref<128x128xf32, #tpu.memory_space<vmem>>, vector<16xf32>,
      %swap3A = arith.constant 1 : i32
      %swap3A_636 = arith.index_cast %swap3A : i32 to index
      %swap3A_637 = arith.index_cast %scan3A_626 : i32 to index
      %swap3A_638 = arith.constant 0 : index
      %swap3A_639 = tpu.vector_load %arg12[%swap3A_636, %swap3A_637, %swap3A_638] {strides = array<i32>} : memref<2x64x128xf32, #tpu.memory_space<vmem>>, vector<16xf32>,
      tpu.vector_store %arg12[%swap3A_636, %swap3A_637, %swap3A_638], %get3A_635 {strides = array<i32>} : memref<2x64x128xf32, #tpu.memory_space<vmem>>, vector<16xf32>,
    }
    %scan3A_321 = arith.constant 64 : i32
    %dma_start3A_322 = arith.constant 1 : i32
    %dma_start3A_323 = arith.constant 1 : i32
    %dma_start3A_324 = arith.constant 0 : i32
    %dma_start3A_325 = arith.constant 0 : i32
    %dma_start3A_326 = tpu.memref_slice %arg12[%dma_start3A_322, %dma_start3A_324, %dma_start3A_325] : memref<2x64x128xf32, #tpu.memory_space<vmem>> -> memref<1x64x128xf32, #tpu.memory_space<vmem>>
    %dma_start3A_327 = tpu.memref_squeeze %dma_start3A_326 : memref<1x64x128xf32, #tpu.memory_space<vmem>> -> memref<64x128xf32, #tpu.memory_space<vmem>>
    %dma_start3A_328 = arith.constant 448 : i32
    %dma_start3A_329 = tpu.memref_slice %arg8[%dma_start3A_328] : memref<1040xi32, #tpu.memory_space<vmem>> -> memref<64xi32, #tpu.memory_space<vmem>>
    %dma_start3A_330 = arith.constant 0 : i32
    %dma_start3A_331 = arith.constant 0 : i32
    %dma_start3A_332 = tpu.memref_slice %arg5[%dma_start3A_330, %dma_start3A_331] : memref<16384x128xf32, #tpu.memory_space<hbm>> -> memref<16384x128xf32, #tpu.memory_space<hbm>>
    %dma_start3A_333 = arith.constant -1 : i32
    %dma_start3A_334 = tpu.memref_slice %arg14[%dma_start3A_323] : memref<2x!tpu.dma_semaphore, #tpu.memory_space<semaphore_mem>> -> memref<1x!tpu.dma_semaphore, #tpu.memory_space<semaphore_mem>>
    %dma_start3A_335 = tpu.memref_squeeze %dma_start3A_334 : memref<1x!tpu.dma_semaphore, #tpu.memory_space<semaphore_mem>> -> memref<!tpu.dma_semaphore, #tpu.memory_space<semaphore_mem>>
    tpu.enqueue_indirect_dma source(%dma_start3A_327 : memref<64x128xf32, #tpu.memory_space<vmem>>) target(%dma_start3A_332 : memref<16384x128xf32, #tpu.memory_space<hbm>>) offsets(%dma_start3A_329 : memref<64xi32, #tpu.memory_space<vmem>>) offset_filter(%dma_start3A_333) semaphore(%dma_start3A_335 : memref<!tpu.dma_semaphore, #tpu.memory_space<semaphore_mem>>)
    %dma_wait3A_336 = arith.constant 0 : i32
    %dma_wait3A_337 = arith.constant 0 : i32
    %dma_wait3A_338 = arith.constant 0 : i32
    %dma_wait3A_339 = arith.constant 0 : i32
    %dma_wait3A_340 = tpu.memref_slice %arg12[%dma_wait3A_336, %dma_wait3A_338, %dma_wait3A_339] : memref<2x64x128xf32, #tpu.memory_space<vmem>> -> memref<1x64x128xf32, #tpu.memory_space<vmem>>
    %dma_wait3A_341 = tpu.memref_squeeze %dma_wait3A_340 : memref<1x64x128xf32, #tpu.memory_space<vmem>> -> memref<64x128xf32, #tpu.memory_space<vmem>>
    %dma_wait3A_342 = arith.constant 384 : i32
    %dma_wait3A_343 = tpu.memref_slice %arg8[%dma_wait3A_342] : memref<1040xi32, #tpu.memory_space<vmem>> -> memref<64xi32, #tpu.memory_space<vmem>>
    %dma_wait3A_344 = arith.constant 0 : i32
    %dma_wait3A_345 = arith.constant 0 : i32
    %dma_wait3A_346 = tpu.memref_slice %arg5[%dma_wait3A_344, %dma_wait3A_345] : memref<16384x128xf32, #tpu.memory_space<hbm>> -> memref<16384x128xf32, #tpu.memory_space<hbm>>
    %dma_wait3A_347 = tpu.memref_slice %arg14[%dma_wait3A_337] : memref<2x!tpu.dma_semaphore, #tpu.memory_space<semaphore_mem>> -> memref<1x!tpu.dma_semaphore, #tpu.memory_space<semaphore_mem>>
    %dma_wait3A_348 = tpu.memref_squeeze %dma_wait3A_347 : memref<1x!tpu.dma_semaphore, #tpu.memory_space<semaphore_mem>> -> memref<!tpu.dma_semaphore, #tpu.memory_space<semaphore_mem>>
    tpu.wait_indirect_dma semaphore(%dma_wait3A_348 : memref<!tpu.dma_semaphore, #tpu.memory_space<semaphore_mem>>) src(%dma_wait3A_341 : memref<64x128xf32, #tpu.memory_space<vmem>>) dst(%dma_wait3A_346 : memref<16384x128xf32, #tpu.memory_space<hbm>>)
    %scan3A_349 = arith.constant 0 : i32
    %scan3A_350 = arith.constant 0 : i32
    %scan3A_351 = arith.constant 64 : i32
    %scan3A_352 = arith.addi %scan3A_350, %scan3A_351 : i32
    %scan3A_353 = arith.constant 1 : i32
    scf.for %scan3A_626 = %scan3A_350 to %scan3A_352 step %scan3A_353  : i32 {
      %add3A_627 = arith.constant 512 : i32
      %add3A_628 = arith.addi %add3A_627, %scan3A_626 : i32
      %shift_right_logical3A_629 = arith.constant 3 : i32
      %shift_right_logical3A_630 = arith.shrui %add3A_628, %shift_right_logical3A_629 : i32
      %and3A = arith.constant 7 : i32
      %and3A_631 = arith.andi %add3A_628, %and3A : i32
      %mul3A_632 = arith.constant 16 : i32
      %mul3A_633 = arith.muli %and3A_631, %mul3A_632 : i32
      %get3A = arith.index_cast %shift_right_logical3A_630 : i32 to index
      %get3A_634 = arith.index_cast %mul3A_633 : i32 to index
      %get3A_635 = tpu.vector_load %arg10[%get3A, %get3A_634] {strides = array<i32>} : memref<128x128xf32, #tpu.memory_space<vmem>>, vector<16xf32>,
      %swap3A = arith.constant 0 : i32
      %swap3A_636 = arith.index_cast %swap3A : i32 to index
      %swap3A_637 = arith.index_cast %scan3A_626 : i32 to index
      %swap3A_638 = arith.constant 0 : index
      %swap3A_639 = tpu.vector_load %arg12[%swap3A_636, %swap3A_637, %swap3A_638] {strides = array<i32>} : memref<2x64x128xf32, #tpu.memory_space<vmem>>, vector<16xf32>,
      tpu.vector_store %arg12[%swap3A_636, %swap3A_637, %swap3A_638], %get3A_635 {strides = array<i32>} : memref<2x64x128xf32, #tpu.memory_space<vmem>>, vector<16xf32>,
    }
    %scan3A_354 = arith.constant 64 : i32
    %dma_start3A_355 = arith.constant 0 : i32
    %dma_start3A_356 = arith.constant 0 : i32
    %dma_start3A_357 = arith.constant 0 : i32
    %dma_start3A_358 = arith.constant 0 : i32
    %dma_start3A_359 = tpu.memref_slice %arg12[%dma_start3A_355, %dma_start3A_357, %dma_start3A_358] : memref<2x64x128xf32, #tpu.memory_space<vmem>> -> memref<1x64x128xf32, #tpu.memory_space<vmem>>
    %dma_start3A_360 = tpu.memref_squeeze %dma_start3A_359 : memref<1x64x128xf32, #tpu.memory_space<vmem>> -> memref<64x128xf32, #tpu.memory_space<vmem>>
    %dma_start3A_361 = arith.constant 512 : i32
    %dma_start3A_362 = tpu.memref_slice %arg8[%dma_start3A_361] : memref<1040xi32, #tpu.memory_space<vmem>> -> memref<64xi32, #tpu.memory_space<vmem>>
    %dma_start3A_363 = arith.constant 0 : i32
    %dma_start3A_364 = arith.constant 0 : i32
    %dma_start3A_365 = tpu.memref_slice %arg5[%dma_start3A_363, %dma_start3A_364] : memref<16384x128xf32, #tpu.memory_space<hbm>> -> memref<16384x128xf32, #tpu.memory_space<hbm>>
    %dma_start3A_366 = arith.constant -1 : i32
    %dma_start3A_367 = tpu.memref_slice %arg14[%dma_start3A_356] : memref<2x!tpu.dma_semaphore, #tpu.memory_space<semaphore_mem>> -> memref<1x!tpu.dma_semaphore, #tpu.memory_space<semaphore_mem>>
    %dma_start3A_368 = tpu.memref_squeeze %dma_start3A_367 : memref<1x!tpu.dma_semaphore, #tpu.memory_space<semaphore_mem>> -> memref<!tpu.dma_semaphore, #tpu.memory_space<semaphore_mem>>
    tpu.enqueue_indirect_dma source(%dma_start3A_360 : memref<64x128xf32, #tpu.memory_space<vmem>>) target(%dma_start3A_365 : memref<16384x128xf32, #tpu.memory_space<hbm>>) offsets(%dma_start3A_362 : memref<64xi32, #tpu.memory_space<vmem>>) offset_filter(%dma_start3A_366) semaphore(%dma_start3A_368 : memref<!tpu.dma_semaphore, #tpu.memory_space<semaphore_mem>>)
    %dma_wait3A_369 = arith.constant 1 : i32
    %dma_wait3A_370 = arith.constant 1 : i32
    %dma_wait3A_371 = arith.constant 0 : i32
    %dma_wait3A_372 = arith.constant 0 : i32
    %dma_wait3A_373 = tpu.memref_slice %arg12[%dma_wait3A_369, %dma_wait3A_371, %dma_wait3A_372] : memref<2x64x128xf32, #tpu.memory_space<vmem>> -> memref<1x64x128xf32, #tpu.memory_space<vmem>>
    %dma_wait3A_374 = tpu.memref_squeeze %dma_wait3A_373 : memref<1x64x128xf32, #tpu.memory_space<vmem>> -> memref<64x128xf32, #tpu.memory_space<vmem>>
    %dma_wait3A_375 = arith.constant 448 : i32
    %dma_wait3A_376 = tpu.memref_slice %arg8[%dma_wait3A_375] : memref<1040xi32, #tpu.memory_space<vmem>> -> memref<64xi32, #tpu.memory_space<vmem>>
    %dma_wait3A_377 = arith.constant 0 : i32
    %dma_wait3A_378 = arith.constant 0 : i32
    %dma_wait3A_379 = tpu.memref_slice %arg5[%dma_wait3A_377, %dma_wait3A_378] : memref<16384x128xf32, #tpu.memory_space<hbm>> -> memref<16384x128xf32, #tpu.memory_space<hbm>>
    %dma_wait3A_380 = tpu.memref_slice %arg14[%dma_wait3A_370] : memref<2x!tpu.dma_semaphore, #tpu.memory_space<semaphore_mem>> -> memref<1x!tpu.dma_semaphore, #tpu.memory_space<semaphore_mem>>
    %dma_wait3A_381 = tpu.memref_squeeze %dma_wait3A_380 : memref<1x!tpu.dma_semaphore, #tpu.memory_space<semaphore_mem>> -> memref<!tpu.dma_semaphore, #tpu.memory_space<semaphore_mem>>
    tpu.wait_indirect_dma semaphore(%dma_wait3A_381 : memref<!tpu.dma_semaphore, #tpu.memory_space<semaphore_mem>>) src(%dma_wait3A_374 : memref<64x128xf32, #tpu.memory_space<vmem>>) dst(%dma_wait3A_379 : memref<16384x128xf32, #tpu.memory_space<hbm>>)
    %scan3A_382 = arith.constant 0 : i32
    %scan3A_383 = arith.constant 0 : i32
    %scan3A_384 = arith.constant 64 : i32
    %scan3A_385 = arith.addi %scan3A_383, %scan3A_384 : i32
    %scan3A_386 = arith.constant 1 : i32
    scf.for %scan3A_626 = %scan3A_383 to %scan3A_385 step %scan3A_386  : i32 {
      %add3A_627 = arith.constant 576 : i32
      %add3A_628 = arith.addi %add3A_627, %scan3A_626 : i32
      %shift_right_logical3A_629 = arith.constant 3 : i32
      %shift_right_logical3A_630 = arith.shrui %add3A_628, %shift_right_logical3A_629 : i32
      %and3A = arith.constant 7 : i32
      %and3A_631 = arith.andi %add3A_628, %and3A : i32
      %mul3A_632 = arith.constant 16 : i32
      %mul3A_633 = arith.muli %and3A_631, %mul3A_632 : i32
      %get3A = arith.index_cast %shift_right_logical3A_630 : i32 to index
      %get3A_634 = arith.index_cast %mul3A_633 : i32 to index
      %get3A_635 = tpu.vector_load %arg10[%get3A, %get3A_634] {strides = array<i32>} : memref<128x128xf32, #tpu.memory_space<vmem>>, vector<16xf32>,
      %swap3A = arith.constant 1 : i32
      %swap3A_636 = arith.index_cast %swap3A : i32 to index
      %swap3A_637 = arith.index_cast %scan3A_626 : i32 to index
      %swap3A_638 = arith.constant 0 : index
      %swap3A_639 = tpu.vector_load %arg12[%swap3A_636, %swap3A_637, %swap3A_638] {strides = array<i32>} : memref<2x64x128xf32, #tpu.memory_space<vmem>>, vector<16xf32>,
      tpu.vector_store %arg12[%swap3A_636, %swap3A_637, %swap3A_638], %get3A_635 {strides = array<i32>} : memref<2x64x128xf32, #tpu.memory_space<vmem>>, vector<16xf32>,
    }
    %scan3A_387 = arith.constant 64 : i32
    %dma_start3A_388 = arith.constant 1 : i32
    %dma_start3A_389 = arith.constant 1 : i32
    %dma_start3A_390 = arith.constant 0 : i32
    %dma_start3A_391 = arith.constant 0 : i32
    %dma_start3A_392 = tpu.memref_slice %arg12[%dma_start3A_388, %dma_start3A_390, %dma_start3A_391] : memref<2x64x128xf32, #tpu.memory_space<vmem>> -> memref<1x64x128xf32, #tpu.memory_space<vmem>>
    %dma_start3A_393 = tpu.memref_squeeze %dma_start3A_392 : memref<1x64x128xf32, #tpu.memory_space<vmem>> -> memref<64x128xf32, #tpu.memory_space<vmem>>
    %dma_start3A_394 = arith.constant 576 : i32
    %dma_start3A_395 = tpu.memref_slice %arg8[%dma_start3A_394] : memref<1040xi32, #tpu.memory_space<vmem>> -> memref<64xi32, #tpu.memory_space<vmem>>
    %dma_start3A_396 = arith.constant 0 : i32
    %dma_start3A_397 = arith.constant 0 : i32
    %dma_start3A_398 = tpu.memref_slice %arg5[%dma_start3A_396, %dma_start3A_397] : memref<16384x128xf32, #tpu.memory_space<hbm>> -> memref<16384x128xf32, #tpu.memory_space<hbm>>
    %dma_start3A_399 = arith.constant -1 : i32
    %dma_start3A_400 = tpu.memref_slice %arg14[%dma_start3A_389] : memref<2x!tpu.dma_semaphore, #tpu.memory_space<semaphore_mem>> -> memref<1x!tpu.dma_semaphore, #tpu.memory_space<semaphore_mem>>
    %dma_start3A_401 = tpu.memref_squeeze %dma_start3A_400 : memref<1x!tpu.dma_semaphore, #tpu.memory_space<semaphore_mem>> -> memref<!tpu.dma_semaphore, #tpu.memory_space<semaphore_mem>>
    tpu.enqueue_indirect_dma source(%dma_start3A_393 : memref<64x128xf32, #tpu.memory_space<vmem>>) target(%dma_start3A_398 : memref<16384x128xf32, #tpu.memory_space<hbm>>) offsets(%dma_start3A_395 : memref<64xi32, #tpu.memory_space<vmem>>) offset_filter(%dma_start3A_399) semaphore(%dma_start3A_401 : memref<!tpu.dma_semaphore, #tpu.memory_space<semaphore_mem>>)
    %dma_wait3A_402 = arith.constant 0 : i32
    %dma_wait3A_403 = arith.constant 0 : i32
    %dma_wait3A_404 = arith.constant 0 : i32
    %dma_wait3A_405 = arith.constant 0 : i32
    %dma_wait3A_406 = tpu.memref_slice %arg12[%dma_wait3A_402, %dma_wait3A_404, %dma_wait3A_405] : memref<2x64x128xf32, #tpu.memory_space<vmem>> -> memref<1x64x128xf32, #tpu.memory_space<vmem>>
    %dma_wait3A_407 = tpu.memref_squeeze %dma_wait3A_406 : memref<1x64x128xf32, #tpu.memory_space<vmem>> -> memref<64x128xf32, #tpu.memory_space<vmem>>
    %dma_wait3A_408 = arith.constant 512 : i32
    %dma_wait3A_409 = tpu.memref_slice %arg8[%dma_wait3A_408] : memref<1040xi32, #tpu.memory_space<vmem>> -> memref<64xi32, #tpu.memory_space<vmem>>
    %dma_wait3A_410 = arith.constant 0 : i32
    %dma_wait3A_411 = arith.constant 0 : i32
    %dma_wait3A_412 = tpu.memref_slice %arg5[%dma_wait3A_410, %dma_wait3A_411] : memref<16384x128xf32, #tpu.memory_space<hbm>> -> memref<16384x128xf32, #tpu.memory_space<hbm>>
    %dma_wait3A_413 = tpu.memref_slice %arg14[%dma_wait3A_403] : memref<2x!tpu.dma_semaphore, #tpu.memory_space<semaphore_mem>> -> memref<1x!tpu.dma_semaphore, #tpu.memory_space<semaphore_mem>>
    %dma_wait3A_414 = tpu.memref_squeeze %dma_wait3A_413 : memref<1x!tpu.dma_semaphore, #tpu.memory_space<semaphore_mem>> -> memref<!tpu.dma_semaphore, #tpu.memory_space<semaphore_mem>>
    tpu.wait_indirect_dma semaphore(%dma_wait3A_414 : memref<!tpu.dma_semaphore, #tpu.memory_space<semaphore_mem>>) src(%dma_wait3A_407 : memref<64x128xf32, #tpu.memory_space<vmem>>) dst(%dma_wait3A_412 : memref<16384x128xf32, #tpu.memory_space<hbm>>)
    %scan3A_415 = arith.constant 0 : i32
    %scan3A_416 = arith.constant 0 : i32
    %scan3A_417 = arith.constant 64 : i32
    %scan3A_418 = arith.addi %scan3A_416, %scan3A_417 : i32
    %scan3A_419 = arith.constant 1 : i32
    scf.for %scan3A_626 = %scan3A_416 to %scan3A_418 step %scan3A_419  : i32 {
      %add3A_627 = arith.constant 640 : i32
      %add3A_628 = arith.addi %add3A_627, %scan3A_626 : i32
      %shift_right_logical3A_629 = arith.constant 3 : i32
      %shift_right_logical3A_630 = arith.shrui %add3A_628, %shift_right_logical3A_629 : i32
      %and3A = arith.constant 7 : i32
      %and3A_631 = arith.andi %add3A_628, %and3A : i32
      %mul3A_632 = arith.constant 16 : i32
      %mul3A_633 = arith.muli %and3A_631, %mul3A_632 : i32
      %get3A = arith.index_cast %shift_right_logical3A_630 : i32 to index
      %get3A_634 = arith.index_cast %mul3A_633 : i32 to index
      %get3A_635 = tpu.vector_load %arg10[%get3A, %get3A_634] {strides = array<i32>} : memref<128x128xf32, #tpu.memory_space<vmem>>, vector<16xf32>,
      %swap3A = arith.constant 0 : i32
      %swap3A_636 = arith.index_cast %swap3A : i32 to index
      %swap3A_637 = arith.index_cast %scan3A_626 : i32 to index
      %swap3A_638 = arith.constant 0 : index
      %swap3A_639 = tpu.vector_load %arg12[%swap3A_636, %swap3A_637, %swap3A_638] {strides = array<i32>} : memref<2x64x128xf32, #tpu.memory_space<vmem>>, vector<16xf32>,
      tpu.vector_store %arg12[%swap3A_636, %swap3A_637, %swap3A_638], %get3A_635 {strides = array<i32>} : memref<2x64x128xf32, #tpu.memory_space<vmem>>, vector<16xf32>,
    }
    %scan3A_420 = arith.constant 64 : i32
    %dma_start3A_421 = arith.constant 0 : i32
    %dma_start3A_422 = arith.constant 0 : i32
    %dma_start3A_423 = arith.constant 0 : i32
    %dma_start3A_424 = arith.constant 0 : i32
    %dma_start3A_425 = tpu.memref_slice %arg12[%dma_start3A_421, %dma_start3A_423, %dma_start3A_424] : memref<2x64x128xf32, #tpu.memory_space<vmem>> -> memref<1x64x128xf32, #tpu.memory_space<vmem>>
    %dma_start3A_426 = tpu.memref_squeeze %dma_start3A_425 : memref<1x64x128xf32, #tpu.memory_space<vmem>> -> memref<64x128xf32, #tpu.memory_space<vmem>>
    %dma_start3A_427 = arith.constant 640 : i32
    %dma_start3A_428 = tpu.memref_slice %arg8[%dma_start3A_427] : memref<1040xi32, #tpu.memory_space<vmem>> -> memref<64xi32, #tpu.memory_space<vmem>>
    %dma_start3A_429 = arith.constant 0 : i32
    %dma_start3A_430 = arith.constant 0 : i32
    %dma_start3A_431 = tpu.memref_slice %arg5[%dma_start3A_429, %dma_start3A_430] : memref<16384x128xf32, #tpu.memory_space<hbm>> -> memref<16384x128xf32, #tpu.memory_space<hbm>>
    %dma_start3A_432 = arith.constant -1 : i32
    %dma_start3A_433 = tpu.memref_slice %arg14[%dma_start3A_422] : memref<2x!tpu.dma_semaphore, #tpu.memory_space<semaphore_mem>> -> memref<1x!tpu.dma_semaphore, #tpu.memory_space<semaphore_mem>>
    %dma_start3A_434 = tpu.memref_squeeze %dma_start3A_433 : memref<1x!tpu.dma_semaphore, #tpu.memory_space<semaphore_mem>> -> memref<!tpu.dma_semaphore, #tpu.memory_space<semaphore_mem>>
    tpu.enqueue_indirect_dma source(%dma_start3A_426 : memref<64x128xf32, #tpu.memory_space<vmem>>) target(%dma_start3A_431 : memref<16384x128xf32, #tpu.memory_space<hbm>>) offsets(%dma_start3A_428 : memref<64xi32, #tpu.memory_space<vmem>>) offset_filter(%dma_start3A_432) semaphore(%dma_start3A_434 : memref<!tpu.dma_semaphore, #tpu.memory_space<semaphore_mem>>)
    %dma_wait3A_435 = arith.constant 1 : i32
    %dma_wait3A_436 = arith.constant 1 : i32
    %dma_wait3A_437 = arith.constant 0 : i32
    %dma_wait3A_438 = arith.constant 0 : i32
    %dma_wait3A_439 = tpu.memref_slice %arg12[%dma_wait3A_435, %dma_wait3A_437, %dma_wait3A_438] : memref<2x64x128xf32, #tpu.memory_space<vmem>> -> memref<1x64x128xf32, #tpu.memory_space<vmem>>
    %dma_wait3A_440 = tpu.memref_squeeze %dma_wait3A_439 : memref<1x64x128xf32, #tpu.memory_space<vmem>> -> memref<64x128xf32, #tpu.memory_space<vmem>>
    %dma_wait3A_441 = arith.constant 576 : i32
    %dma_wait3A_442 = tpu.memref_slice %arg8[%dma_wait3A_441] : memref<1040xi32, #tpu.memory_space<vmem>> -> memref<64xi32, #tpu.memory_space<vmem>>
    %dma_wait3A_443 = arith.constant 0 : i32
    %dma_wait3A_444 = arith.constant 0 : i32
    %dma_wait3A_445 = tpu.memref_slice %arg5[%dma_wait3A_443, %dma_wait3A_444] : memref<16384x128xf32, #tpu.memory_space<hbm>> -> memref<16384x128xf32, #tpu.memory_space<hbm>>
    %dma_wait3A_446 = tpu.memref_slice %arg14[%dma_wait3A_436] : memref<2x!tpu.dma_semaphore, #tpu.memory_space<semaphore_mem>> -> memref<1x!tpu.dma_semaphore, #tpu.memory_space<semaphore_mem>>
    %dma_wait3A_447 = tpu.memref_squeeze %dma_wait3A_446 : memref<1x!tpu.dma_semaphore, #tpu.memory_space<semaphore_mem>> -> memref<!tpu.dma_semaphore, #tpu.memory_space<semaphore_mem>>
    tpu.wait_indirect_dma semaphore(%dma_wait3A_447 : memref<!tpu.dma_semaphore, #tpu.memory_space<semaphore_mem>>) src(%dma_wait3A_440 : memref<64x128xf32, #tpu.memory_space<vmem>>) dst(%dma_wait3A_445 : memref<16384x128xf32, #tpu.memory_space<hbm>>)
    %scan3A_448 = arith.constant 0 : i32
    %scan3A_449 = arith.constant 0 : i32
    %scan3A_450 = arith.constant 64 : i32
    %scan3A_451 = arith.addi %scan3A_449, %scan3A_450 : i32
    %scan3A_452 = arith.constant 1 : i32
    scf.for %scan3A_626 = %scan3A_449 to %scan3A_451 step %scan3A_452  : i32 {
      %add3A_627 = arith.constant 704 : i32
      %add3A_628 = arith.addi %add3A_627, %scan3A_626 : i32
      %shift_right_logical3A_629 = arith.constant 3 : i32
      %shift_right_logical3A_630 = arith.shrui %add3A_628, %shift_right_logical3A_629 : i32
      %and3A = arith.constant 7 : i32
      %and3A_631 = arith.andi %add3A_628, %and3A : i32
      %mul3A_632 = arith.constant 16 : i32
      %mul3A_633 = arith.muli %and3A_631, %mul3A_632 : i32
      %get3A = arith.index_cast %shift_right_logical3A_630 : i32 to index
      %get3A_634 = arith.index_cast %mul3A_633 : i32 to index
      %get3A_635 = tpu.vector_load %arg10[%get3A, %get3A_634] {strides = array<i32>} : memref<128x128xf32, #tpu.memory_space<vmem>>, vector<16xf32>,
      %swap3A = arith.constant 1 : i32
      %swap3A_636 = arith.index_cast %swap3A : i32 to index
      %swap3A_637 = arith.index_cast %scan3A_626 : i32 to index
      %swap3A_638 = arith.constant 0 : index
      %swap3A_639 = tpu.vector_load %arg12[%swap3A_636, %swap3A_637, %swap3A_638] {strides = array<i32>} : memref<2x64x128xf32, #tpu.memory_space<vmem>>, vector<16xf32>,
      tpu.vector_store %arg12[%swap3A_636, %swap3A_637, %swap3A_638], %get3A_635 {strides = array<i32>} : memref<2x64x128xf32, #tpu.memory_space<vmem>>, vector<16xf32>,
    }
    %scan3A_453 = arith.constant 64 : i32
    %dma_start3A_454 = arith.constant 1 : i32
    %dma_start3A_455 = arith.constant 1 : i32
    %dma_start3A_456 = arith.constant 0 : i32
    %dma_start3A_457 = arith.constant 0 : i32
    %dma_start3A_458 = tpu.memref_slice %arg12[%dma_start3A_454, %dma_start3A_456, %dma_start3A_457] : memref<2x64x128xf32, #tpu.memory_space<vmem>> -> memref<1x64x128xf32, #tpu.memory_space<vmem>>
    %dma_start3A_459 = tpu.memref_squeeze %dma_start3A_458 : memref<1x64x128xf32, #tpu.memory_space<vmem>> -> memref<64x128xf32, #tpu.memory_space<vmem>>
    %dma_start3A_460 = arith.constant 704 : i32
    %dma_start3A_461 = tpu.memref_slice %arg8[%dma_start3A_460] : memref<1040xi32, #tpu.memory_space<vmem>> -> memref<64xi32, #tpu.memory_space<vmem>>
    %dma_start3A_462 = arith.constant 0 : i32
    %dma_start3A_463 = arith.constant 0 : i32
    %dma_start3A_464 = tpu.memref_slice %arg5[%dma_start3A_462, %dma_start3A_463] : memref<16384x128xf32, #tpu.memory_space<hbm>> -> memref<16384x128xf32, #tpu.memory_space<hbm>>
    %dma_start3A_465 = arith.constant -1 : i32
    %dma_start3A_466 = tpu.memref_slice %arg14[%dma_start3A_455] : memref<2x!tpu.dma_semaphore, #tpu.memory_space<semaphore_mem>> -> memref<1x!tpu.dma_semaphore, #tpu.memory_space<semaphore_mem>>
    %dma_start3A_467 = tpu.memref_squeeze %dma_start3A_466 : memref<1x!tpu.dma_semaphore, #tpu.memory_space<semaphore_mem>> -> memref<!tpu.dma_semaphore, #tpu.memory_space<semaphore_mem>>
    tpu.enqueue_indirect_dma source(%dma_start3A_459 : memref<64x128xf32, #tpu.memory_space<vmem>>) target(%dma_start3A_464 : memref<16384x128xf32, #tpu.memory_space<hbm>>) offsets(%dma_start3A_461 : memref<64xi32, #tpu.memory_space<vmem>>) offset_filter(%dma_start3A_465) semaphore(%dma_start3A_467 : memref<!tpu.dma_semaphore, #tpu.memory_space<semaphore_mem>>)
    %dma_wait3A_468 = arith.constant 0 : i32
    %dma_wait3A_469 = arith.constant 0 : i32
    %dma_wait3A_470 = arith.constant 0 : i32
    %dma_wait3A_471 = arith.constant 0 : i32
    %dma_wait3A_472 = tpu.memref_slice %arg12[%dma_wait3A_468, %dma_wait3A_470, %dma_wait3A_471] : memref<2x64x128xf32, #tpu.memory_space<vmem>> -> memref<1x64x128xf32, #tpu.memory_space<vmem>>
    %dma_wait3A_473 = tpu.memref_squeeze %dma_wait3A_472 : memref<1x64x128xf32, #tpu.memory_space<vmem>> -> memref<64x128xf32, #tpu.memory_space<vmem>>
    %dma_wait3A_474 = arith.constant 640 : i32
    %dma_wait3A_475 = tpu.memref_slice %arg8[%dma_wait3A_474] : memref<1040xi32, #tpu.memory_space<vmem>> -> memref<64xi32, #tpu.memory_space<vmem>>
    %dma_wait3A_476 = arith.constant 0 : i32
    %dma_wait3A_477 = arith.constant 0 : i32
    %dma_wait3A_478 = tpu.memref_slice %arg5[%dma_wait3A_476, %dma_wait3A_477] : memref<16384x128xf32, #tpu.memory_space<hbm>> -> memref<16384x128xf32, #tpu.memory_space<hbm>>
    %dma_wait3A_479 = tpu.memref_slice %arg14[%dma_wait3A_469] : memref<2x!tpu.dma_semaphore, #tpu.memory_space<semaphore_mem>> -> memref<1x!tpu.dma_semaphore, #tpu.memory_space<semaphore_mem>>
    %dma_wait3A_480 = tpu.memref_squeeze %dma_wait3A_479 : memref<1x!tpu.dma_semaphore, #tpu.memory_space<semaphore_mem>> -> memref<!tpu.dma_semaphore, #tpu.memory_space<semaphore_mem>>
    tpu.wait_indirect_dma semaphore(%dma_wait3A_480 : memref<!tpu.dma_semaphore, #tpu.memory_space<semaphore_mem>>) src(%dma_wait3A_473 : memref<64x128xf32, #tpu.memory_space<vmem>>) dst(%dma_wait3A_478 : memref<16384x128xf32, #tpu.memory_space<hbm>>)
    %scan3A_481 = arith.constant 0 : i32
    %scan3A_482 = arith.constant 0 : i32
    %scan3A_483 = arith.constant 64 : i32
    %scan3A_484 = arith.addi %scan3A_482, %scan3A_483 : i32
    %scan3A_485 = arith.constant 1 : i32
    scf.for %scan3A_626 = %scan3A_482 to %scan3A_484 step %scan3A_485  : i32 {
      %add3A_627 = arith.constant 768 : i32
      %add3A_628 = arith.addi %add3A_627, %scan3A_626 : i32
      %shift_right_logical3A_629 = arith.constant 3 : i32
      %shift_right_logical3A_630 = arith.shrui %add3A_628, %shift_right_logical3A_629 : i32
      %and3A = arith.constant 7 : i32
      %and3A_631 = arith.andi %add3A_628, %and3A : i32
      %mul3A_632 = arith.constant 16 : i32
      %mul3A_633 = arith.muli %and3A_631, %mul3A_632 : i32
      %get3A = arith.index_cast %shift_right_logical3A_630 : i32 to index
      %get3A_634 = arith.index_cast %mul3A_633 : i32 to index
      %get3A_635 = tpu.vector_load %arg10[%get3A, %get3A_634] {strides = array<i32>} : memref<128x128xf32, #tpu.memory_space<vmem>>, vector<16xf32>,
      %swap3A = arith.constant 0 : i32
      %swap3A_636 = arith.index_cast %swap3A : i32 to index
      %swap3A_637 = arith.index_cast %scan3A_626 : i32 to index
      %swap3A_638 = arith.constant 0 : index
      %swap3A_639 = tpu.vector_load %arg12[%swap3A_636, %swap3A_637, %swap3A_638] {strides = array<i32>} : memref<2x64x128xf32, #tpu.memory_space<vmem>>, vector<16xf32>,
      tpu.vector_store %arg12[%swap3A_636, %swap3A_637, %swap3A_638], %get3A_635 {strides = array<i32>} : memref<2x64x128xf32, #tpu.memory_space<vmem>>, vector<16xf32>,
    }
    %scan3A_486 = arith.constant 64 : i32
    %dma_start3A_487 = arith.constant 0 : i32
    %dma_start3A_488 = arith.constant 0 : i32
    %dma_start3A_489 = arith.constant 0 : i32
    %dma_start3A_490 = arith.constant 0 : i32
    %dma_start3A_491 = tpu.memref_slice %arg12[%dma_start3A_487, %dma_start3A_489, %dma_start3A_490] : memref<2x64x128xf32, #tpu.memory_space<vmem>> -> memref<1x64x128xf32, #tpu.memory_space<vmem>>
    %dma_start3A_492 = tpu.memref_squeeze %dma_start3A_491 : memref<1x64x128xf32, #tpu.memory_space<vmem>> -> memref<64x128xf32, #tpu.memory_space<vmem>>
    %dma_start3A_493 = arith.constant 768 : i32
    %dma_start3A_494 = tpu.memref_slice %arg8[%dma_start3A_493] : memref<1040xi32, #tpu.memory_space<vmem>> -> memref<64xi32, #tpu.memory_space<vmem>>
    %dma_start3A_495 = arith.constant 0 : i32
    %dma_start3A_496 = arith.constant 0 : i32
    %dma_start3A_497 = tpu.memref_slice %arg5[%dma_start3A_495, %dma_start3A_496] : memref<16384x128xf32, #tpu.memory_space<hbm>> -> memref<16384x128xf32, #tpu.memory_space<hbm>>
    %dma_start3A_498 = arith.constant -1 : i32
    %dma_start3A_499 = tpu.memref_slice %arg14[%dma_start3A_488] : memref<2x!tpu.dma_semaphore, #tpu.memory_space<semaphore_mem>> -> memref<1x!tpu.dma_semaphore, #tpu.memory_space<semaphore_mem>>
    %dma_start3A_500 = tpu.memref_squeeze %dma_start3A_499 : memref<1x!tpu.dma_semaphore, #tpu.memory_space<semaphore_mem>> -> memref<!tpu.dma_semaphore, #tpu.memory_space<semaphore_mem>>
    tpu.enqueue_indirect_dma source(%dma_start3A_492 : memref<64x128xf32, #tpu.memory_space<vmem>>) target(%dma_start3A_497 : memref<16384x128xf32, #tpu.memory_space<hbm>>) offsets(%dma_start3A_494 : memref<64xi32, #tpu.memory_space<vmem>>) offset_filter(%dma_start3A_498) semaphore(%dma_start3A_500 : memref<!tpu.dma_semaphore, #tpu.memory_space<semaphore_mem>>)
    %dma_wait3A_501 = arith.constant 1 : i32
    %dma_wait3A_502 = arith.constant 1 : i32
    %dma_wait3A_503 = arith.constant 0 : i32
    %dma_wait3A_504 = arith.constant 0 : i32
    %dma_wait3A_505 = tpu.memref_slice %arg12[%dma_wait3A_501, %dma_wait3A_503, %dma_wait3A_504] : memref<2x64x128xf32, #tpu.memory_space<vmem>> -> memref<1x64x128xf32, #tpu.memory_space<vmem>>
    %dma_wait3A_506 = tpu.memref_squeeze %dma_wait3A_505 : memref<1x64x128xf32, #tpu.memory_space<vmem>> -> memref<64x128xf32, #tpu.memory_space<vmem>>
    %dma_wait3A_507 = arith.constant 704 : i32
    %dma_wait3A_508 = tpu.memref_slice %arg8[%dma_wait3A_507] : memref<1040xi32, #tpu.memory_space<vmem>> -> memref<64xi32, #tpu.memory_space<vmem>>
    %dma_wait3A_509 = arith.constant 0 : i32
    %dma_wait3A_510 = arith.constant 0 : i32
    %dma_wait3A_511 = tpu.memref_slice %arg5[%dma_wait3A_509, %dma_wait3A_510] : memref<16384x128xf32, #tpu.memory_space<hbm>> -> memref<16384x128xf32, #tpu.memory_space<hbm>>
    %dma_wait3A_512 = tpu.memref_slice %arg14[%dma_wait3A_502] : memref<2x!tpu.dma_semaphore, #tpu.memory_space<semaphore_mem>> -> memref<1x!tpu.dma_semaphore, #tpu.memory_space<semaphore_mem>>
    %dma_wait3A_513 = tpu.memref_squeeze %dma_wait3A_512 : memref<1x!tpu.dma_semaphore, #tpu.memory_space<semaphore_mem>> -> memref<!tpu.dma_semaphore, #tpu.memory_space<semaphore_mem>>
    tpu.wait_indirect_dma semaphore(%dma_wait3A_513 : memref<!tpu.dma_semaphore, #tpu.memory_space<semaphore_mem>>) src(%dma_wait3A_506 : memref<64x128xf32, #tpu.memory_space<vmem>>) dst(%dma_wait3A_511 : memref<16384x128xf32, #tpu.memory_space<hbm>>)
    %scan3A_514 = arith.constant 0 : i32
    %scan3A_515 = arith.constant 0 : i32
    %scan3A_516 = arith.constant 64 : i32
    %scan3A_517 = arith.addi %scan3A_515, %scan3A_516 : i32
    %scan3A_518 = arith.constant 1 : i32
    scf.for %scan3A_626 = %scan3A_515 to %scan3A_517 step %scan3A_518  : i32 {
      %add3A_627 = arith.constant 832 : i32
      %add3A_628 = arith.addi %add3A_627, %scan3A_626 : i32
      %shift_right_logical3A_629 = arith.constant 3 : i32
      %shift_right_logical3A_630 = arith.shrui %add3A_628, %shift_right_logical3A_629 : i32
      %and3A = arith.constant 7 : i32
      %and3A_631 = arith.andi %add3A_628, %and3A : i32
      %mul3A_632 = arith.constant 16 : i32
      %mul3A_633 = arith.muli %and3A_631, %mul3A_632 : i32
      %get3A = arith.index_cast %shift_right_logical3A_630 : i32 to index
      %get3A_634 = arith.index_cast %mul3A_633 : i32 to index
      %get3A_635 = tpu.vector_load %arg10[%get3A, %get3A_634] {strides = array<i32>} : memref<128x128xf32, #tpu.memory_space<vmem>>, vector<16xf32>,
      %swap3A = arith.constant 1 : i32
      %swap3A_636 = arith.index_cast %swap3A : i32 to index
      %swap3A_637 = arith.index_cast %scan3A_626 : i32 to index
      %swap3A_638 = arith.constant 0 : index
      %swap3A_639 = tpu.vector_load %arg12[%swap3A_636, %swap3A_637, %swap3A_638] {strides = array<i32>} : memref<2x64x128xf32, #tpu.memory_space<vmem>>, vector<16xf32>,
      tpu.vector_store %arg12[%swap3A_636, %swap3A_637, %swap3A_638], %get3A_635 {strides = array<i32>} : memref<2x64x128xf32, #tpu.memory_space<vmem>>, vector<16xf32>,
    }
    %scan3A_519 = arith.constant 64 : i32
    %dma_start3A_520 = arith.constant 1 : i32
    %dma_start3A_521 = arith.constant 1 : i32
    %dma_start3A_522 = arith.constant 0 : i32
    %dma_start3A_523 = arith.constant 0 : i32
    %dma_start3A_524 = tpu.memref_slice %arg12[%dma_start3A_520, %dma_start3A_522, %dma_start3A_523] : memref<2x64x128xf32, #tpu.memory_space<vmem>> -> memref<1x64x128xf32, #tpu.memory_space<vmem>>
    %dma_start3A_525 = tpu.memref_squeeze %dma_start3A_524 : memref<1x64x128xf32, #tpu.memory_space<vmem>> -> memref<64x128xf32, #tpu.memory_space<vmem>>
    %dma_start3A_526 = arith.constant 832 : i32
    %dma_start3A_527 = tpu.memref_slice %arg8[%dma_start3A_526] : memref<1040xi32, #tpu.memory_space<vmem>> -> memref<64xi32, #tpu.memory_space<vmem>>
    %dma_start3A_528 = arith.constant 0 : i32
    %dma_start3A_529 = arith.constant 0 : i32
    %dma_start3A_530 = tpu.memref_slice %arg5[%dma_start3A_528, %dma_start3A_529] : memref<16384x128xf32, #tpu.memory_space<hbm>> -> memref<16384x128xf32, #tpu.memory_space<hbm>>
    %dma_start3A_531 = arith.constant -1 : i32
    %dma_start3A_532 = tpu.memref_slice %arg14[%dma_start3A_521] : memref<2x!tpu.dma_semaphore, #tpu.memory_space<semaphore_mem>> -> memref<1x!tpu.dma_semaphore, #tpu.memory_space<semaphore_mem>>
    %dma_start3A_533 = tpu.memref_squeeze %dma_start3A_532 : memref<1x!tpu.dma_semaphore, #tpu.memory_space<semaphore_mem>> -> memref<!tpu.dma_semaphore, #tpu.memory_space<semaphore_mem>>
    tpu.enqueue_indirect_dma source(%dma_start3A_525 : memref<64x128xf32, #tpu.memory_space<vmem>>) target(%dma_start3A_530 : memref<16384x128xf32, #tpu.memory_space<hbm>>) offsets(%dma_start3A_527 : memref<64xi32, #tpu.memory_space<vmem>>) offset_filter(%dma_start3A_531) semaphore(%dma_start3A_533 : memref<!tpu.dma_semaphore, #tpu.memory_space<semaphore_mem>>)
    %dma_wait3A_534 = arith.constant 0 : i32
    %dma_wait3A_535 = arith.constant 0 : i32
    %dma_wait3A_536 = arith.constant 0 : i32
    %dma_wait3A_537 = arith.constant 0 : i32
    %dma_wait3A_538 = tpu.memref_slice %arg12[%dma_wait3A_534, %dma_wait3A_536, %dma_wait3A_537] : memref<2x64x128xf32, #tpu.memory_space<vmem>> -> memref<1x64x128xf32, #tpu.memory_space<vmem>>
    %dma_wait3A_539 = tpu.memref_squeeze %dma_wait3A_538 : memref<1x64x128xf32, #tpu.memory_space<vmem>> -> memref<64x128xf32, #tpu.memory_space<vmem>>
    %dma_wait3A_540 = arith.constant 768 : i32
    %dma_wait3A_541 = tpu.memref_slice %arg8[%dma_wait3A_540] : memref<1040xi32, #tpu.memory_space<vmem>> -> memref<64xi32, #tpu.memory_space<vmem>>
    %dma_wait3A_542 = arith.constant 0 : i32
    %dma_wait3A_543 = arith.constant 0 : i32
    %dma_wait3A_544 = tpu.memref_slice %arg5[%dma_wait3A_542, %dma_wait3A_543] : memref<16384x128xf32, #tpu.memory_space<hbm>> -> memref<16384x128xf32, #tpu.memory_space<hbm>>
    %dma_wait3A_545 = tpu.memref_slice %arg14[%dma_wait3A_535] : memref<2x!tpu.dma_semaphore, #tpu.memory_space<semaphore_mem>> -> memref<1x!tpu.dma_semaphore, #tpu.memory_space<semaphore_mem>>
    %dma_wait3A_546 = tpu.memref_squeeze %dma_wait3A_545 : memref<1x!tpu.dma_semaphore, #tpu.memory_space<semaphore_mem>> -> memref<!tpu.dma_semaphore, #tpu.memory_space<semaphore_mem>>
    tpu.wait_indirect_dma semaphore(%dma_wait3A_546 : memref<!tpu.dma_semaphore, #tpu.memory_space<semaphore_mem>>) src(%dma_wait3A_539 : memref<64x128xf32, #tpu.memory_space<vmem>>) dst(%dma_wait3A_544 : memref<16384x128xf32, #tpu.memory_space<hbm>>)
    %scan3A_547 = arith.constant 0 : i32
    %scan3A_548 = arith.constant 0 : i32
    %scan3A_549 = arith.constant 64 : i32
    %scan3A_550 = arith.addi %scan3A_548, %scan3A_549 : i32
    %scan3A_551 = arith.constant 1 : i32
    scf.for %scan3A_626 = %scan3A_548 to %scan3A_550 step %scan3A_551  : i32 {
      %add3A_627 = arith.constant 896 : i32
      %add3A_628 = arith.addi %add3A_627, %scan3A_626 : i32
      %shift_right_logical3A_629 = arith.constant 3 : i32
      %shift_right_logical3A_630 = arith.shrui %add3A_628, %shift_right_logical3A_629 : i32
      %and3A = arith.constant 7 : i32
      %and3A_631 = arith.andi %add3A_628, %and3A : i32
      %mul3A_632 = arith.constant 16 : i32
      %mul3A_633 = arith.muli %and3A_631, %mul3A_632 : i32
      %get3A = arith.index_cast %shift_right_logical3A_630 : i32 to index
      %get3A_634 = arith.index_cast %mul3A_633 : i32 to index
      %get3A_635 = tpu.vector_load %arg10[%get3A, %get3A_634] {strides = array<i32>} : memref<128x128xf32, #tpu.memory_space<vmem>>, vector<16xf32>,
      %swap3A = arith.constant 0 : i32
      %swap3A_636 = arith.index_cast %swap3A : i32 to index
      %swap3A_637 = arith.index_cast %scan3A_626 : i32 to index
      %swap3A_638 = arith.constant 0 : index
      %swap3A_639 = tpu.vector_load %arg12[%swap3A_636, %swap3A_637, %swap3A_638] {strides = array<i32>} : memref<2x64x128xf32, #tpu.memory_space<vmem>>, vector<16xf32>,
      tpu.vector_store %arg12[%swap3A_636, %swap3A_637, %swap3A_638], %get3A_635 {strides = array<i32>} : memref<2x64x128xf32, #tpu.memory_space<vmem>>, vector<16xf32>,
    }
    %scan3A_552 = arith.constant 64 : i32
    %dma_start3A_553 = arith.constant 0 : i32
    %dma_start3A_554 = arith.constant 0 : i32
    %dma_start3A_555 = arith.constant 0 : i32
    %dma_start3A_556 = arith.constant 0 : i32
    %dma_start3A_557 = tpu.memref_slice %arg12[%dma_start3A_553, %dma_start3A_555, %dma_start3A_556] : memref<2x64x128xf32, #tpu.memory_space<vmem>> -> memref<1x64x128xf32, #tpu.memory_space<vmem>>
    %dma_start3A_558 = tpu.memref_squeeze %dma_start3A_557 : memref<1x64x128xf32, #tpu.memory_space<vmem>> -> memref<64x128xf32, #tpu.memory_space<vmem>>
    %dma_start3A_559 = arith.constant 896 : i32
    %dma_start3A_560 = tpu.memref_slice %arg8[%dma_start3A_559] : memref<1040xi32, #tpu.memory_space<vmem>> -> memref<64xi32, #tpu.memory_space<vmem>>
    %dma_start3A_561 = arith.constant 0 : i32
    %dma_start3A_562 = arith.constant 0 : i32
    %dma_start3A_563 = tpu.memref_slice %arg5[%dma_start3A_561, %dma_start3A_562] : memref<16384x128xf32, #tpu.memory_space<hbm>> -> memref<16384x128xf32, #tpu.memory_space<hbm>>
    %dma_start3A_564 = arith.constant -1 : i32
    %dma_start3A_565 = tpu.memref_slice %arg14[%dma_start3A_554] : memref<2x!tpu.dma_semaphore, #tpu.memory_space<semaphore_mem>> -> memref<1x!tpu.dma_semaphore, #tpu.memory_space<semaphore_mem>>
    %dma_start3A_566 = tpu.memref_squeeze %dma_start3A_565 : memref<1x!tpu.dma_semaphore, #tpu.memory_space<semaphore_mem>> -> memref<!tpu.dma_semaphore, #tpu.memory_space<semaphore_mem>>
    tpu.enqueue_indirect_dma source(%dma_start3A_558 : memref<64x128xf32, #tpu.memory_space<vmem>>) target(%dma_start3A_563 : memref<16384x128xf32, #tpu.memory_space<hbm>>) offsets(%dma_start3A_560 : memref<64xi32, #tpu.memory_space<vmem>>) offset_filter(%dma_start3A_564) semaphore(%dma_start3A_566 : memref<!tpu.dma_semaphore, #tpu.memory_space<semaphore_mem>>)
    %dma_wait3A_567 = arith.constant 1 : i32
    %dma_wait3A_568 = arith.constant 1 : i32
    %dma_wait3A_569 = arith.constant 0 : i32
    %dma_wait3A_570 = arith.constant 0 : i32
    %dma_wait3A_571 = tpu.memref_slice %arg12[%dma_wait3A_567, %dma_wait3A_569, %dma_wait3A_570] : memref<2x64x128xf32, #tpu.memory_space<vmem>> -> memref<1x64x128xf32, #tpu.memory_space<vmem>>
    %dma_wait3A_572 = tpu.memref_squeeze %dma_wait3A_571 : memref<1x64x128xf32, #tpu.memory_space<vmem>> -> memref<64x128xf32, #tpu.memory_space<vmem>>
    %dma_wait3A_573 = arith.constant 832 : i32
    %dma_wait3A_574 = tpu.memref_slice %arg8[%dma_wait3A_573] : memref<1040xi32, #tpu.memory_space<vmem>> -> memref<64xi32, #tpu.memory_space<vmem>>
    %dma_wait3A_575 = arith.constant 0 : i32
    %dma_wait3A_576 = arith.constant 0 : i32
    %dma_wait3A_577 = tpu.memref_slice %arg5[%dma_wait3A_575, %dma_wait3A_576] : memref<16384x128xf32, #tpu.memory_space<hbm>> -> memref<16384x128xf32, #tpu.memory_space<hbm>>
    %dma_wait3A_578 = tpu.memref_slice %arg14[%dma_wait3A_568] : memref<2x!tpu.dma_semaphore, #tpu.memory_space<semaphore_mem>> -> memref<1x!tpu.dma_semaphore, #tpu.memory_space<semaphore_mem>>
    %dma_wait3A_579 = tpu.memref_squeeze %dma_wait3A_578 : memref<1x!tpu.dma_semaphore, #tpu.memory_space<semaphore_mem>> -> memref<!tpu.dma_semaphore, #tpu.memory_space<semaphore_mem>>
    tpu.wait_indirect_dma semaphore(%dma_wait3A_579 : memref<!tpu.dma_semaphore, #tpu.memory_space<semaphore_mem>>) src(%dma_wait3A_572 : memref<64x128xf32, #tpu.memory_space<vmem>>) dst(%dma_wait3A_577 : memref<16384x128xf32, #tpu.memory_space<hbm>>)
    %scan3A_580 = arith.constant 0 : i32
    %scan3A_581 = arith.constant 0 : i32
    %scan3A_582 = arith.constant 64 : i32
    %scan3A_583 = arith.addi %scan3A_581, %scan3A_582 : i32
    %scan3A_584 = arith.constant 1 : i32
    scf.for %scan3A_626 = %scan3A_581 to %scan3A_583 step %scan3A_584  : i32 {
      %add3A_627 = arith.constant 960 : i32
      %add3A_628 = arith.addi %add3A_627, %scan3A_626 : i32
      %shift_right_logical3A_629 = arith.constant 3 : i32
      %shift_right_logical3A_630 = arith.shrui %add3A_628, %shift_right_logical3A_629 : i32
      %and3A = arith.constant 7 : i32
      %and3A_631 = arith.andi %add3A_628, %and3A : i32
      %mul3A_632 = arith.constant 16 : i32
      %mul3A_633 = arith.muli %and3A_631, %mul3A_632 : i32
      %get3A = arith.index_cast %shift_right_logical3A_630 : i32 to index
      %get3A_634 = arith.index_cast %mul3A_633 : i32 to index
      %get3A_635 = tpu.vector_load %arg10[%get3A, %get3A_634] {strides = array<i32>} : memref<128x128xf32, #tpu.memory_space<vmem>>, vector<16xf32>,
      %swap3A = arith.constant 1 : i32
      %swap3A_636 = arith.index_cast %swap3A : i32 to index
      %swap3A_637 = arith.index_cast %scan3A_626 : i32 to index
      %swap3A_638 = arith.constant 0 : index
      %swap3A_639 = tpu.vector_load %arg12[%swap3A_636, %swap3A_637, %swap3A_638] {strides = array<i32>} : memref<2x64x128xf32, #tpu.memory_space<vmem>>, vector<16xf32>,
      tpu.vector_store %arg12[%swap3A_636, %swap3A_637, %swap3A_638], %get3A_635 {strides = array<i32>} : memref<2x64x128xf32, #tpu.memory_space<vmem>>, vector<16xf32>,
    }
    %scan3A_585 = arith.constant 64 : i32
    %dma_start3A_586 = arith.constant 1 : i32
    %dma_start3A_587 = arith.constant 1 : i32
    %dma_start3A_588 = arith.constant 0 : i32
    %dma_start3A_589 = arith.constant 0 : i32
    %dma_start3A_590 = tpu.memref_slice %arg12[%dma_start3A_586, %dma_start3A_588, %dma_start3A_589] : memref<2x64x128xf32, #tpu.memory_space<vmem>> -> memref<1x64x128xf32, #tpu.memory_space<vmem>>
    %dma_start3A_591 = tpu.memref_squeeze %dma_start3A_590 : memref<1x64x128xf32, #tpu.memory_space<vmem>> -> memref<64x128xf32, #tpu.memory_space<vmem>>
    %dma_start3A_592 = arith.constant 960 : i32
    %dma_start3A_593 = tpu.memref_slice %arg8[%dma_start3A_592] : memref<1040xi32, #tpu.memory_space<vmem>> -> memref<64xi32, #tpu.memory_space<vmem>>
    %dma_start3A_594 = arith.constant 0 : i32
    %dma_start3A_595 = arith.constant 0 : i32
    %dma_start3A_596 = tpu.memref_slice %arg5[%dma_start3A_594, %dma_start3A_595] : memref<16384x128xf32, #tpu.memory_space<hbm>> -> memref<16384x128xf32, #tpu.memory_space<hbm>>
    %dma_start3A_597 = arith.constant -1 : i32
    %dma_start3A_598 = tpu.memref_slice %arg14[%dma_start3A_587] : memref<2x!tpu.dma_semaphore, #tpu.memory_space<semaphore_mem>> -> memref<1x!tpu.dma_semaphore, #tpu.memory_space<semaphore_mem>>
    %dma_start3A_599 = tpu.memref_squeeze %dma_start3A_598 : memref<1x!tpu.dma_semaphore, #tpu.memory_space<semaphore_mem>> -> memref<!tpu.dma_semaphore, #tpu.memory_space<semaphore_mem>>
    tpu.enqueue_indirect_dma source(%dma_start3A_591 : memref<64x128xf32, #tpu.memory_space<vmem>>) target(%dma_start3A_596 : memref<16384x128xf32, #tpu.memory_space<hbm>>) offsets(%dma_start3A_593 : memref<64xi32, #tpu.memory_space<vmem>>) offset_filter(%dma_start3A_597) semaphore(%dma_start3A_599 : memref<!tpu.dma_semaphore, #tpu.memory_space<semaphore_mem>>)
    %dma_wait3A_600 = arith.constant 0 : i32
    %dma_wait3A_601 = arith.constant 0 : i32
    %dma_wait3A_602 = arith.constant 0 : i32
    %dma_wait3A_603 = arith.constant 0 : i32
    %dma_wait3A_604 = tpu.memref_slice %arg12[%dma_wait3A_600, %dma_wait3A_602, %dma_wait3A_603] : memref<2x64x128xf32, #tpu.memory_space<vmem>> -> memref<1x64x128xf32, #tpu.memory_space<vmem>>
    %dma_wait3A_605 = tpu.memref_squeeze %dma_wait3A_604 : memref<1x64x128xf32, #tpu.memory_space<vmem>> -> memref<64x128xf32, #tpu.memory_space<vmem>>
    %dma_wait3A_606 = arith.constant 896 : i32
    %dma_wait3A_607 = tpu.memref_slice %arg8[%dma_wait3A_606] : memref<1040xi32, #tpu.memory_space<vmem>> -> memref<64xi32, #tpu.memory_space<vmem>>
    %dma_wait3A_608 = arith.constant 0 : i32
    %dma_wait3A_609 = arith.constant 0 : i32
    %dma_wait3A_610 = tpu.memref_slice %arg5[%dma_wait3A_608, %dma_wait3A_609] : memref<16384x128xf32, #tpu.memory_space<hbm>> -> memref<16384x128xf32, #tpu.memory_space<hbm>>
    %dma_wait3A_611 = tpu.memref_slice %arg14[%dma_wait3A_601] : memref<2x!tpu.dma_semaphore, #tpu.memory_space<semaphore_mem>> -> memref<1x!tpu.dma_semaphore, #tpu.memory_space<semaphore_mem>>
    %dma_wait3A_612 = tpu.memref_squeeze %dma_wait3A_611 : memref<1x!tpu.dma_semaphore, #tpu.memory_space<semaphore_mem>> -> memref<!tpu.dma_semaphore, #tpu.memory_space<semaphore_mem>>
    tpu.wait_indirect_dma semaphore(%dma_wait3A_612 : memref<!tpu.dma_semaphore, #tpu.memory_space<semaphore_mem>>) src(%dma_wait3A_605 : memref<64x128xf32, #tpu.memory_space<vmem>>) dst(%dma_wait3A_610 : memref<16384x128xf32, #tpu.memory_space<hbm>>)
    %dma_wait3A_613 = arith.constant 1 : i32
    %dma_wait3A_614 = arith.constant 1 : i32
    %dma_wait3A_615 = arith.constant 0 : i32
    %dma_wait3A_616 = arith.constant 0 : i32
    %dma_wait3A_617 = tpu.memref_slice %arg12[%dma_wait3A_613, %dma_wait3A_615, %dma_wait3A_616] : memref<2x64x128xf32, #tpu.memory_space<vmem>> -> memref<1x64x128xf32, #tpu.memory_space<vmem>>
    %dma_wait3A_618 = tpu.memref_squeeze %dma_wait3A_617 : memref<1x64x128xf32, #tpu.memory_space<vmem>> -> memref<64x128xf32, #tpu.memory_space<vmem>>
    %dma_wait3A_619 = arith.constant 960 : i32
    %dma_wait3A_620 = tpu.memref_slice %arg8[%dma_wait3A_619] : memref<1040xi32, #tpu.memory_space<vmem>> -> memref<64xi32, #tpu.memory_space<vmem>>
    %dma_wait3A_621 = arith.constant 0 : i32
    %dma_wait3A_622 = arith.constant 0 : i32
    %dma_wait3A_623 = tpu.memref_slice %arg5[%dma_wait3A_621, %dma_wait3A_622] : memref<16384x128xf32, #tpu.memory_space<hbm>> -> memref<16384x128xf32, #tpu.memory_space<hbm>>
    %dma_wait3A_624 = tpu.memref_slice %arg14[%dma_wait3A_614] : memref<2x!tpu.dma_semaphore, #tpu.memory_space<semaphore_mem>> -> memref<1x!tpu.dma_semaphore, #tpu.memory_space<semaphore_mem>>
    %dma_wait3A_625 = tpu.memref_squeeze %dma_wait3A_624 : memref<1x!tpu.dma_semaphore, #tpu.memory_space<semaphore_mem>> -> memref<!tpu.dma_semaphore, #tpu.memory_space<semaphore_mem>>
    tpu.wait_indirect_dma semaphore(%dma_wait3A_625 : memref<!tpu.dma_semaphore, #tpu.memory_space<semaphore_mem>>) src(%dma_wait3A_618 : memref<64x128xf32, #tpu.memory_space<vmem>>) dst(%dma_wait3A_623 : memref<16384x128xf32, #tpu.memory_space<hbm>>)
    return
  }
}

</mosaic_0001>

<sc_bundles>
// kernel: kernel.3.cloned.1.call-start
scs
__scs_entry_jumppad:
0x0: {  	(pc) =	sbr.rel $0x88, $3  }
0x1: {  	(tag) =	ssettag $0x0;
	lr =	simm.s32 $0x1  }
0x2: {  	[smem:$0x3F9F] =	sst lr;
	_ =	strace $0xD0000000  }
0x3: {  	_ = 	snop  }
0x4: {  	_ = 	snop  }
0x5: {  	_ = 	snop  }
0x6: {  	_ = 	snop  }
0x7: {  	_ = 	snop  }
__scs_overlays_trampoline_lowered:
0x8: {  	[smem:$0x3FAE] =	sst s0  }
0x9: {  	[smem:$0x3FAF] =	sst s1  }
0xa: {  	[smem:$0x3FB0] =	sst s2  }
0xb: {  	[smem:$0x3FB1] =	sst s3  }
0xc: {  	[smem:$0x3FB2] =	sst s4  }
0xd: {  	[smem:$0x3FB3] =	sst s5  }
0xe: {  	[smem:$0x3FB4] =	sst s6  }
0xf: {  	[smem:$0x3FB5] =	sst s7  }
0x10: {  	[smem:$0x3FB6] =	sst s8  }
0x11: {  	[smem:$0x3FB7] =	sst s9;
	s0 =	simm.s32 @!p0 $0x0  }
0x12: {  	s1 =	sld [smem:$0x3F9D];
	s0 =	simm.s32 @p0 $0x1  }
0x13: {  	[smem:$0x3FB8] =	sst s0;
	s0 =	simm.s32 @!p1 $0x0  }
0x14: {  	s2 =	sld [smem:$0x3F9C];
	s0 =	simm.s32 @p1 $0x1  }
0x15: {  	[smem:$0x3FB9] =	sst s0;
	s0 =	simm.s32 @!p2 $0x0  }
0x16: {  	s3 =	sld [smem:$0x3FDB];
	s0 =	simm.s32 @p2 $0x1  }
0x17: {  	s4 =	simm.s32 $0x1BF5;
	[smem:$0x3FBB] =	sst s0  }
0x18: {  	s0 =	sld [smem:$0x3F9E];
	_ =	swait.ge [sflag:s4], $0x0  }
0x19: {  	s7 =	sld [smem:$0x3F9F]  }
0x1a: {  	s8 =	sadd.s32 $0xFFFFE003, lr  }
0x1b: {  	s9 =	sadd.s32 $0xFFFFFEF7, lr;
	s5 =	simm.s32 $0xFFFFFFFF;
	p2 =	slt.u32 s8, $0xFFFFF086  }
0x1c: {  	p1 =	slt.u32 s9, $0xF7A;
	s5 =	simm.s32 @!p2 $0x0  }
0x1d: {  	s5 =	simm.s32 @p1 $0x1;
	p0 =	seq.s32 s7, s2  }
0x1e: {  	s7 =	smul.u32 @!p0 $0xF7A, s2;
	p2 =	seq.s32 @!p0 s5, $0x0  }
0x1f: {  	s9 =	smul.u32 $0xF7A, s1;
	s8 =	simm.s32 @!p0 $0x1BF5;
	p2 =	por !p2, p0  }
0x20: {  	[sflag:s8] =	ssyncset.s32 @!p0 $0xFFFFF086;
	s6 =	sadd.s32 @!p0 s3, s7;
	s7 =	simm.s32 @!p0 $0x108  }
0x21: {  	s3 =	sadd.s32 s3, s9;
	s6 =	sadd.s32 @!p0 $0x88, s6;
	s7 =	simm.s32 @p2 $0x1082  }
0x22: {  	[simem:s7], [sflag:s8] =	dma.local @!p0 [hbm:s6], $0xF7A  }
0x23: {  	s9 =	sor.u32 $0xD0000000, s2;
	s6 =	simm.s32 $0x108;
	_ =	swait.ge @!p0 [sflag:s8], $0x0  }
0x24: {  	s3 =	sadd.s32 $0x88, s3;
	s6 =	simm.s32 @!p1 $0x1082;
	[sflag:s4] =	ssyncset.s32 $0xFFFFF086  }
0x25: {  	[simem:s6], [sflag:s4] =	dma.local [hbm:s3], $0xF7A  }
0x26: {  	[smem:$0x3F9F] =	sst s1;
	(tag) =	ssettag s2;
	_ =	strace s9  }
0x27: {  	s1 =	sld [smem:$0x3FAF]  }
0x28: {  	s2 =	sld [smem:$0x3FB0]  }
0x29: {  	s4 =	sld [smem:$0x3FB2]  }
0x2a: {  	p0 =	seq.s32 s5, $0x0;
	s5 =	sld [smem:$0x3FB3]  }
0x2b: {  	s6 =	sld [smem:$0x3FB4]  }
0x2c: {  	s7 =	sld [smem:$0x3FB5]  }
0x2d: {  	s3 =	simm.s32 $0x108;
	s8 =	sld [smem:$0x3FB6]  }
0x2e: {  	s3 =	simm.s32 @!p0 $0x1082;
	s9 =	sld [smem:$0x3FB7]  }
0x2f: {  	lr =	sadd.s32 s0, s3;
	s0 =	sld [smem:$0x3FAE]  }
0x30: {  	s3 =	sld [smem:$0x3FB1]  }
0x31: {  	[smem:$0x3FBA] =	sst s10  }
0x32: {  	s10 =	sld [smem:$0x3FB8];
	_ =	sdelay $0x3  }
0x33: {  	p0 =	seq.s32 s10, $0x1;
	s10 =	sld [smem:$0x3FBA];
	_ =	sdelay $0x3  }
0x34: {  	[smem:$0x3FBA] =	sst s10  }
0x35: {  	s10 =	sld [smem:$0x3FB9];
	_ =	sdelay $0x3  }
0x36: {  	p1 =	seq.s32 s10, $0x1;
	s10 =	sld [smem:$0x3FBA];
	_ =	sdelay $0x3  }
0x37: {  	[smem:$0x3FBA] =	sst s10  }
0x38: {  	s10 =	sld [smem:$0x3FBB]  }
0x39: {  	_ = 	snop;
	(pc) =	sbr.ind lr, $3  }
0x3a: {  	_ = 	snop  }
0x3b: {  	_ = 	snop  }
0x3c: {  	p2 =	seq.s32 s10, $0x1;
	s10 =	sld [smem:$0x3FBA]  }
0x3d: {  	_ =	shalt  }
0x3e: {  	_ =	shalt  }
0x3f: {  	_ =	shalt  }
0x40: {  	_ =	shalt  }
0x41: {  	_ =	shalt  }
0x42: {  	_ =	shalt  }
0x43: {  	_ =	shalt  }
0x44: {  	_ =	shalt  }
0x45: {  	_ =	shalt  }
0x46: {  	_ =	shalt  }
0x47: {  	_ =	shalt  }
0x48: {  	_ =	shalt  }
0x49: {  	_ =	shalt  }
0x4a: {  	_ =	shalt  }
0x4b: {  	_ =	shalt  }
0x4c: {  	_ =	shalt  }
0x4d: {  	_ =	shalt  }
0x4e: {  	_ =	shalt  }
0x4f: {  	_ =	shalt  }
0x50: {  	_ =	shalt  }
0x51: {  	_ =	shalt  }
0x52: {  	_ =	shalt  }
0x53: {  	_ =	shalt  }
0x54: {  	_ =	shalt  }
0x55: {  	_ =	shalt  }
0x56: {  	_ =	shalt  }
0x57: {  	_ =	shalt  }
0x58: {  	_ =	shalt  }
0x59: {  	_ =	shalt  }
0x5a: {  	_ =	shalt  }
0x5b: {  	_ =	shalt  }
0x5c: {  	_ =	shalt  }
0x5d: {  	_ =	shalt  }
0x5e: {  	_ =	shalt  }
0x5f: {  	_ =	shalt  }
0x60: {  	_ =	shalt  }
0x61: {  	_ =	shalt  }
0x62: {  	_ =	shalt  }
0x63: {  	_ =	shalt  }
0x64: {  	_ =	shalt  }
0x65: {  	_ =	shalt  }
0x66: {  	_ =	shalt  }
0x67: {  	_ =	shalt  }
0x68: {  	_ =	shalt  }
0x69: {  	_ =	shalt  }
0x6a: {  	_ =	shalt  }
0x6b: {  	_ =	shalt  }
0x6c: {  	_ =	shalt  }
0x6d: {  	_ =	shalt  }
0x6e: {  	_ =	shalt  }
0x6f: {  	_ =	shalt  }
0x70: {  	_ =	shalt  }
0x71: {  	_ =	shalt  }
0x72: {  	_ =	shalt  }
0x73: {  	_ =	shalt  }
0x74: {  	_ =	shalt  }
0x75: {  	_ =	shalt  }
0x76: {  	_ =	shalt  }
0x77: {  	_ =	shalt  }
0x78: {  	_ =	shalt  }
0x79: {  	_ =	shalt  }
0x7a: {  	_ =	shalt  }
0x7b: {  	_ =	shalt  }
0x7c: {  	_ =	shalt  }
0x7d: {  	_ =	shalt  }
0x7e: {  	_ =	shalt  }
0x7f: {  	_ =	shalt  }
0x80: {  	_ =	shalt  }
0x81: {  	_ =	shalt  }
0x82: {  	_ =	shalt  }
0x83: {  	_ =	shalt  }
0x84: {  	_ =	shalt  }
0x85: {  	_ =	shalt  }
0x86: {  	_ =	shalt  }
0x87: {  	_ =	shalt  }
.Lfunc_end0:
.L_simem_size_0:
called_computation_lowered:
.L_overlay_start_0:
0x88: {  	s2 =	sld [smem:$0x3FD9]  }
0x89: {  	s3 =	sld [smem:$0x3FFE];
	_ =	sdelay $0x1  }
0x8a: {  	s1 =	srdreg.scid  }
0x8b: {  	s0 =	sand.u32 $0x1, s1  }
0x8c: {  	s17 =	sshll.u32 s0, $0xA;
	s2 =	sadd.s32 s3, s2  }
0x8d: {  	s2 =	sadd.s32 s2, s17  }
0x8e: {  	[smem:$0x3FC6] =	sst s2  }
0x8f: {  	_ = 	snop  }
0x90: {  	s2 =	sld [smem:$0x3FC9]  }
0x91: {  	s18 =	sld [smem:$0x3FC8]  }
0x92: {  	s4 =	sld [smem:$0x3FD0];
	(tm) =	ssettm $0x1  }
0x93: {  	s5 =	sld [smem:$0x3FFB];
	_ =	sdelay $0x3  }
0x94: {  	_ =	strace s5  }
0x95: {  	s5 =	sld [smem:$0x3FFC];
	_ =	sdelay $0x3  }
0x96: {  	_ =	strace s5  }
0x97: {  	s5 =	sld [smem:$0x3FFD];
	_ =	sdelay $0x3  }
0x98: {  	_ =	strace s5  }
0x99: {  	_ =	strace $0x8FFFFFFF  }
0x9a: {  	s19 =	sld [smem:$0x3FDB];
	_ =	sdelay $0x1  }
0x9b: {  	s6 =	simm.s32 $_scs_section_size  }
0x9c: {  	s7 =	simm.s32 $_size__tile_overlayer_lowered;
	s8 =	simm.s32 $_tile_overlayer_lowered  }
0x9d: {  	s22 =	simm.s32 $0x1BFF;
	s21 =	sshll.u32 s8, $0x1;
	s5 =	sadd.s32 s6, s19  }
0x9e: {  	s9 =	simm.s32 $0x0;
	s20 =	sshll.u32 s7, $0x1;
	s7 =	sadd.s32 s21, s5  }
0x9f: {  	[timem:s9], [sflag:s22] =	dma.local [hbm:s7], s20  }
0xa0: {  	_ =	swait.ge [sflag:s22], s20  }
0xa1: {  	s6 =	ssub.s32 $0x0, s20;
	[sflag:s22] =	ssyncset.done $0x0  }
0xa2: {  	[sflag:s22] =	ssyncadd.s32 s6;
	_ =	sdelay $0x1  }
0xa3: {  	s23 =	simm.s32 $0x1B8B  }
0xa4: {  	_ =	swait.ge [sflag:s23], $0x1  }
0xa5: {  	[sflag:s23] =	ssyncset.done $0x0  }
0xa6: {  	s25 =	simm.s32 $0x1B8E;
	s24 =	sld [smem:$0x3FFE];
	[sflag:s23] =	ssyncadd.s32 $0xFFFFFFFF  }
0xa7: {  	s26 =	simm.s32 $execute0_lowered;
	[smem:$0x3FD2] =	sst s25  }
0xa8: {  	s7 =	sshll.u32 s26, $0x1;
	_ =	strace $0x80000046;
	[dreg:$0x1] =	wrdreg $0xFFFFFFFF  }
0xa9: {  	s28 =	simm.s32 $_size_execute0_lowered;
	s5 =	sadd.s32 s5, s7;
	[dreg:$0x0] =	wrdreg $0x0  }
0xaa: {  	s7 =	sshll.u32 s28, $0x1;
	[dreg:$0x2] =	wrdreg s5  }
0xab: {  	[dreg:$0x3] =	wrdreg s7  }
0xac: {  	[dreg:$0x4] =	wrdreg $0xC0  }
0xad: {  	_ =	task [dreg:s9], $0x5FFFF  }
0xae: {  	[dreg:$0x1] =	wrdreg $0xFFFFFFFF  }
0xaf: {  	[dreg:$0x0] =	wrdreg $0x60  }
0xb0: {  	[dreg:$0x2] =	wrdreg s2  }
0xb1: {  	[dreg:$0x3] =	wrdreg s18  }
0xb2: {  	[dreg:$0x4] =	wrdreg s4  }
0xb3: {  	[dreg:$0x5] =	wrdreg s24  }
0xb4: {  	[dreg:$0x6] =	wrdreg $0x9  }
0xb5: {  	_ =	task.clear_ibuf [dreg:s9], $0x7FFFF;
	_ =	strace $0x90000046  }
0xb6: {  	s29 =	simm.s32 $0x9;
	_ =	strace $0x80000048  }
0xb7: {  	_ =	swait.ge [sflag:s29], $0x1  }
0xb8: {  	[sflag:s29] =	ssyncadd.s32 $0xFFFFFFFF  }
0xb9: {  	_ =	strace $0x90000048  }
0xba: {  	_ =	sfence  }
0xbb: {  	s30 =	sld [smem:$0x0];
	_ =	sdelay $0x2  }
0xbc: {  	s31 =	sshll.u32 s1, $0xD;
	s1 =	sshrl.u32 s1, $0x2  }
0xbd: {  	s3 =	sand.u32 $0x4000, s31;
	s1 =	sadd.s32 s1, s30  }
0xbe: {  	s0 =	sor.u32 s3, s0;
	s1 =	sshll.u32 s1, $0x11  }
0xbf: {  	s0 =	sor.u32 s1, s0  }
0xc0: {  	s0 =	sadd.s32 $0x8F2B, s0  }
0xc1: {  	[sflag:s0] =	ssyncadd.remote.s32 $0x1  }
0xc2: {  	_ =	sfence.sel $0xFFFF  }
0xc3: {  	[dreg:$0x0] =	wrdreg $0xFFFFFFFF;
	(pc) =	sbr.abs _section_cstart, $3  }
0xc4: {  	[dreg:$0x1] =	wrdreg $0xFFFFFFFF  }
0xc5: {  	_ =	task.clear_ibuf [dreg:s9], $0x2FFFF;
	_ =	strace $0x9FFFFFFF  }
0xc6: {  	(tm) =	ssettm $0x7FFFFFFF  }
0xc7: {  	_ =	shalt  }
tec
execute0_lowered:
.L_overlay_start_1:
0x0: {  	(tag) =	ssettag $0x1  }
0x1: {  	s9 =	rddreg [dreg:$0x0]  }
0x2: {  	s0 =	rddreg [dreg:$0x1]  }
0x3: {  	s1 =	rddreg [dreg:$0x3]  }
0x4: {  	s2 =	srdreg.scid;
	s3 =	stileid.u32  }
0x5: {  	s4 =	simm.s32 $0x0;
	s12 =	simm.s32 $0x4000;
	s13 =	simm.s32 $0x7A1400  }
0x6: {  	s14 =	simm.s32 $0x2900;
	s16 =	simm.s32 $0x16900;
	s17 =	simm.s32 $0x5  }
0x7: {  	s18 =	simm.s32 $0x2000;
	v0 =	vlaneseq.u32;
	s19 =	simm.s32 $0x2480;
	s20 =	simm.s32 $0x1  }
0x8: {  	s21 =	simm.s32 $0x2;
	s2 =	sand.u32 $0x1, s2;
	s3 =	sshll.u32 s3, $0x1;
	v2 =	vand.u32 $0x7, v0  }
0x9: {  	s22 =	simm.s32 $0x12900;
	s23 =	simm.s32 $0x40;
	v3 =	vimm.s32 $0xFFFFFFFF;
	s5 =	sor.u32 s2, s3;
	v2 =	vmul.u32 $0x10, v2  }
0xa: {  	s24 =	simm.s32 $0x19100;
	v4 =	vimm.s32 $0x0;
	v5 =	vimm.f32 $0.0e+00;
	s28 =	simm.s32 $0x3;
	s30 =	simm.s32 $0x4;
	v1 =	vmov s5  }
0xb: {  	s15 =	simm.s32 $0x0;
	[smem:$0x7FF] =	sst s4;
	s6 =	sadd.s32 $0x400, s1;
	v6 =	vor.u32 $0x1, v2;
	v7 =	vor.u32 $0x2, v2;
	v8 =	vor.u32 $0x3, v2  }
0xc: {  	s9 =	sadd.s32 $0x400, s9;
	s10 =	sadd.s32 $0x20000, s0;
	s26 =	ssub.s32 $0x2, s2;
	v9 =	vor.u32 $0x4, v2;
	v10 =	vor.u32 $0x5, v2;
	v11 =	vor.u32 $0x6, v2  }
0xd: {  	_ =	strace $0x80000047;
	s29 =	sshrl.u32 s26, $0x1;
	s3 =	sshll.u32 s5, $0xB;
	v12 =	vor.u32 $0x7, v2;
	v13 =	vor.u32 $0x8, v2;
	v14 =	vor.u32 $0x9, v2  }
0xe: {  	s31 =	ssub.s32 s26, s29;
	s7 =	sadd.s32 s0, s3;
	s26 =	simm.s32 $0x1B100;
	v15 =	vor.u32 $0xA, v2;
	v16 =	vor.u32 $0xB, v2;
	v17 =	vor.u32 $0xC, v2  }
0xf: {  	v18 =	vor.u32 $0xD, v2;
	v19 =	vor.u32 $0xE, v2;
	v20 =	vor.u32 $0xF, v2;
	s3 =	simm.s32 $0x2840;
	s8 =	sadd.s32 $0x10000, s7;
	s11 =	smax.u32 s31, $0x1  }
.LBB2_1:
0x10: {  	[tilespmem:s14], [sflag:$0x1] =	stream.strided.gather [hbm4b:s7+s12], $0x8000, s13, s12, $0x38;
	[tilespmem:$0x1D100] =	vst v63  }
0x11: {  	s0 =	simm.s32 $0xA900  }
0x12: {  	[tilespmem:s0], [sflag:$0x2] =	stream.strided.gather [hbm4b:s8+s12], $0x8000, s13, s12, $0x38;
	[tilespmem:$0x1D100] =	vst v63  }
0x13: {  	s31 =	rddreg [dreg:$0x2];
	s1 =	simm.s32 $0x0  }
0x14: {  	[tilespmem:s16], [sflag:$0x5] =	stream.linear.gather [hbm4b:s31+s1], $0x2800, $0x38;
	[tilespmem:$0x1D100] =	vst v63  }
0x15: {  	_ =	swait.ge [sflag:s17], $0x2800  }
0x16: {  	[sflag:s17] =	ssyncset.done $0x0  }
0x17: {  	s0 =	simm.s32 $0x40;
	s1 =	simm.s32 $0x0;
	[sflag:s17] =	ssyncadd.s32 $0xFFFFD800  }
.LBB2_2:
0x18: {  	p0 =	sne.s32 s0, $0x1000;
	[tilespmem:s1+$0x2480] =	vst v3;
	s1 =	smov.u32 s0;
	s0 =	sadd.s32 $0x40, s0  }
.Ltmp0:
0x19: {  	(pc) =	sbr.rel @p0 .LBB2_2-.Ltmp0, $2  }
0x1a: {  	_ =	sdelay $0x2  }
0x1b: {  	s1 =	sshra.s32 s1, $0x2  }
0x1c: {  	[tilespmem:s1+$0x2480] =	vst v3;
	s0 =	simm.s32 $0x0;
	s31 =	rddreg [dreg:$0x0]  }
0x1d: {  	[tilespmem:s0], [sflag:$0x5] =	stream.linear.gather [hbm4b:s31+s0], $0x2000, $0x38;
	[tilespmem:$0x1D100] =	vst v63  }
0x1e: {  	_ =	swait.ge [sflag:s17], $0x2000  }
0x1f: {  	[sflag:s17] =	ssyncset.done $0x0  }
0x20: {  	[sflag:s17] =	ssyncadd.s32 $0xFFFFE000  }
0x21: {  	v23 =	vld [tilespmem:s0+$0x0];
	_ =	sdelay $0x4  }
0x22: {  	v21 =	vshrl.u32 v23, $0xB  }
0x23: {  	v21 =	vand.u32 $0x1F, v21  }
0x24: {  	vm0 =	veq.s32 v21, v1  }
0x25: {  	v21 =	vsel vm0, $0x1, v4  }
0x26: {  	(xrf0) =	vadd.scan.msk.s32 $0xffff, v21;
	_ =	sdelay $0x5  }
0x27: {  	v21 =	vimm.s32 $0x0;
	v22, _, _ =	vpop (xrf0)  }
0x28: {  	v22 =	vadd.s32 v22, v21  }
0x29: {  	v22 =	vadd.s32 $0xFFFFFFFF, v22  }
0x2a: {  	v24 =	vmpcnt.ones.xlane vm0;
	_ =	sdelay $0x1  }
0x2b: {  	v21 =	vadd.s32 v21, v24  }
0x2c: {  	vm1 =	vlt.s32 v21, $0x400  }
0x2d: {  	s1 =	simm.s32 $0x10;
	v21 =	vnsel vm1, $0x400, v21;
	[tilespmem:v22+s18+$0x0] =	vst.idx.msk vm0, v23;
	v23 =	vor.u32 s0, v0  }
.LBB2_4:
0x2e: {  	p0 =	sne.s32 s1, $0x1FF0  }
0x2f: {  	[tilespmem:v22+s19+$0x0] =	vst.idx.msk vm0, v23;
	s0 =	sadd.s32 $0x10, s0;
	v22 =	vmov v21;
	s4 =	smov.u32 s1;
	s1 =	sadd.s32 $0x10, s1  }
0x30: {  	v23 =	vld [tilespmem:s0+$0x0];
	_ =	sdelay $0x4  }
0x31: {  	v24 =	vshrl.u32 v23, $0xB  }
0x32: {  	v24 =	vand.u32 $0x1F, v24  }
0x33: {  	vm0 =	veq.s32 v24, v1  }
0x34: {  	v24 =	vsel vm0, $0x1, v4;
	v25 =	vmpcnt.ones.xlane vm0  }
0x35: {  	(xrf0) =	vadd.scan.msk.s32 $0xffff, v24  }
0x36: {  	v21 =	vadd.s32 v21, v25  }
0x37: {  	vm1 =	vlt.s32 v21, $0x400  }
0x38: {  	v21 =	vnsel vm1, $0x400, v21;
	_ =	sdelay $0x2  }
0x39: {  	v24, _, _ =	vpop (xrf0)  }
0x3a: {  	v22 =	vadd.s32 v24, v22  }
0x3b: {  	v22 =	vadd.s32 $0xFFFFFFFF, v22  }
.Ltmp1:
0x3c: {  	(pc) =	sbr.rel @p0 .LBB2_4-.Ltmp1, $2  }
0x3d: {  	_ =	sdelay $0x2  }
0x3e: {  	[tilespmem:v22+s18+$0x0] =	vst.idx.msk vm0, v23;
	v23 =	vor.u32 s4, v0  }
0x3f: {  	_ =	sdelay $0x4  }
0x40: {  	[tilespmem:v22+s19+$0x0] =	vst.idx.msk vm0, v23;
	s0 =	simm.s32 $0x0  }
0x41: {  	[tilespmem:s0], [sflag:$0x5] =	stream.linear.gather [hbm4b:s9+s0], $0x2000, $0x38;
	[tilespmem:$0x1D100] =	vst v63  }
0x42: {  	_ =	swait.ge [sflag:s17], $0x2000  }
0x43: {  	[sflag:s17] =	ssyncset.done $0x0  }
0x44: {  	[sflag:s17] =	ssyncadd.s32 $0xFFFFE000  }
0x45: {  	v23 =	vld [tilespmem:s0+$0x0];
	_ =	sdelay $0x4  }
0x46: {  	v22 =	vshrl.u32 v23, $0xB  }
0x47: {  	v22 =	vand.u32 $0x1F, v22  }
0x48: {  	vm0 =	veq.s32 v22, v1  }
0x49: {  	v22 =	vsel vm0, $0x1, v4  }
0x4a: {  	(xrf0) =	vadd.scan.msk.s32 $0xffff, v22;
	_ =	sdelay $0x5  }
0x4b: {  	v22, _, _ =	vpop (xrf0)  }
0x4c: {  	v22 =	vadd.s32 v22, v21  }
0x4d: {  	v22 =	vadd.s32 $0xFFFFFFFF, v22  }
0x4e: {  	v24 =	vmpcnt.ones.xlane vm0;
	_ =	sdelay $0x1  }
0x4f: {  	v21 =	vadd.s32 v21, v24  }
0x50: {  	s4 =	simm.s32 $0x2000;
	vm1 =	vlt.s32 v21, $0x400  }
0x51: {  	s1 =	simm.s32 $0x2010;
	v21 =	vnsel vm1, $0x400, v21;
	[tilespmem:v22+s18+$0x0] =	vst.idx.msk vm0, v23;
	v23 =	vor.u32 s4, v0  }
.LBB2_6:
0x52: {  	p0 =	sne.s32 s1, $0x3FF0  }
0x53: {  	[tilespmem:v22+s19+$0x0] =	vst.idx.msk vm0, v23;
	s0 =	sadd.s32 $0x10, s0;
	v22 =	vmov v21;
	s4 =	smov.u32 s1;
	s1 =	sadd.s32 $0x10, s1  }
0x54: {  	v23 =	vld [tilespmem:s0+$0x0];
	_ =	sdelay $0x4  }
0x55: {  	v24 =	vshrl.u32 v23, $0xB  }
0x56: {  	v24 =	vand.u32 $0x1F, v24  }
0x57: {  	vm0 =	veq.s32 v24, v1  }
0x58: {  	v24 =	vsel vm0, $0x1, v4;
	v25 =	vmpcnt.ones.xlane vm0  }
0x59: {  	(xrf0) =	vadd.scan.msk.s32 $0xffff, v24  }
0x5a: {  	v21 =	vadd.s32 v21, v25  }
0x5b: {  	vm1 =	vlt.s32 v21, $0x400  }
0x5c: {  	v21 =	vnsel vm1, $0x400, v21;
	_ =	sdelay $0x2  }
0x5d: {  	v24, _, _ =	vpop (xrf0)  }
0x5e: {  	v22 =	vadd.s32 v24, v22  }
0x5f: {  	v22 =	vadd.s32 $0xFFFFFFFF, v22  }
.Ltmp2:
0x60: {  	(pc) =	sbr.rel @p0 .LBB2_6-.Ltmp2, $2  }
0x61: {  	_ =	sdelay $0x2  }
0x62: {  	[tilespmem:v22+s18+$0x0] =	vst.idx.msk vm0, v23;
	v23 =	vor.u32 s4, v0  }
0x63: {  	v21 =	vxor.u32 $0x80000000, v21  }
0x64: {  	(xrf0) =	vmax.scan.msk.u32 $0xffff, v21;
	_ =	sdelay $0x5  }
0x65: {  	v21, _, _ =	vpop (xrf0)  }
0x66: {  	(v2sf) =	vpush v21, $0xF;
	_ =	sdelay $0xd  }
.Ltmp3:
0x67: {  	_ = 	snop;
	(pc) =	sbr.rel .LBB2_8-.Ltmp3, $4  }
0x68: {  	s0 =	spop (v2sf)  }
0x69: {  	s1 =	sadd.s32 $0x8000000F, s0  }
0x6a: {  	s4 =	sxor.u32 $0x80000000, s0;
	s0 =	sshrl.u32 s1, $0x4  }
0x6b: {  	[tilespmem:v22+s19+$0x0] =	vst.idx.msk vm0, v23;
	v21 =	vmov s4;
	s4 =	simm.s32 $0x0;
	p0 =	seq.s32 s0, $0x0  }
.LBB2_19:
0x6c: {  	p1 =	sgt.u32 s25, $0x1A7  }
0x6d: {  	s1 =	sshll.u32 @!p1 s25, $0xB;
	s2 =	simm.s32 @!p1 $0x4000  }
0x6e: {  	s25 =	simm.s32 @!p1 $0x7A1400;
	s29 =	simm.s32 @!p1 $0xA900;
	s1 =	sadd.s32 @!p1 s1, s10  }
0x6f: {  	[tilespmem:s29], [sflag:$0x2] =	stream.strided.gather @!p1 [hbm4b:s1+s2], $0x8000, s25, s2, $0x38;
	[tilespmem:$0x1D100] =	vst v63  }
.LBB2_20:
0x70: {  	s4 =	sadd.s32 $0x1, s4  }
0x71: {  	p1 =	seq.s32 s4, $0x8  }
.Ltmp4:
0x72: {  	_ = 	snop;
	(pc) =	sbr.rel @p1 .LBB2_21-.Ltmp4, $1  }
0x73: {  	_ =	sdelay $0x3  }
.LBB2_8:
.Ltmp5:
0x74: {  	(pc) =	sbr.rel @p0 .LBB2_13-.Ltmp5, $4  }
0x75: {  	_ = 	snop  }
0x76: {  	_ =	swait.ge [sflag:s20], $0x8000  }
0x77: {  	s1 =	sshll.u32 s4, $0x6;
	[sflag:s20] =	ssyncset.done $0x0  }
0x78: {  	s25 =	sor.u32 s5, s1;
	[sflag:s20] =	ssyncadd.s32 $0xFFFF8000  }
.Ltmp6:
0x79: {  	(pc) =	sbr.rel .LBB2_10-.Ltmp6, $2  }
0x7a: {  	_ =	sdelay $0x2  }
0x7b: {  	v22 =	vmov s25;
	s29 =	simm.s32 $0x2000;
	s31 =	simm.s32 $0x0;
	s1 =	smov.u32 s0  }
.LBB2_12:
0x7c: {  	s1 =	sadd.s32 $0xFFFFFFFF, s1  }
0x7d: {  	p1 =	sne.s32 s1, $0x0  }
.Ltmp7:
0x7e: {  	_ = 	snop;
	(pc) =	sbr.rel @!p1 .LBB2_13-.Ltmp7, $2  }
0x7f: {  	_ =	sdelay $0x2  }
0x80: {  	s29 =	sadd.s32 $0x10, s29;
	s31 =	sadd.s32 $0x10, s31  }
.LBB2_10:
0x81: {  	v24 =	vld [tilespmem:s29+$0x0];
	_ =	sdelay $0x4  }
0x82: {  	v23 =	vor.u32 s31, v0;
	v25 =	vshrl.u32 v24, $0xB  }
0x83: {  	vm0 =	vlt.s32 v23, v21;
	vm1 =	veq.s32 v25, v22  }
0x84: {  	vm0 =	vmand vm0, vm1  }
0x85: {  	v25 =	vsel vm0, $0x3F800000, v5  }
0x86: {  	(xrf0) =	vmax.scan.msk.f32 $0xffff, v25;
	_ =	sdelay $0x5  }
0x87: {  	v25, _, _ =	vpop (xrf0)  }
0x88: {  	(v2sf) =	vpush v25, $0xF;
	_ =	sdelay $0xe  }
0x89: {  	s2 =	spop (v2sf)  }
0x8a: {  	p1 =	sgt.f32 s2, $0.0e+00  }
.Ltmp8:
0x8b: {  	_ = 	snop;
	(pc) =	sbr.rel @!p1 .LBB2_12-.Ltmp8, $1  }
0x8c: {  	_ =	sdelay $0x3  }
0x8d: {  	v25 =	vshll.u32 v24, $0x3  }
0x8e: {  	v36 =	vand.u32 $0x7F, v24;
	v25 =	vand.u32 $0x3C00, v25  }
0x8f: {  	v24 =	vor.u32 v36, v25;
	_ =	sdelay $0x2  }
0x90: {  	v23 =	vshll.u32 v23, $0x4  }
0x91: {  	v23 =	vand.u32 $0xFFFFFF80, v23  }
0x92: {  	v26 =	vor.u32 v2, v23;
	v25 =	vld.idx.msk [tilespmem:v24+s14+$0x0], vm0  }
0x93: {  	v27 =	vor.u32 $0x80, v24;
	_ =	sdelay $0x3  }
0x94: {  	[tilespmem:v26+s22+$0x0] =	vst.idx.msk vm0, v25  }
0x95: {  	v37 =	vor.u32 v6, v23;
	v25 =	vld.idx.msk [tilespmem:v27+s14+$0x0], vm0  }
0x96: {  	v38 =	vor.u32 $0x100, v24;
	_ =	sdelay $0x3  }
0x97: {  	[tilespmem:v37+s22+$0x0] =	vst.idx.msk vm0, v25  }
0x98: {  	v39 =	vor.u32 v7, v23;
	v25 =	vld.idx.msk [tilespmem:v38+s14+$0x0], vm0  }
0x99: {  	v40 =	vor.u32 $0x180, v24;
	_ =	sdelay $0x3  }
0x9a: {  	[tilespmem:v39+s22+$0x0] =	vst.idx.msk vm0, v25  }
0x9b: {  	v41 =	vor.u32 v8, v23;
	v25 =	vld.idx.msk [tilespmem:v40+s14+$0x0], vm0  }
0x9c: {  	v42 =	vor.u32 $0x200, v24;
	_ =	sdelay $0x3  }
0x9d: {  	[tilespmem:v41+s22+$0x0] =	vst.idx.msk vm0, v25  }
0x9e: {  	v43 =	vor.u32 v9, v23;
	v25 =	vld.idx.msk [tilespmem:v42+s14+$0x0], vm0  }
0x9f: {  	v44 =	vor.u32 $0x280, v24;
	_ =	sdelay $0x3  }
0xa0: {  	[tilespmem:v43+s22+$0x0] =	vst.idx.msk vm0, v25  }
0xa1: {  	v45 =	vor.u32 v10, v23;
	v25 =	vld.idx.msk [tilespmem:v44+s14+$0x0], vm0  }
0xa2: {  	v46 =	vor.u32 $0x300, v24;
	_ =	sdelay $0x3  }
0xa3: {  	[tilespmem:v45+s22+$0x0] =	vst.idx.msk vm0, v25  }
0xa4: {  	v47 =	vor.u32 v11, v23;
	v25 =	vld.idx.msk [tilespmem:v46+s14+$0x0], vm0  }
0xa5: {  	v48 =	vor.u32 $0x380, v24;
	_ =	sdelay $0x3  }
0xa6: {  	[tilespmem:v47+s22+$0x0] =	vst.idx.msk vm0, v25  }
0xa7: {  	v49 =	vor.u32 v12, v23;
	v25 =	vld.idx.msk [tilespmem:v48+s14+$0x0], vm0  }
0xa8: {  	v50 =	vor.u32 $0x4000, v24;
	_ =	sdelay $0x3  }
0xa9: {  	[tilespmem:v49+s22+$0x0] =	vst.idx.msk vm0, v25  }
0xaa: {  	v51 =	vor.u32 v13, v23;
	v25 =	vld.idx.msk [tilespmem:v50+s14+$0x0], vm0  }
0xab: {  	v52 =	vor.u32 $0x4080, v24;
	_ =	sdelay $0x3  }
0xac: {  	[tilespmem:v51+s22+$0x0] =	vst.idx.msk vm0, v25  }
0xad: {  	v53 =	vor.u32 v14, v23;
	v25 =	vld.idx.msk [tilespmem:v52+s14+$0x0], vm0  }
0xae: {  	v54 =	vor.u32 $0x4100, v24;
	_ =	sdelay $0x3  }
0xaf: {  	[tilespmem:v53+s22+$0x0] =	vst.idx.msk vm0, v25  }
0xb0: {  	v55 =	vor.u32 v15, v23;
	v25 =	vld.idx.msk [tilespmem:v54+s14+$0x0], vm0  }
0xb1: {  	v56 =	vor.u32 $0x4180, v24;
	_ =	sdelay $0x3  }
0xb2: {  	[tilespmem:v55+s22+$0x0] =	vst.idx.msk vm0, v25  }
0xb3: {  	v57 =	vor.u32 v16, v23;
	v25 =	vld.idx.msk [tilespmem:v56+s14+$0x0], vm0  }
0xb4: {  	v58 =	vor.u32 $0x4200, v24;
	_ =	sdelay $0x3  }
0xb5: {  	[tilespmem:v57+s22+$0x0] =	vst.idx.msk vm0, v25  }
0xb6: {  	v59 =	vor.u32 v17, v23;
	v25 =	vld.idx.msk [tilespmem:v58+s14+$0x0], vm0  }
0xb7: {  	v60 =	vor.u32 $0x4280, v24;
	_ =	sdelay $0x3  }
0xb8: {  	[tilespmem:v59+s22+$0x0] =	vst.idx.msk vm0, v25  }
0xb9: {  	v61 =	vor.u32 v18, v23;
	v25 =	vld.idx.msk [tilespmem:v60+s14+$0x0], vm0  }
0xba: {  	v62 =	vor.u32 $0x4300, v24;
	_ =	sdelay $0x3  }
0xbb: {  	[tilespmem:v61+s22+$0x0] =	vst.idx.msk vm0, v25  }
0xbc: {  	v63 =	vor.u32 v19, v23;
	v25 =	vld.idx.msk [tilespmem:v62+s14+$0x0], vm0  }
0xbd: {  	v24 =	vor.u32 $0x4380, v24;
	_ =	sdelay $0x3  }
0xbe: {  	[tilespmem:v63+s22+$0x0] =	vst.idx.msk vm0, v25  }
0xbf: {  	v23 =	vor.u32 v20, v23;
	v24 =	vld.idx.msk [tilespmem:v24+s14+$0x0], vm0  }
.Ltmp9:
0xc0: {  	_ = 	snop;
	(pc) =	sbr.rel .LBB2_12-.Ltmp9, $2  }
0xc1: {  	_ =	sdelay $0x2  }
0xc2: {  	[tilespmem:v23+s22+$0x0] =	vst.idx.msk vm0, v24  }
.LBB2_13:
0xc3: {  	p1 =	sgt.u32 s25, $0x1A7  }
0xc4: {  	s1 =	sshll.u32 @!p1 s25, $0xB;
	s2 =	simm.s32 @!p1 $0x4000;
	s29 =	simm.s32 @!p1 $0x7A1400  }
0xc5: {  	s31 =	simm.s32 @!p1 $0x2900;
	s25 =	sor.u32 $0x20, s25;
	s1 =	sadd.s32 @!p1 s1, s10  }
0xc6: {  	[tilespmem:s31], [sflag:$0x1] =	stream.strided.gather @!p1 [hbm4b:s1+s2], $0x8000, s29, s2, $0x38;
	[tilespmem:$0x1D100] =	vst v63  }
0xc7: {  	p1 =	sgt.u32 s25, $0x1E7  }
.Ltmp10:
0xc8: {  	_ = 	snop;
	(pc) =	sbr.rel @p1 .LBB2_20-.Ltmp10, $1  }
0xc9: {  	_ =	sdelay $0x3  }
.Ltmp11:
0xca: {  	(pc) =	sbr.rel @p0 .LBB2_19-.Ltmp11, $4  }
0xcb: {  	_ = 	snop  }
0xcc: {  	_ =	swait.ge [sflag:s21], $0x8000  }
0xcd: {  	[sflag:s21] =	ssyncset.done $0x0  }
0xce: {  	[sflag:s21] =	ssyncadd.s32 $0xFFFF8000  }
.Ltmp12:
0xcf: {  	(pc) =	sbr.rel .LBB2_16-.Ltmp12, $2  }
0xd0: {  	_ =	sdelay $0x2  }
0xd1: {  	v22 =	vmov s25;
	s29 =	simm.s32 $0x2000;
	s31 =	simm.s32 $0x0;
	s1 =	smov.u32 s0  }
.LBB2_18:
0xd2: {  	s1 =	sadd.s32 $0xFFFFFFFF, s1  }
0xd3: {  	p1 =	sne.s32 s1, $0x0  }
.Ltmp13:
0xd4: {  	_ = 	snop;
	(pc) =	sbr.rel @!p1 .LBB2_19-.Ltmp13, $2  }
0xd5: {  	_ =	sdelay $0x2  }
0xd6: {  	s29 =	sadd.s32 $0x10, s29;
	s31 =	sadd.s32 $0x10, s31  }
.LBB2_16:
0xd7: {  	v24 =	vld [tilespmem:s29+$0x0];
	_ =	sdelay $0x4  }
0xd8: {  	v23 =	vor.u32 s31, v0;
	v25 =	vshrl.u32 v24, $0xB  }
0xd9: {  	vm0 =	vlt.s32 v23, v21;
	vm1 =	veq.s32 v25, v22  }
0xda: {  	vm0 =	vmand vm0, vm1  }
0xdb: {  	v25 =	vsel vm0, $0x3F800000, v5  }
0xdc: {  	(xrf0) =	vmax.scan.msk.f32 $0xffff, v25;
	_ =	sdelay $0x5  }
0xdd: {  	v25, _, _ =	vpop (xrf0)  }
0xde: {  	(v2sf) =	vpush v25, $0xF;
	_ =	sdelay $0xe  }
0xdf: {  	s2 =	spop (v2sf)  }
0xe0: {  	p1 =	sgt.f32 s2, $0.0e+00  }
.Ltmp14:
0xe1: {  	_ = 	snop;
	(pc) =	sbr.rel @!p1 .LBB2_18-.Ltmp14, $1  }
0xe2: {  	_ =	sdelay $0x3  }
0xe3: {  	v25 =	vshll.u32 v24, $0x3  }
0xe4: {  	v36 =	vand.u32 $0x7F, v24;
	v25 =	vand.u32 $0x3C00, v25  }
0xe5: {  	v24 =	vor.u32 v36, v25  }
0xe6: {  	v25 =	vor.u32 $0x8000, v24;
	_ =	sdelay $0x2  }
0xe7: {  	v23 =	vshll.u32 v23, $0x4  }
0xe8: {  	v23 =	vand.u32 $0xFFFFFF80, v23  }
0xe9: {  	v26 =	vor.u32 v2, v23;
	v25 =	vld.idx.msk [tilespmem:v25+s14+$0x0], vm0  }
0xea: {  	v27 =	vor.u32 $0x8080, v24;
	_ =	sdelay $0x3  }
0xeb: {  	[tilespmem:v26+s22+$0x0] =	vst.idx.msk vm0, v25  }
0xec: {  	v37 =	vor.u32 v6, v23;
	v25 =	vld.idx.msk [tilespmem:v27+s14+$0x0], vm0  }
0xed: {  	v38 =	vor.u32 $0x8100, v24;
	_ =	sdelay $0x3  }
0xee: {  	[tilespmem:v37+s22+$0x0] =	vst.idx.msk vm0, v25  }
0xef: {  	v39 =	vor.u32 v7, v23;
	v25 =	vld.idx.msk [tilespmem:v38+s14+$0x0], vm0  }
0xf0: {  	v40 =	vor.u32 $0x8180, v24;
	_ =	sdelay $0x3  }
0xf1: {  	[tilespmem:v39+s22+$0x0] =	vst.idx.msk vm0, v25  }
0xf2: {  	v41 =	vor.u32 v8, v23;
	v25 =	vld.idx.msk [tilespmem:v40+s14+$0x0], vm0  }
0xf3: {  	v42 =	vor.u32 $0x8200, v24;
	_ =	sdelay $0x3  }
0xf4: {  	[tilespmem:v41+s22+$0x0] =	vst.idx.msk vm0, v25  }
0xf5: {  	v43 =	vor.u32 v9, v23;
	v25 =	vld.idx.msk [tilespmem:v42+s14+$0x0], vm0  }
0xf6: {  	v44 =	vor.u32 $0x8280, v24;
	_ =	sdelay $0x3  }
0xf7: {  	[tilespmem:v43+s22+$0x0] =	vst.idx.msk vm0, v25  }
0xf8: {  	v45 =	vor.u32 v10, v23;
	v25 =	vld.idx.msk [tilespmem:v44+s14+$0x0], vm0  }
0xf9: {  	v46 =	vor.u32 $0x8300, v24;
	_ =	sdelay $0x3  }
0xfa: {  	[tilespmem:v45+s22+$0x0] =	vst.idx.msk vm0, v25  }
0xfb: {  	v47 =	vor.u32 v11, v23;
	v25 =	vld.idx.msk [tilespmem:v46+s14+$0x0], vm0  }
0xfc: {  	v48 =	vor.u32 $0x8380, v24;
	_ =	sdelay $0x3  }
0xfd: {  	[tilespmem:v47+s22+$0x0] =	vst.idx.msk vm0, v25  }
0xfe: {  	v49 =	vor.u32 v12, v23;
	v25 =	vld.idx.msk [tilespmem:v48+s14+$0x0], vm0  }
0xff: {  	v50 =	vor.u32 $0xC000, v24;
	_ =	sdelay $0x3  }
0x100: {  	[tilespmem:v49+s22+$0x0] =	vst.idx.msk vm0, v25  }
0x101: {  	v51 =	vor.u32 v13, v23;
	v25 =	vld.idx.msk [tilespmem:v50+s14+$0x0], vm0  }
0x102: {  	v52 =	vor.u32 $0xC080, v24;
	_ =	sdelay $0x3  }
0x103: {  	[tilespmem:v51+s22+$0x0] =	vst.idx.msk vm0, v25  }
0x104: {  	v53 =	vor.u32 v14, v23;
	v25 =	vld.idx.msk [tilespmem:v52+s14+$0x0], vm0  }
0x105: {  	v54 =	vor.u32 $0xC100, v24;
	_ =	sdelay $0x3  }
0x106: {  	[tilespmem:v53+s22+$0x0] =	vst.idx.msk vm0, v25  }
0x107: {  	v55 =	vor.u32 v15, v23;
	v25 =	vld.idx.msk [tilespmem:v54+s14+$0x0], vm0  }
0x108: {  	v56 =	vor.u32 $0xC180, v24;
	_ =	sdelay $0x3  }
0x109: {  	[tilespmem:v55+s22+$0x0] =	vst.idx.msk vm0, v25  }
0x10a: {  	v57 =	vor.u32 v16, v23;
	v25 =	vld.idx.msk [tilespmem:v56+s14+$0x0], vm0  }
0x10b: {  	v58 =	vor.u32 $0xC200, v24;
	_ =	sdelay $0x3  }
0x10c: {  	[tilespmem:v57+s22+$0x0] =	vst.idx.msk vm0, v25  }
0x10d: {  	v59 =	vor.u32 v17, v23;
	v25 =	vld.idx.msk [tilespmem:v58+s14+$0x0], vm0  }
0x10e: {  	v60 =	vor.u32 $0xC280, v24;
	_ =	sdelay $0x3  }
0x10f: {  	[tilespmem:v59+s22+$0x0] =	vst.idx.msk vm0, v25  }
0x110: {  	v61 =	vor.u32 v18, v23;
	v25 =	vld.idx.msk [tilespmem:v60+s14+$0x0], vm0  }
0x111: {  	v62 =	vor.u32 $0xC300, v24;
	_ =	sdelay $0x3  }
0x112: {  	[tilespmem:v61+s22+$0x0] =	vst.idx.msk vm0, v25  }
0x113: {  	v63 =	vor.u32 v19, v23;
	v25 =	vld.idx.msk [tilespmem:v62+s14+$0x0], vm0  }
0x114: {  	v24 =	vor.u32 $0xC380, v24;
	_ =	sdelay $0x3  }
0x115: {  	[tilespmem:v63+s22+$0x0] =	vst.idx.msk vm0, v25  }
0x116: {  	v23 =	vor.u32 v20, v23;
	v24 =	vld.idx.msk [tilespmem:v24+s14+$0x0], vm0  }
.Ltmp15:
0x117: {  	_ = 	snop;
	(pc) =	sbr.rel .LBB2_18-.Ltmp15, $2  }
0x118: {  	_ =	sdelay $0x2  }
0x119: {  	[tilespmem:v23+s22+$0x0] =	vst.idx.msk vm0, v24  }
.LBB2_21:
.Ltmp16:
0x11a: {  	(pc) =	sbr.rel @p0 .LBB2_26-.Ltmp16, $1  }
0x11b: {  	_ =	sdelay $0x3  }
.Ltmp17:
0x11c: {  	(pc) =	sbr.rel .LBB2_23-.Ltmp17, $2  }
0x11d: {  	_ =	sdelay $0x2  }
0x11e: {  	s4 =	simm.s32 $0x2000;
	s25 =	simm.s32 $0x0  }
.LBB2_25:
0x11f: {  	s0 =	sadd.s32 $0xFFFFFFFF, s0  }
0x120: {  	p0 =	sne.s32 s0, $0x0  }
.Ltmp18:
0x121: {  	_ = 	snop;
	(pc) =	sbr.rel @!p0 .LBB2_26-.Ltmp18, $2  }
0x122: {  	_ =	sdelay $0x2  }
0x123: {  	s4 =	sadd.s32 $0x10, s4;
	s25 =	sadd.s32 $0x10, s25  }
.LBB2_23:
0x124: {  	v23 =	vld [tilespmem:s4+$0x0];
	_ =	sdelay $0x4  }
0x125: {  	v22 =	vor.u32 s25, v0;
	v24 =	vand.u32 $0xFFFFF800, v23  }
0x126: {  	vm0 =	vlt.s32 v22, v21;
	vm1 =	veq.s32 v24, $0xF4000  }
0x127: {  	vm0 =	vmand vm0, vm1  }
0x128: {  	v63 =	vsel vm0, $0x3F800000, v5  }
0x129: {  	(xrf0) =	vmax.scan.msk.f32 $0xffff, v63;
	_ =	sdelay $0x5  }
0x12a: {  	v24, _, _ =	vpop (xrf0)  }
0x12b: {  	(v2sf) =	vpush v24, $0xF;
	_ =	sdelay $0xe  }
0x12c: {  	s1 =	spop (v2sf)  }
0x12d: {  	p0 =	sgt.f32 s1, $0.0e+00  }
.Ltmp19:
0x12e: {  	_ = 	snop;
	(pc) =	sbr.rel @!p0 .LBB2_25-.Ltmp19, $1  }
0x12f: {  	_ =	sdelay $0x3  }
0x130: {  	v24 =	vshll.u32 v23, $0x3  }
0x131: {  	v23 =	vand.u32 $0x7F, v23;
	v24 =	vand.u32 $0xFFFFFC00, v24  }
0x132: {  	v23 =	vor.u32 v23, v24  }
0x133: {  	v24 =	vadd.s32 $0xFF860000, v23;
	_ =	sdelay $0x2  }
0x134: {  	v22 =	vshll.u32 v22, $0x4  }
0x135: {  	v22 =	vand.u32 $0xFFFFFF80, v22  }
0x136: {  	v25 =	vor.u32 v2, v22;
	v24 =	vld.idx.msk [tilespmem:v24+s16+$0x0], vm0  }
0x137: {  	v26 =	vadd.s32 $0xFF860080, v23;
	_ =	sdelay $0x3  }
0x138: {  	[tilespmem:v25+s22+$0x0] =	vst.idx.msk vm0, v24  }
0x139: {  	v37 =	vor.u32 v6, v22;
	v24 =	vld.idx.msk [tilespmem:v26+s16+$0x0], vm0  }
0x13a: {  	v38 =	vadd.s32 $0xFF860100, v23;
	_ =	sdelay $0x3  }
0x13b: {  	[tilespmem:v37+s22+$0x0] =	vst.idx.msk vm0, v24  }
0x13c: {  	v39 =	vor.u32 v7, v22;
	v24 =	vld.idx.msk [tilespmem:v38+s16+$0x0], vm0  }
0x13d: {  	v40 =	vadd.s32 $0xFF860180, v23;
	_ =	sdelay $0x3  }
0x13e: {  	[tilespmem:v39+s22+$0x0] =	vst.idx.msk vm0, v24  }
0x13f: {  	v41 =	vor.u32 v8, v22;
	v24 =	vld.idx.msk [tilespmem:v40+s16+$0x0], vm0  }
0x140: {  	v42 =	vadd.s32 $0xFF860200, v23;
	_ =	sdelay $0x3  }
0x141: {  	[tilespmem:v41+s22+$0x0] =	vst.idx.msk vm0, v24  }
0x142: {  	v43 =	vor.u32 v9, v22;
	v24 =	vld.idx.msk [tilespmem:v42+s16+$0x0], vm0  }
0x143: {  	v44 =	vadd.s32 $0xFF860280, v23;
	_ =	sdelay $0x3  }
0x144: {  	[tilespmem:v43+s22+$0x0] =	vst.idx.msk vm0, v24  }
0x145: {  	v45 =	vor.u32 v10, v22;
	v24 =	vld.idx.msk [tilespmem:v44+s16+$0x0], vm0  }
0x146: {  	v46 =	vadd.s32 $0xFF860300, v23;
	_ =	sdelay $0x3  }
0x147: {  	[tilespmem:v45+s22+$0x0] =	vst.idx.msk vm0, v24  }
0x148: {  	v47 =	vor.u32 v11, v22;
	v24 =	vld.idx.msk [tilespmem:v46+s16+$0x0], vm0  }
0x149: {  	v48 =	vadd.s32 $0xFF860380, v23;
	_ =	sdelay $0x3  }
0x14a: {  	[tilespmem:v47+s22+$0x0] =	vst.idx.msk vm0, v24  }
0x14b: {  	v49 =	vor.u32 v12, v22;
	v24 =	vld.idx.msk [tilespmem:v48+s16+$0x0], vm0  }
0x14c: {  	v50 =	vadd.s32 $0xFF861400, v23;
	_ =	sdelay $0x3  }
0x14d: {  	[tilespmem:v49+s22+$0x0] =	vst.idx.msk vm0, v24  }
0x14e: {  	v51 =	vor.u32 v13, v22;
	v24 =	vld.idx.msk [tilespmem:v50+s16+$0x0], vm0  }
0x14f: {  	v52 =	vadd.s32 $0xFF861480, v23;
	_ =	sdelay $0x3  }
0x150: {  	[tilespmem:v51+s22+$0x0] =	vst.idx.msk vm0, v24  }
0x151: {  	v53 =	vor.u32 v14, v22;
	v24 =	vld.idx.msk [tilespmem:v52+s16+$0x0], vm0  }
0x152: {  	v54 =	vadd.s32 $0xFF861500, v23;
	_ =	sdelay $0x3  }
0x153: {  	[tilespmem:v53+s22+$0x0] =	vst.idx.msk vm0, v24  }
0x154: {  	v55 =	vor.u32 v15, v22;
	v24 =	vld.idx.msk [tilespmem:v54+s16+$0x0], vm0  }
0x155: {  	v56 =	vadd.s32 $0xFF861580, v23;
	_ =	sdelay $0x3  }
0x156: {  	[tilespmem:v55+s22+$0x0] =	vst.idx.msk vm0, v24  }
0x157: {  	v57 =	vor.u32 v16, v22;
	v24 =	vld.idx.msk [tilespmem:v56+s16+$0x0], vm0  }
0x158: {  	v58 =	vadd.s32 $0xFF861600, v23;
	_ =	sdelay $0x3  }
0x159: {  	[tilespmem:v57+s22+$0x0] =	vst.idx.msk vm0, v24  }
0x15a: {  	v59 =	vor.u32 v17, v22;
	v24 =	vld.idx.msk [tilespmem:v58+s16+$0x0], vm0  }
0x15b: {  	v60 =	vadd.s32 $0xFF861680, v23;
	_ =	sdelay $0x3  }
0x15c: {  	[tilespmem:v59+s22+$0x0] =	vst.idx.msk vm0, v24  }
0x15d: {  	v61 =	vor.u32 v18, v22;
	v24 =	vld.idx.msk [tilespmem:v60+s16+$0x0], vm0  }
0x15e: {  	v62 =	vadd.s32 $0xFF861700, v23;
	_ =	sdelay $0x3  }
0x15f: {  	[tilespmem:v61+s22+$0x0] =	vst.idx.msk vm0, v24  }
0x160: {  	v63 =	vor.u32 v19, v22;
	v24 =	vld.idx.msk [tilespmem:v62+s16+$0x0], vm0  }
0x161: {  	v23 =	vadd.s32 $0xFF861780, v23;
	_ =	sdelay $0x3  }
0x162: {  	[tilespmem:v63+s22+$0x0] =	vst.idx.msk vm0, v24  }
0x163: {  	v22 =	vor.u32 v20, v22;
	v23 =	vld.idx.msk [tilespmem:v23+s16+$0x0], vm0  }
.Ltmp20:
0x164: {  	_ = 	snop;
	(pc) =	sbr.rel .LBB2_25-.Ltmp20, $2  }
0x165: {  	_ =	sdelay $0x2  }
0x166: {  	[tilespmem:v22+s22+$0x0] =	vst.idx.msk vm0, v23  }
.LBB2_26:
0x167: {  	s0 =	simm.s32 $0x0  }
0x168: {  	s2 =	sand.u32 $0x3F0, s0  }
0x169: {  	v21 =	vld [tilespmem:s2+$0x12900];
	_ =	sdelay $0x3  }
0x16a: {  	s1 =	simm.s32 $0x10;
	s0 =	simm.s32 $0x19100  }
.LBB2_27:
0x16b: {  	s2 =	sand.u32 $0x3F0, s1;
	p0 =	sne.s32 s1, $0x3F0;
	s1 =	sadd.s32 $0x10, s1;
	[tilespmem:s0+$0x0] =	vst v21  }
.Ltmp21:
0x16c: {  	v21 =	vld [tilespmem:s2+$0x12900];
	(pc) =	sbr.rel @p0 .LBB2_27-.Ltmp21, $2  }
0x16d: {  	_ =	sdelay $0x2  }
0x16e: {  	s0 =	sadd.s32 $0x80, s0  }
0x16f: {  	[tilespmem:s0+$0x0] =	vst v21;
	(ifvalue) =	ssetifvalue $0xFFFFFFFF  }
0x170: {  	s31 =	simm.s32 $0x0;
	(ifvalue) =	ssetifvalue $0xFFFFFFFF  }
0x171: {  	[hbm4b:s6+s23] =	stream.indirect.scatter [tilespmem:s24], [sflag:$0x3], $0x80, s19, s23, $0x40b8;
	[tilespmem:$0x1D100] =	vst v63  }
0x172: {  	s2 =	sand.u32 $0x3F0, s31  }
0x173: {  	v21 =	vld [tilespmem:s2+$0x12D00];
	_ =	sdelay $0x3  }
0x174: {  	s0 =	simm.s32 $0x1B100;
	s1 =	simm.s32 $0x10  }
.LBB2_29:
0x175: {  	s2 =	sand.u32 $0x3F0, s1;
	p0 =	sne.s32 s1, $0x3F0;
	s1 =	sadd.s32 $0x10, s1;
	[tilespmem:s0+$0x0] =	vst v21  }
.Ltmp22:
0x176: {  	v21 =	vld [tilespmem:s2+$0x12D00];
	(pc) =	sbr.rel @p0 .LBB2_29-.Ltmp22, $2  }
0x177: {  	_ =	sdelay $0x2  }
0x178: {  	s0 =	sadd.s32 $0x80, s0  }
0x179: {  	[tilespmem:s0+$0x0] =	vst v21;
	(ifvalue) =	ssetifvalue $0xFFFFFFFF  }
0x17a: {  	s29 =	simm.s32 $0x24C0;
	(ifvalue) =	ssetifvalue $0xFFFFFFFF  }
0x17b: {  	[hbm4b:s6+s23] =	stream.indirect.scatter [tilespmem:s26], [sflag:$0x4], $0x80, s29, s23, $0x40b8;
	[tilespmem:$0x1D100] =	vst v63  }
0x17c: {  	_ =	swait.ge [sflag:s28], $0x2000  }
0x17d: {  	s31 =	simm.s32 $0x0;
	[sflag:s28] =	ssyncset.done $0x0  }
0x17e: {  	s2 =	sand.u32 $0x3F0, s31;
	[sflag:s28] =	ssyncadd.s32 $0xFFFFE000  }
0x17f: {  	v21 =	vld [tilespmem:s2+$0x13100];
	_ =	sdelay $0x3  }
0x180: {  	s0 =	simm.s32 $0x19100;
	s1 =	simm.s32 $0x10  }
.LBB2_31:
0x181: {  	s2 =	sand.u32 $0x3F0, s1;
	p0 =	sne.s32 s1, $0x3F0;
	s1 =	sadd.s32 $0x10, s1;
	[tilespmem:s0+$0x0] =	vst v21  }
.Ltmp23:
0x182: {  	v21 =	vld [tilespmem:s2+$0x13100];
	(pc) =	sbr.rel @p0 .LBB2_31-.Ltmp23, $2  }
0x183: {  	_ =	sdelay $0x2  }
0x184: {  	s0 =	sadd.s32 $0x80, s0  }
0x185: {  	[tilespmem:s0+$0x0] =	vst v21;
	(ifvalue) =	ssetifvalue $0xFFFFFFFF  }
0x186: {  	s29 =	simm.s32 $0x2500;
	(ifvalue) =	ssetifvalue $0xFFFFFFFF  }
0x187: {  	[hbm4b:s6+s23] =	stream.indirect.scatter [tilespmem:s24], [sflag:$0x3], $0x80, s29, s23, $0x40b8;
	[tilespmem:$0x1D100] =	vst v63  }
0x188: {  	_ =	swait.ge [sflag:s30], $0x2000  }
0x189: {  	s31 =	simm.s32 $0x0;
	[sflag:s30] =	ssyncset.done $0x0  }
0x18a: {  	s2 =	sand.u32 $0x3F0, s31;
	[sflag:s30] =	ssyncadd.s32 $0xFFFFE000  }
0x18b: {  	v21 =	vld [tilespmem:s2+$0x13500];
	_ =	sdelay $0x3  }
0x18c: {  	s0 =	simm.s32 $0x1B100;
	s1 =	simm.s32 $0x10  }
.LBB2_33:
0x18d: {  	s2 =	sand.u32 $0x3F0, s1;
	p0 =	sne.s32 s1, $0x3F0;
	s1 =	sadd.s32 $0x10, s1;
	[tilespmem:s0+$0x0] =	vst v21  }
.Ltmp24:
0x18e: {  	v21 =	vld [tilespmem:s2+$0x13500];
	(pc) =	sbr.rel @p0 .LBB2_33-.Ltmp24, $2  }
0x18f: {  	_ =	sdelay $0x2  }
0x190: {  	s0 =	sadd.s32 $0x80, s0  }
0x191: {  	[tilespmem:s0+$0x0] =	vst v21;
	(ifvalue) =	ssetifvalue $0xFFFFFFFF  }
0x192: {  	s29 =	simm.s32 $0x2540;
	(ifvalue) =	ssetifvalue $0xFFFFFFFF  }
0x193: {  	[hbm4b:s6+s23] =	stream.indirect.scatter [tilespmem:s26], [sflag:$0x4], $0x80, s29, s23, $0x40b8;
	[tilespmem:$0x1D100] =	vst v63  }
0x194: {  	_ =	swait.ge [sflag:s28], $0x2000  }
0x195: {  	s31 =	simm.s32 $0x0;
	[sflag:s28] =	ssyncset.done $0x0  }
0x196: {  	s2 =	sand.u32 $0x3F0, s31;
	[sflag:s28] =	ssyncadd.s32 $0xFFFFE000  }
0x197: {  	v21 =	vld [tilespmem:s2+$0x13900];
	_ =	sdelay $0x3  }
0x198: {  	s0 =	simm.s32 $0x19100;
	s1 =	simm.s32 $0x10  }
.LBB2_35:
0x199: {  	s2 =	sand.u32 $0x3F0, s1;
	p0 =	sne.s32 s1, $0x3F0;
	s1 =	sadd.s32 $0x10, s1;
	[tilespmem:s0+$0x0] =	vst v21  }
.Ltmp25:
0x19a: {  	v21 =	vld [tilespmem:s2+$0x13900];
	(pc) =	sbr.rel @p0 .LBB2_35-.Ltmp25, $2  }
0x19b: {  	_ =	sdelay $0x2  }
0x19c: {  	s0 =	sadd.s32 $0x80, s0  }
0x19d: {  	[tilespmem:s0+$0x0] =	vst v21;
	(ifvalue) =	ssetifvalue $0xFFFFFFFF  }
0x19e: {  	s29 =	simm.s32 $0x2580;
	(ifvalue) =	ssetifvalue $0xFFFFFFFF  }
0x19f: {  	[hbm4b:s6+s23] =	stream.indirect.scatter [tilespmem:s24], [sflag:$0x3], $0x80, s29, s23, $0x40b8;
	[tilespmem:$0x1D100] =	vst v63  }
0x1a0: {  	_ =	swait.ge [sflag:s30], $0x2000  }
0x1a1: {  	s31 =	simm.s32 $0x0;
	[sflag:s30] =	ssyncset.done $0x0  }
0x1a2: {  	s2 =	sand.u32 $0x3F0, s31;
	[sflag:s30] =	ssyncadd.s32 $0xFFFFE000  }
0x1a3: {  	v21 =	vld [tilespmem:s2+$0x13D00];
	_ =	sdelay $0x3  }
0x1a4: {  	s0 =	simm.s32 $0x1B100;
	s1 =	simm.s32 $0x10  }
.LBB2_37:
0x1a5: {  	s2 =	sand.u32 $0x3F0, s1;
	p0 =	sne.s32 s1, $0x3F0;
	s1 =	sadd.s32 $0x10, s1;
	[tilespmem:s0+$0x0] =	vst v21  }
.Ltmp26:
0x1a6: {  	v21 =	vld [tilespmem:s2+$0x13D00];
	(pc) =	sbr.rel @p0 .LBB2_37-.Ltmp26, $2  }
0x1a7: {  	_ =	sdelay $0x2  }
0x1a8: {  	s0 =	sadd.s32 $0x80, s0  }
0x1a9: {  	[tilespmem:s0+$0x0] =	vst v21;
	(ifvalue) =	ssetifvalue $0xFFFFFFFF  }
0x1aa: {  	s29 =	simm.s32 $0x25C0;
	(ifvalue) =	ssetifvalue $0xFFFFFFFF  }
0x1ab: {  	[hbm4b:s6+s23] =	stream.indirect.scatter [tilespmem:s26], [sflag:$0x4], $0x80, s29, s23, $0x40b8;
	[tilespmem:$0x1D100] =	vst v63  }
0x1ac: {  	_ =	swait.ge [sflag:s28], $0x2000  }
0x1ad: {  	s31 =	simm.s32 $0x0;
	[sflag:s28] =	ssyncset.done $0x0  }
0x1ae: {  	s2 =	sand.u32 $0x3F0, s31;
	[sflag:s28] =	ssyncadd.s32 $0xFFFFE000  }
0x1af: {  	v21 =	vld [tilespmem:s2+$0x14100];
	_ =	sdelay $0x3  }
0x1b0: {  	s0 =	simm.s32 $0x19100;
	s1 =	simm.s32 $0x10  }
.LBB2_39:
0x1b1: {  	s2 =	sand.u32 $0x3F0, s1;
	p0 =	sne.s32 s1, $0x3F0;
	s1 =	sadd.s32 $0x10, s1;
	[tilespmem:s0+$0x0] =	vst v21  }
.Ltmp27:
0x1b2: {  	v21 =	vld [tilespmem:s2+$0x14100];
	(pc) =	sbr.rel @p0 .LBB2_39-.Ltmp27, $2  }
0x1b3: {  	_ =	sdelay $0x2  }
0x1b4: {  	s0 =	sadd.s32 $0x80, s0  }
0x1b5: {  	[tilespmem:s0+$0x0] =	vst v21;
	(ifvalue) =	ssetifvalue $0xFFFFFFFF  }
0x1b6: {  	s29 =	simm.s32 $0x2600;
	(ifvalue) =	ssetifvalue $0xFFFFFFFF  }
0x1b7: {  	[hbm4b:s6+s23] =	stream.indirect.scatter [tilespmem:s24], [sflag:$0x3], $0x80, s29, s23, $0x40b8;
	[tilespmem:$0x1D100] =	vst v63  }
0x1b8: {  	_ =	swait.ge [sflag:s30], $0x2000  }
0x1b9: {  	s31 =	simm.s32 $0x0;
	[sflag:s30] =	ssyncset.done $0x0  }
0x1ba: {  	s2 =	sand.u32 $0x3F0, s31;
	[sflag:s30] =	ssyncadd.s32 $0xFFFFE000  }
0x1bb: {  	v21 =	vld [tilespmem:s2+$0x14500];
	_ =	sdelay $0x3  }
0x1bc: {  	s0 =	simm.s32 $0x1B100;
	s1 =	simm.s32 $0x10  }
.LBB2_41:
0x1bd: {  	s2 =	sand.u32 $0x3F0, s1;
	p0 =	sne.s32 s1, $0x3F0;
	s1 =	sadd.s32 $0x10, s1;
	[tilespmem:s0+$0x0] =	vst v21  }
.Ltmp28:
0x1be: {  	v21 =	vld [tilespmem:s2+$0x14500];
	(pc) =	sbr.rel @p0 .LBB2_41-.Ltmp28, $2  }
0x1bf: {  	_ =	sdelay $0x2  }
0x1c0: {  	s0 =	sadd.s32 $0x80, s0  }
0x1c1: {  	[tilespmem:s0+$0x0] =	vst v21;
	(ifvalue) =	ssetifvalue $0xFFFFFFFF  }
0x1c2: {  	s29 =	simm.s32 $0x2640;
	(ifvalue) =	ssetifvalue $0xFFFFFFFF  }
0x1c3: {  	[hbm4b:s6+s23] =	stream.indirect.scatter [tilespmem:s26], [sflag:$0x4], $0x80, s29, s23, $0x40b8;
	[tilespmem:$0x1D100] =	vst v63  }
0x1c4: {  	_ =	swait.ge [sflag:s28], $0x2000  }
0x1c5: {  	s31 =	simm.s32 $0x0;
	[sflag:s28] =	ssyncset.done $0x0  }
0x1c6: {  	s2 =	sand.u32 $0x3F0, s31;
	[sflag:s28] =	ssyncadd.s32 $0xFFFFE000  }
0x1c7: {  	v21 =	vld [tilespmem:s2+$0x14900];
	_ =	sdelay $0x3  }
0x1c8: {  	s0 =	simm.s32 $0x19100;
	s1 =	simm.s32 $0x10  }
.LBB2_43:
0x1c9: {  	s2 =	sand.u32 $0x3F0, s1;
	p0 =	sne.s32 s1, $0x3F0;
	s1 =	sadd.s32 $0x10, s1;
	[tilespmem:s0+$0x0] =	vst v21  }
.Ltmp29:
0x1ca: {  	v21 =	vld [tilespmem:s2+$0x14900];
	(pc) =	sbr.rel @p0 .LBB2_43-.Ltmp29, $2  }
0x1cb: {  	_ =	sdelay $0x2  }
0x1cc: {  	s0 =	sadd.s32 $0x80, s0  }
0x1cd: {  	[tilespmem:s0+$0x0] =	vst v21;
	(ifvalue) =	ssetifvalue $0xFFFFFFFF  }
0x1ce: {  	s29 =	simm.s32 $0x2680;
	(ifvalue) =	ssetifvalue $0xFFFFFFFF  }
0x1cf: {  	[hbm4b:s6+s23] =	stream.indirect.scatter [tilespmem:s24], [sflag:$0x3], $0x80, s29, s23, $0x40b8;
	[tilespmem:$0x1D100] =	vst v63  }
0x1d0: {  	_ =	swait.ge [sflag:s30], $0x2000  }
0x1d1: {  	s31 =	simm.s32 $0x0;
	[sflag:s30] =	ssyncset.done $0x0  }
0x1d2: {  	s2 =	sand.u32 $0x3F0, s31;
	[sflag:s30] =	ssyncadd.s32 $0xFFFFE000  }
0x1d3: {  	v21 =	vld [tilespmem:s2+$0x14D00];
	_ =	sdelay $0x3  }
0x1d4: {  	s0 =	simm.s32 $0x1B100;
	s1 =	simm.s32 $0x10  }
.LBB2_45:
0x1d5: {  	s2 =	sand.u32 $0x3F0, s1;
	p0 =	sne.s32 s1, $0x3F0;
	s1 =	sadd.s32 $0x10, s1;
	[tilespmem:s0+$0x0] =	vst v21  }
.Ltmp30:
0x1d6: {  	v21 =	vld [tilespmem:s2+$0x14D00];
	(pc) =	sbr.rel @p0 .LBB2_45-.Ltmp30, $2  }
0x1d7: {  	_ =	sdelay $0x2  }
0x1d8: {  	s0 =	sadd.s32 $0x80, s0  }
0x1d9: {  	[tilespmem:s0+$0x0] =	vst v21;
	(ifvalue) =	ssetifvalue $0xFFFFFFFF  }
0x1da: {  	s29 =	simm.s32 $0x26C0;
	(ifvalue) =	ssetifvalue $0xFFFFFFFF  }
0x1db: {  	[hbm4b:s6+s23] =	stream.indirect.scatter [tilespmem:s26], [sflag:$0x4], $0x80, s29, s23, $0x40b8;
	[tilespmem:$0x1D100] =	vst v63  }
0x1dc: {  	_ =	swait.ge [sflag:s28], $0x2000  }
0x1dd: {  	s31 =	simm.s32 $0x0;
	[sflag:s28] =	ssyncset.done $0x0  }
0x1de: {  	s2 =	sand.u32 $0x3F0, s31;
	[sflag:s28] =	ssyncadd.s32 $0xFFFFE000  }
0x1df: {  	v21 =	vld [tilespmem:s2+$0x15100];
	_ =	sdelay $0x3  }
0x1e0: {  	s0 =	simm.s32 $0x19100;
	s1 =	simm.s32 $0x10  }
.LBB2_47:
0x1e1: {  	s2 =	sand.u32 $0x3F0, s1;
	p0 =	sne.s32 s1, $0x3F0;
	s1 =	sadd.s32 $0x10, s1;
	[tilespmem:s0+$0x0] =	vst v21  }
.Ltmp31:
0x1e2: {  	v21 =	vld [tilespmem:s2+$0x15100];
	(pc) =	sbr.rel @p0 .LBB2_47-.Ltmp31, $2  }
0x1e3: {  	_ =	sdelay $0x2  }
0x1e4: {  	s0 =	sadd.s32 $0x80, s0  }
0x1e5: {  	[tilespmem:s0+$0x0] =	vst v21;
	(ifvalue) =	ssetifvalue $0xFFFFFFFF  }
0x1e6: {  	s29 =	simm.s32 $0x2700;
	(ifvalue) =	ssetifvalue $0xFFFFFFFF  }
0x1e7: {  	[hbm4b:s6+s23] =	stream.indirect.scatter [tilespmem:s24], [sflag:$0x3], $0x80, s29, s23, $0x40b8;
	[tilespmem:$0x1D100] =	vst v63  }
0x1e8: {  	_ =	swait.ge [sflag:s30], $0x2000  }
0x1e9: {  	s31 =	simm.s32 $0x0;
	[sflag:s30] =	ssyncset.done $0x0  }
0x1ea: {  	s2 =	sand.u32 $0x3F0, s31;
	[sflag:s30] =	ssyncadd.s32 $0xFFFFE000  }
0x1eb: {  	v21 =	vld [tilespmem:s2+$0x15500];
	_ =	sdelay $0x3  }
0x1ec: {  	s0 =	simm.s32 $0x1B100;
	s1 =	simm.s32 $0x10  }
.LBB2_49:
0x1ed: {  	s2 =	sand.u32 $0x3F0, s1;
	p0 =	sne.s32 s1, $0x3F0;
	s1 =	sadd.s32 $0x10, s1;
	[tilespmem:s0+$0x0] =	vst v21  }
.Ltmp32:
0x1ee: {  	v21 =	vld [tilespmem:s2+$0x15500];
	(pc) =	sbr.rel @p0 .LBB2_49-.Ltmp32, $2  }
0x1ef: {  	_ =	sdelay $0x2  }
0x1f0: {  	s0 =	sadd.s32 $0x80, s0  }
0x1f1: {  	[tilespmem:s0+$0x0] =	vst v21;
	(ifvalue) =	ssetifvalue $0xFFFFFFFF  }
0x1f2: {  	s29 =	simm.s32 $0x2740;
	(ifvalue) =	ssetifvalue $0xFFFFFFFF  }
0x1f3: {  	[hbm4b:s6+s23] =	stream.indirect.scatter [tilespmem:s26], [sflag:$0x4], $0x80, s29, s23, $0x40b8;
	[tilespmem:$0x1D100] =	vst v63  }
0x1f4: {  	_ =	swait.ge [sflag:s28], $0x2000  }
0x1f5: {  	s31 =	simm.s32 $0x0;
	[sflag:s28] =	ssyncset.done $0x0  }
0x1f6: {  	s2 =	sand.u32 $0x3F0, s31;
	[sflag:s28] =	ssyncadd.s32 $0xFFFFE000  }
0x1f7: {  	v21 =	vld [tilespmem:s2+$0x15900];
	_ =	sdelay $0x3  }
0x1f8: {  	s0 =	simm.s32 $0x19100;
	s1 =	simm.s32 $0x10  }
.LBB2_51:
0x1f9: {  	s2 =	sand.u32 $0x3F0, s1;
	p0 =	sne.s32 s1, $0x3F0;
	s1 =	sadd.s32 $0x10, s1;
	[tilespmem:s0+$0x0] =	vst v21  }
.Ltmp33:
0x1fa: {  	v21 =	vld [tilespmem:s2+$0x15900];
	(pc) =	sbr.rel @p0 .LBB2_51-.Ltmp33, $2  }
0x1fb: {  	_ =	sdelay $0x2  }
0x1fc: {  	s0 =	sadd.s32 $0x80, s0  }
0x1fd: {  	[tilespmem:s0+$0x0] =	vst v21;
	(ifvalue) =	ssetifvalue $0xFFFFFFFF  }
0x1fe: {  	s29 =	simm.s32 $0x2780;
	(ifvalue) =	ssetifvalue $0xFFFFFFFF  }
0x1ff: {  	[hbm4b:s6+s23] =	stream.indirect.scatter [tilespmem:s24], [sflag:$0x3], $0x80, s29, s23, $0x40b8;
	[tilespmem:$0x1D100] =	vst v63  }
0x200: {  	_ =	swait.ge [sflag:s30], $0x2000  }
0x201: {  	s31 =	simm.s32 $0x0;
	[sflag:s30] =	ssyncset.done $0x0  }
0x202: {  	s2 =	sand.u32 $0x3F0, s31;
	[sflag:s30] =	ssyncadd.s32 $0xFFFFE000  }
0x203: {  	v21 =	vld [tilespmem:s2+$0x15D00];
	_ =	sdelay $0x3  }
0x204: {  	s0 =	simm.s32 $0x1B100;
	s1 =	simm.s32 $0x10  }
.LBB2_53:
0x205: {  	s2 =	sand.u32 $0x3F0, s1;
	p0 =	sne.s32 s1, $0x3F0;
	s1 =	sadd.s32 $0x10, s1;
	[tilespmem:s0+$0x0] =	vst v21  }
.Ltmp34:
0x206: {  	v21 =	vld [tilespmem:s2+$0x15D00];
	(pc) =	sbr.rel @p0 .LBB2_53-.Ltmp34, $2  }
0x207: {  	_ =	sdelay $0x2  }
0x208: {  	s0 =	sadd.s32 $0x80, s0  }
0x209: {  	[tilespmem:s0+$0x0] =	vst v21;
	(ifvalue) =	ssetifvalue $0xFFFFFFFF  }
0x20a: {  	s29 =	simm.s32 $0x27C0;
	(ifvalue) =	ssetifvalue $0xFFFFFFFF  }
0x20b: {  	[hbm4b:s6+s23] =	stream.indirect.scatter [tilespmem:s26], [sflag:$0x4], $0x80, s29, s23, $0x40b8;
	[tilespmem:$0x1D100] =	vst v63  }
0x20c: {  	_ =	swait.ge [sflag:s28], $0x2000  }
0x20d: {  	s31 =	simm.s32 $0x0;
	[sflag:s28] =	ssyncset.done $0x0  }
0x20e: {  	s2 =	sand.u32 $0x3F0, s31;
	[sflag:s28] =	ssyncadd.s32 $0xFFFFE000  }
0x20f: {  	v21 =	vld [tilespmem:s2+$0x16100];
	_ =	sdelay $0x3  }
0x210: {  	s0 =	simm.s32 $0x19100;
	s1 =	simm.s32 $0x10  }
.LBB2_55:
0x211: {  	s2 =	sand.u32 $0x3F0, s1;
	p0 =	sne.s32 s1, $0x3F0;
	s1 =	sadd.s32 $0x10, s1;
	[tilespmem:s0+$0x0] =	vst v21  }
.Ltmp35:
0x212: {  	v21 =	vld [tilespmem:s2+$0x16100];
	(pc) =	sbr.rel @p0 .LBB2_55-.Ltmp35, $2  }
0x213: {  	_ =	sdelay $0x2  }
0x214: {  	s0 =	sadd.s32 $0x80, s0  }
0x215: {  	[tilespmem:s0+$0x0] =	vst v21;
	(ifvalue) =	ssetifvalue $0xFFFFFFFF  }
0x216: {  	s29 =	simm.s32 $0x2800;
	(ifvalue) =	ssetifvalue $0xFFFFFFFF  }
0x217: {  	[hbm4b:s6+s23] =	stream.indirect.scatter [tilespmem:s24], [sflag:$0x3], $0x80, s29, s23, $0x40b8;
	[tilespmem:$0x1D100] =	vst v63  }
0x218: {  	_ =	swait.ge [sflag:s30], $0x2000  }
0x219: {  	s31 =	simm.s32 $0x0;
	[sflag:s30] =	ssyncset.done $0x0  }
0x21a: {  	s2 =	sand.u32 $0x3F0, s31;
	[sflag:s30] =	ssyncadd.s32 $0xFFFFE000  }
0x21b: {  	v21 =	vld [tilespmem:s2+$0x16500];
	_ =	sdelay $0x3  }
0x21c: {  	s0 =	simm.s32 $0x1B100;
	s1 =	simm.s32 $0x10  }
.LBB2_57:
0x21d: {  	s2 =	sand.u32 $0x3F0, s1;
	p0 =	sne.s32 s1, $0x3F0;
	s1 =	sadd.s32 $0x10, s1;
	[tilespmem:s0+$0x0] =	vst v21  }
.Ltmp36:
0x21e: {  	v21 =	vld [tilespmem:s2+$0x16500];
	(pc) =	sbr.rel @p0 .LBB2_57-.Ltmp36, $2  }
0x21f: {  	_ =	sdelay $0x2  }
0x220: {  	s0 =	sadd.s32 $0x80, s0  }
0x221: {  	[tilespmem:s0+$0x0] =	vst v21;
	(ifvalue) =	ssetifvalue $0xFFFFFFFF  }
0x222: {  	s15 =	sadd.s32 $0x1, s15;
	(ifvalue) =	ssetifvalue $0xFFFFFFFF  }
0x223: {  	[hbm4b:s6+s23] =	stream.indirect.scatter [tilespmem:s26], [sflag:$0x4], $0x80, s3, s23, $0x40b8;
	[tilespmem:$0x1D100] =	vst v63  }
0x224: {  	p0 =	sne.s32 s15, s11;
	_ =	swait.ge [sflag:s28], $0x2000  }
.Ltmp37:
0x225: {  	[sflag:s28] =	ssyncset.done $0x0;
	(pc) =	sbr.rel @p0 .LBB2_1-.Ltmp37, $4  }
0x226: {  	[sflag:s28] =	ssyncadd.s32 $0xFFFFE000  }
0x227: {  	_ =	swait.ge [sflag:s30], $0x2000  }
0x228: {  	[sflag:s30] =	ssyncset.done $0x0  }
0x229: {  	[sflag:s30] =	ssyncadd.s32 $0xFFFFE000  }
0x22a: {  	_ =	sfence.sel $0x180000  }
0x22b: {  	[bflag:$0x0] =	sbarrier.arrive $0xFFFF  }
0x22c: {  	_ =	strace $0x90000047  }
0x22d: {  	s0 =	stileid.u32;
	[bflag:$0x2] =	sbarrier.arrive $0xFFFF  }
0x22e: {  	p0 =	sne.s32 s0, $0x0;
	s0 =	rddreg [dreg:$0x4]  }
0x22f: {  	s0 =	sadd.s32 @!p0 $0x100000, s0  }
0x230: {  	[sflag:s0] =	ssyncadd.tile.s32 @!p0 $0x1;
	_ =	shalt  }
.Lfunc_end2:
_tile_overlayer_lowered:
.L_overlay_start_2:
0x231: {  	(tag) =	ssettag $0x2  }
0x232: {  	s0 =	rddreg [dreg:$0x0];
	s2 =	stileid.u32  }
0x233: {  	s1 =	rddreg [dreg:$0x1];
	p0 =	sne.s32 s2, $0x0  }
0x234: {  	s3 =	rddreg [dreg:$0x2];
	[bflag:$0x3] =	sbarrier.arrive $0xFFFF;
	s2 =	simm.s32 @!p0 $0x1C06  }
0x235: {  	[timem:s3], [sflag:s2] =	dma.local @!p0 [hbm:s0], s1  }
0x236: {  	s0 =	simm.s32 @!p0 $0x6  }
0x237: {  	_ =	swait.ge @!p0 [sflag:s0], s1  }
0x238: {  	s1 =	ssub.s32 @!p0 $0x0, s1;
	[sflag:s0] =	ssyncset.done @!p0 $0x0  }
0x239: {  	[sflag:s0] =	ssyncadd.s32 @!p0 s1  }
0x23a: {  	[bflag:$0x3] =	sbarrier.arrive $0xFFFF  }
0x23b: {  	_ =	shalt  }

</sc_bundles>
